<compile_context>
chip_gen: v7x
topology: tpu7x:2x2x1
jax: 0.10.2.dev20260603
libtpu: 0.0.44.dev20260713+nightly
codegen_flags: <defaults>
</compile_context>

<pallas_src>
import functools

import jax
import jax.numpy as jnp
from jax import lax
from jax.experimental import pallas as pl
from jax.experimental.pallas import tpu as pltpu
from jax.experimental.pallas import tpu_sc as plsc

BATCH = 4096
HIST = 50
DIM = 64
TOTAL = BATCH * HIST
NW = 32
PER_W = TOTAL // NW
ROWS_W = PER_W // HIST
CHUNK_B = 8
CHUNK = CHUNK_B * HIST
GSZ = 80
NG = CHUNK // GSZ
NCHUNK = PER_W // CHUNK
GROUPS = CHUNK // 16

_mesh = plsc.VectorSubcoreMesh(core_axis_name="c", subcore_axis_name="s")


@functools.partial(
    pl.kernel,
    out_type=jax.ShapeDtypeStruct((BATCH, HIST, DIM), jnp.float32),
    mesh=_mesh,
    compiler_params=pltpu.CompilerParams(
        needs_layout_passes=False, use_tc_tiling_on_sc=False),
    scratch_types=[
        pltpu.VMEM((PER_W,), jnp.int32),
        pltpu.VMEM((CHUNK, DIM), jnp.uint8),
        pltpu.VMEM((CHUNK,), jnp.float32),
        pltpu.VMEM((CHUNK,), jnp.float32),
        pltpu.VMEM((CHUNK, DIM), jnp.float32),
        pltpu.SemaphoreType.DMA,
        pltpu.SemaphoreType.DMA,
        pltpu.SemaphoreType.DMA,
        pltpu.SemaphoreType.DMA,
    ],
)
def _emb_lookup(tbl, idx_hbm, sc_hbm, zp_hbm, out_hbm,
                idx_v, rows_v, s_v, zp_v, out_v, sem_r, sem_s, sem_z, sem_o):
    wid = lax.axis_index("s") * 2 + lax.axis_index("c")
    base = wid * PER_W
    pltpu.sync_copy(idx_hbm.at[pl.ds(base, PER_W)], idx_v)

    lanes = lax.iota(jnp.int32, 16)
    scat_idx = [lanes * 4 + k for k in range(4)]

    def chunk_body(c, carry):
        off = pl.multiple_of(c * CHUNK, CHUNK)
        for g in range(NG):
            idx_sl = idx_v.at[pl.ds(off + g * GSZ, GSZ)]
            pltpu.async_copy(tbl.at[idx_sl], rows_v.at[pl.ds(g * GSZ, GSZ)],
                             sem_r)
            pltpu.async_copy(sc_hbm.at[idx_sl], s_v.at[pl.ds(g * GSZ, GSZ)],
                             sem_s)
            pltpu.async_copy(zp_hbm.at[idx_sl], zp_v.at[pl.ds(g * GSZ, GSZ)],
                             sem_z)
        pltpu.make_async_copy(tbl.at[idx_v.at[pl.ds(off, CHUNK)]], rows_v,
                              sem_r).wait()
        pltpu.make_async_copy(sc_hbm.at[idx_v.at[pl.ds(off, CHUNK)]], s_v,
                              sem_s).wait()
        pltpu.make_async_copy(zp_hbm.at[idx_v.at[pl.ds(off, CHUNK)]], zp_v,
                              sem_z).wait()

        def group_body(g, carry2):
            rbase = g * 16
            for j in range(16):
                r = rbase + j
                ridx = jnp.full((16,), r, jnp.int32)
                w = plsc.bitcast(rows_v[r, :], jnp.int32)
                sb = plsc.load_gather(s_v, [ridx])
                zb = plsc.load_gather(zp_v, [ridx])
                zs = zb * sb
                for k in range(4):
                    if k == 0:
                        b = w & 0xFF
                    elif k == 3:
                        b = lax.shift_right_logical(w, 24)
                    else:
                        b = (w >> (8 * k)) & 0xFF
                    v = b.astype(jnp.float32) * sb - zs
                    plsc.store_scatter(out_v, [ridx, scat_idx[k]], v)
            return carry2

        lax.fori_loop(0, GROUPS, group_body, 0)
        brow = wid * ROWS_W + c * CHUNK_B
        for b in range(CHUNK_B):
            pltpu.async_copy(out_v.at[pl.ds(b * HIST, HIST)],
                             out_hbm.at[brow + b], sem_o)
        for b in range(CHUNK_B):
            pltpu.make_async_copy(out_v.at[pl.ds(b * HIST, HIST)],
                                  out_hbm.at[brow + b], sem_o).wait()
        return carry

    lax.fori_loop(0, NCHUNK, chunk_body, 0)


def kernel(indices, qweight, scales, zero_points):
    b, h = indices.shape
    idx_flat = indices.reshape(b * h)
    return _emb_lookup(qweight, idx_flat, scales, zero_points)

# --- scband reference (transcript-rebuilt; emitter-appended) ---
"""Pipeline reference for scband-embedding-26173530702226 (READ-ONLY COPY).

The authoritative reference and input builder live on the scoring server;
editing this copy changes nothing except your own understanding.
"""

import jax, jax.numpy as jnp
import numpy as np

NUM_EMBEDDINGS = 1000000
EMBEDDING_DIM = 64
BATCH = 4096
HIST = 50


def setup_inputs(seed: int = 0) -> dict:
    key = jax.random.key(seed)
    k1, k2, k3, k4 = jax.random.split(key, 4)
    indices = jax.random.randint(k1, (BATCH, HIST), 0, NUM_EMBEDDINGS, dtype=jnp.int32)
    # Quantized (quint8) weight table stored as uint8 with per-row float qparams
    qweight = jax.random.randint(k2, (NUM_EMBEDDINGS, EMBEDDING_DIM), 0, 256, dtype=jnp.int32).astype(jnp.uint8)
    scales = jax.random.uniform(k3, (NUM_EMBEDDINGS,), minval=0.001, maxval=0.1, dtype=jnp.float32)
    zero_points = jax.random.uniform(k4, (NUM_EMBEDDINGS,), minval=0.0, maxval=128.0, dtype=jnp.float32)
    return {"indices": indices, "qweight": qweight, "scales": scales, "zero_points": zero_points}


def reference(indices, qweight, scales, zero_points):
    # torch.ops.quantized.embedding_byte: gather quantized rows and dequantize
    # with per-channel (per-row) float qparams: w = scale * (q - zero_point)
    q = jnp.take(qweight, indices, axis=0).astype(jnp.float32)
    s = jnp.take(scales, indices, axis=0)[..., None]
    zp = jnp.take(zero_points, indices, axis=0)[..., None]
    return (q - zp) * s

if __name__ == "__main__":
    import jax
    _d = setup_inputs()
    print(jax.jit(kernel)(*tuple(_d.values())))

</pallas_src>

<mosaic_0001>
#map = affine_map<(d0, d1) -> (0, 0)>
#map1 = affine_map<(d0, d1) -> (0)>
#map2 = affine_map<(d0, d1) -> (0, 0, 0)>
module attributes {stable_mosaic.version = 14 : i64} {
  func.func @_emb_lookup(%arg0: i32, %arg1: i32, %arg2: memref<1000000x64xi8, #tpu.memory_space<hbm>>, %arg3: memref<204800xi32, #tpu.memory_space<hbm>>, %arg4: memref<1000000xf32, #tpu.memory_space<hbm>>, %arg5: memref<1000000xf32, #tpu.memory_space<hbm>>, %arg6: memref<4096x50x64xf32, #tpu.memory_space<hbm>>, %arg7: memref<6400xi32, #tpu.memory_space<vmem>>, %arg8: memref<400x64xi8, #tpu.memory_space<vmem>>, %arg9: memref<400xf32, #tpu.memory_space<vmem>>, %arg10: memref<400xf32, #tpu.memory_space<vmem>>, %arg11: memref<400x64xf32, #tpu.memory_space<vmem>>, %arg12: memref<!tpu.dma_semaphore, #tpu.memory_space<semaphore_mem>>, %arg13: memref<!tpu.dma_semaphore, #tpu.memory_space<semaphore_mem>>, %arg14: memref<!tpu.dma_semaphore, #tpu.memory_space<semaphore_mem>>, %arg15: memref<!tpu.dma_semaphore, #tpu.memory_space<semaphore_mem>>) attributes {dimension_semantics = [#tpu.dimension_semantics<core_parallel>, #tpu.dimension_semantics<subcore_parallel>], iteration_bounds = array<i64: 2, 16>, scalar_prefetch = 0 : i64, scratch_operands = 9 : i64, tpu.core_type = #tpu.core_type<sc_vector_subcore>, window_params = [{transform_indices = #map}, {transform_indices = #map1}, {transform_indices = #map1}, {transform_indices = #map1}, {transform_indices = #map2}]} {
    %mul3A = arith.constant 2 : i32
    %mul3A_0 = arith.muli %arg1, %mul3A : i32
    %add3A = arith.addi %mul3A_0, %arg0 : i32
    %mul3A_1 = arith.constant 6400 : i32
    %mul3A_2 = arith.muli %add3A, %mul3A_1 : i32
    "tpu.region"() ({
      %run_scoped3A = tpu.sem_alloc : memref<!tpu.dma_semaphore, #tpu.memory_space<semaphore_mem>>
      %dma_start3A = tpu.memref_slice %arg3[%mul3A_2] : memref<204800xi32, #tpu.memory_space<hbm>> -> memref<6400xi32, #tpu.memory_space<hbm>>
      %dma_start3A_32 = tpu.memref_slice %arg3[%mul3A_2] : memref<204800xi32, #tpu.memory_space<hbm>> -> memref<6400xi32, #tpu.memory_space<hbm>>
      tpu.enqueue_dma source(%dma_start3A_32 : memref<6400xi32, #tpu.memory_space<hbm>>) target(%arg7 : memref<6400xi32, #tpu.memory_space<vmem>>) target_semaphore(%run_scoped3A : memref<!tpu.dma_semaphore, #tpu.memory_space<semaphore_mem>>)
      %dma_wait3A = tpu.memref_slice %arg3[%mul3A_2] : memref<204800xi32, #tpu.memory_space<hbm>> -> memref<6400xi32, #tpu.memory_space<hbm>>
      %dma_wait3A_33 = tpu.memref_slice %arg3[%mul3A_2] : memref<204800xi32, #tpu.memory_space<hbm>> -> memref<6400xi32, #tpu.memory_space<hbm>>
      tpu.wait_dma2 semaphore(%run_scoped3A : memref<!tpu.dma_semaphore, #tpu.memory_space<semaphore_mem>>) src(%dma_wait3A_33 : memref<6400xi32, #tpu.memory_space<hbm>>) dst(%arg7 : memref<6400xi32, #tpu.memory_space<vmem>>)
      tpu.yield
    }) : () -> ()
    %iota3A = tpu.iota {dimensions = array<i32: 0>} : vector<16xi32>
    %mul3A_3 = arith.constant 4 : i32
    %mul3A_4 = vector.broadcast %mul3A_3 : i32 to vector<16xi32>
    %mul3A_5 = arith.muli %iota3A, %mul3A_4 : vector<16xi32>
    %add3A_6 = arith.constant 0 : i32
    %add3A_7 = vector.broadcast %add3A_6 : i32 to vector<16xi32>
    %add3A_8 = arith.addi %mul3A_5, %add3A_7 : vector<16xi32>
    %mul3A_9 = arith.constant 4 : i32
    %mul3A_10 = vector.broadcast %mul3A_9 : i32 to vector<16xi32>
    %mul3A_11 = arith.muli %iota3A, %mul3A_10 : vector<16xi32>
    %add3A_12 = arith.constant 1 : i32
    %add3A_13 = vector.broadcast %add3A_12 : i32 to vector<16xi32>
    %add3A_14 = arith.addi %mul3A_11, %add3A_13 : vector<16xi32>
    %mul3A_15 = arith.constant 4 : i32
    %mul3A_16 = vector.broadcast %mul3A_15 : i32 to vector<16xi32>
    %mul3A_17 = arith.muli %iota3A, %mul3A_16 : vector<16xi32>
    %add3A_18 = arith.constant 2 : i32
    %add3A_19 = vector.broadcast %add3A_18 : i32 to vector<16xi32>
    %add3A_20 = arith.addi %mul3A_17, %add3A_19 : vector<16xi32>
    %mul3A_21 = arith.constant 4 : i32
    %mul3A_22 = vector.broadcast %mul3A_21 : i32 to vector<16xi32>
    %mul3A_23 = arith.muli %iota3A, %mul3A_22 : vector<16xi32>
    %add3A_24 = arith.constant 3 : i32
    %add3A_25 = vector.broadcast %add3A_24 : i32 to vector<16xi32>
    %add3A_26 = arith.addi %mul3A_23, %add3A_25 : vector<16xi32>
    %scan3A = arith.constant 0 : i32
    %scan3A_27 = arith.constant 0 : i32
    %scan3A_28 = arith.constant 16 : i32
    %scan3A_29 = arith.addi %scan3A_27, %scan3A_28 : i32
    %scan3A_30 = arith.constant 1 : i32
    scf.for %scan3A_32 = %scan3A_27 to %scan3A_29 step %scan3A_30  : i32 {
      %mul3A_33 = arith.constant 400 : i32
      %mul3A_34 = arith.muli %scan3A_32, %mul3A_33 : i32
      %multiple_of3A = tpu.assume_multiple %mul3A_34, 400 : i32
      %add3A_35 = arith.constant 0 : i32
      %add3A_36 = arith.addi %multiple_of3A, %add3A_35 : i32
      %dma_start3A = arith.constant 0 : i32
      %dma_start3A_37 = arith.constant 0 : i32
      %dma_start3A_38 = tpu.memref_slice %arg8[%dma_start3A, %dma_start3A_37] : memref<400x64xi8, #tpu.memory_space<vmem>> -> memref<80x64xi8, #tpu.memory_space<vmem>>
      %dma_start3A_39 = tpu.memref_slice %arg7[%add3A_36] : memref<6400xi32, #tpu.memory_space<vmem>> -> memref<80xi32, #tpu.memory_space<vmem>>
      %dma_start3A_40 = arith.constant 0 : i32
      %dma_start3A_41 = arith.constant 0 : i32
      %dma_start3A_42 = tpu.memref_slice %arg2[%dma_start3A_40, %dma_start3A_41] : memref<1000000x64xi8, #tpu.memory_space<hbm>> -> memref<1000000x64xi8, #tpu.memory_space<hbm>>
      tpu.enqueue_indirect_dma source(%dma_start3A_42 : memref<1000000x64xi8, #tpu.memory_space<hbm>>) target(%dma_start3A_38 : memref<80x64xi8, #tpu.memory_space<vmem>>) offsets(%dma_start3A_39 : memref<80xi32, #tpu.memory_space<vmem>>) semaphore(%arg12 : memref<!tpu.dma_semaphore, #tpu.memory_space<semaphore_mem>>)
      %dma_start3A_43 = arith.constant 0 : i32
      %dma_start3A_44 = tpu.memref_slice %arg9[%dma_start3A_43] : memref<400xf32, #tpu.memory_space<vmem>> -> memref<80xf32, #tpu.memory_space<vmem>>
      %dma_start3A_45 = tpu.memref_slice %arg7[%add3A_36] : memref<6400xi32, #tpu.memory_space<vmem>> -> memref<80xi32, #tpu.memory_space<vmem>>
      %dma_start3A_46 = arith.constant 0 : i32
      %dma_start3A_47 = tpu.memref_slice %arg4[%dma_start3A_46] : memref<1000000xf32, #tpu.memory_space<hbm>> -> memref<1000000xf32, #tpu.memory_space<hbm>>
      tpu.enqueue_indirect_dma source(%dma_start3A_47 : memref<1000000xf32, #tpu.memory_space<hbm>>) target(%dma_start3A_44 : memref<80xf32, #tpu.memory_space<vmem>>) offsets(%dma_start3A_45 : memref<80xi32, #tpu.memory_space<vmem>>) semaphore(%arg13 : memref<!tpu.dma_semaphore, #tpu.memory_space<semaphore_mem>>)
      %dma_start3A_48 = arith.constant 0 : i32
      %dma_start3A_49 = tpu.memref_slice %arg10[%dma_start3A_48] : memref<400xf32, #tpu.memory_space<vmem>> -> memref<80xf32, #tpu.memory_space<vmem>>
      %dma_start3A_50 = tpu.memref_slice %arg7[%add3A_36] : memref<6400xi32, #tpu.memory_space<vmem>> -> memref<80xi32, #tpu.memory_space<vmem>>
      %dma_start3A_51 = arith.constant 0 : i32
      %dma_start3A_52 = tpu.memref_slice %arg5[%dma_start3A_51] : memref<1000000xf32, #tpu.memory_space<hbm>> -> memref<1000000xf32, #tpu.memory_space<hbm>>
      tpu.enqueue_indirect_dma source(%dma_start3A_52 : memref<1000000xf32, #tpu.memory_space<hbm>>) target(%dma_start3A_49 : memref<80xf32, #tpu.memory_space<vmem>>) offsets(%dma_start3A_50 : memref<80xi32, #tpu.memory_space<vmem>>) semaphore(%arg14 : memref<!tpu.dma_semaphore, #tpu.memory_space<semaphore_mem>>)
      %add3A_53 = arith.constant 80 : i32
      %add3A_54 = arith.addi %multiple_of3A, %add3A_53 : i32
      %dma_start3A_55 = arith.constant 80 : i32
      %dma_start3A_56 = arith.constant 0 : i32
      %dma_start3A_57 = tpu.memref_slice %arg8[%dma_start3A_55, %dma_start3A_56] : memref<400x64xi8, #tpu.memory_space<vmem>> -> memref<80x64xi8, #tpu.memory_space<vmem>>
      %dma_start3A_58 = tpu.memref_slice %arg7[%add3A_54] : memref<6400xi32, #tpu.memory_space<vmem>> -> memref<80xi32, #tpu.memory_space<vmem>>
      %dma_start3A_59 = arith.constant 0 : i32
      %dma_start3A_60 = arith.constant 0 : i32
      %dma_start3A_61 = tpu.memref_slice %arg2[%dma_start3A_59, %dma_start3A_60] : memref<1000000x64xi8, #tpu.memory_space<hbm>> -> memref<1000000x64xi8, #tpu.memory_space<hbm>>
      tpu.enqueue_indirect_dma source(%dma_start3A_61 : memref<1000000x64xi8, #tpu.memory_space<hbm>>) target(%dma_start3A_57 : memref<80x64xi8, #tpu.memory_space<vmem>>) offsets(%dma_start3A_58 : memref<80xi32, #tpu.memory_space<vmem>>) semaphore(%arg12 : memref<!tpu.dma_semaphore, #tpu.memory_space<semaphore_mem>>)
      %dma_start3A_62 = arith.constant 80 : i32
      %dma_start3A_63 = tpu.memref_slice %arg9[%dma_start3A_62] : memref<400xf32, #tpu.memory_space<vmem>> -> memref<80xf32, #tpu.memory_space<vmem>>
      %dma_start3A_64 = tpu.memref_slice %arg7[%add3A_54] : memref<6400xi32, #tpu.memory_space<vmem>> -> memref<80xi32, #tpu.memory_space<vmem>>
      %dma_start3A_65 = arith.constant 0 : i32
      %dma_start3A_66 = tpu.memref_slice %arg4[%dma_start3A_65] : memref<1000000xf32, #tpu.memory_space<hbm>> -> memref<1000000xf32, #tpu.memory_space<hbm>>
      tpu.enqueue_indirect_dma source(%dma_start3A_66 : memref<1000000xf32, #tpu.memory_space<hbm>>) target(%dma_start3A_63 : memref<80xf32, #tpu.memory_space<vmem>>) offsets(%dma_start3A_64 : memref<80xi32, #tpu.memory_space<vmem>>) semaphore(%arg13 : memref<!tpu.dma_semaphore, #tpu.memory_space<semaphore_mem>>)
      %dma_start3A_67 = arith.constant 80 : i32
      %dma_start3A_68 = tpu.memref_slice %arg10[%dma_start3A_67] : memref<400xf32, #tpu.memory_space<vmem>> -> memref<80xf32, #tpu.memory_space<vmem>>
      %dma_start3A_69 = tpu.memref_slice %arg7[%add3A_54] : memref<6400xi32, #tpu.memory_space<vmem>> -> memref<80xi32, #tpu.memory_space<vmem>>
      %dma_start3A_70 = arith.constant 0 : i32
      %dma_start3A_71 = tpu.memref_slice %arg5[%dma_start3A_70] : memref<1000000xf32, #tpu.memory_space<hbm>> -> memref<1000000xf32, #tpu.memory_space<hbm>>
      tpu.enqueue_indirect_dma source(%dma_start3A_71 : memref<1000000xf32, #tpu.memory_space<hbm>>) target(%dma_start3A_68 : memref<80xf32, #tpu.memory_space<vmem>>) offsets(%dma_start3A_69 : memref<80xi32, #tpu.memory_space<vmem>>) semaphore(%arg14 : memref<!tpu.dma_semaphore, #tpu.memory_space<semaphore_mem>>)
      %add3A_72 = arith.constant 160 : i32
      %add3A_73 = arith.addi %multiple_of3A, %add3A_72 : i32
      %dma_start3A_74 = arith.constant 160 : i32
      %dma_start3A_75 = arith.constant 0 : i32
      %dma_start3A_76 = tpu.memref_slice %arg8[%dma_start3A_74, %dma_start3A_75] : memref<400x64xi8, #tpu.memory_space<vmem>> -> memref<80x64xi8, #tpu.memory_space<vmem>>
      %dma_start3A_77 = tpu.memref_slice %arg7[%add3A_73] : memref<6400xi32, #tpu.memory_space<vmem>> -> memref<80xi32, #tpu.memory_space<vmem>>
      %dma_start3A_78 = arith.constant 0 : i32
      %dma_start3A_79 = arith.constant 0 : i32
      %dma_start3A_80 = tpu.memref_slice %arg2[%dma_start3A_78, %dma_start3A_79] : memref<1000000x64xi8, #tpu.memory_space<hbm>> -> memref<1000000x64xi8, #tpu.memory_space<hbm>>
      tpu.enqueue_indirect_dma source(%dma_start3A_80 : memref<1000000x64xi8, #tpu.memory_space<hbm>>) target(%dma_start3A_76 : memref<80x64xi8, #tpu.memory_space<vmem>>) offsets(%dma_start3A_77 : memref<80xi32, #tpu.memory_space<vmem>>) semaphore(%arg12 : memref<!tpu.dma_semaphore, #tpu.memory_space<semaphore_mem>>)
      %dma_start3A_81 = arith.constant 160 : i32
      %dma_start3A_82 = tpu.memref_slice %arg9[%dma_start3A_81] : memref<400xf32, #tpu.memory_space<vmem>> -> memref<80xf32, #tpu.memory_space<vmem>>
      %dma_start3A_83 = tpu.memref_slice %arg7[%add3A_73] : memref<6400xi32, #tpu.memory_space<vmem>> -> memref<80xi32, #tpu.memory_space<vmem>>
      %dma_start3A_84 = arith.constant 0 : i32
      %dma_start3A_85 = tpu.memref_slice %arg4[%dma_start3A_84] : memref<1000000xf32, #tpu.memory_space<hbm>> -> memref<1000000xf32, #tpu.memory_space<hbm>>
      tpu.enqueue_indirect_dma source(%dma_start3A_85 : memref<1000000xf32, #tpu.memory_space<hbm>>) target(%dma_start3A_82 : memref<80xf32, #tpu.memory_space<vmem>>) offsets(%dma_start3A_83 : memref<80xi32, #tpu.memory_space<vmem>>) semaphore(%arg13 : memref<!tpu.dma_semaphore, #tpu.memory_space<semaphore_mem>>)
      %dma_start3A_86 = arith.constant 160 : i32
      %dma_start3A_87 = tpu.memref_slice %arg10[%dma_start3A_86] : memref<400xf32, #tpu.memory_space<vmem>> -> memref<80xf32, #tpu.memory_space<vmem>>
      %dma_start3A_88 = tpu.memref_slice %arg7[%add3A_73] : memref<6400xi32, #tpu.memory_space<vmem>> -> memref<80xi32, #tpu.memory_space<vmem>>
      %dma_start3A_89 = arith.constant 0 : i32
      %dma_start3A_90 = tpu.memref_slice %arg5[%dma_start3A_89] : memref<1000000xf32, #tpu.memory_space<hbm>> -> memref<1000000xf32, #tpu.memory_space<hbm>>
      tpu.enqueue_indirect_dma source(%dma_start3A_90 : memref<1000000xf32, #tpu.memory_space<hbm>>) target(%dma_start3A_87 : memref<80xf32, #tpu.memory_space<vmem>>) offsets(%dma_start3A_88 : memref<80xi32, #tpu.memory_space<vmem>>) semaphore(%arg14 : memref<!tpu.dma_semaphore, #tpu.memory_space<semaphore_mem>>)
      %add3A_91 = arith.constant 240 : i32
      %add3A_92 = arith.addi %multiple_of3A, %add3A_91 : i32
      %dma_start3A_93 = arith.constant 240 : i32
      %dma_start3A_94 = arith.constant 0 : i32
      %dma_start3A_95 = tpu.memref_slice %arg8[%dma_start3A_93, %dma_start3A_94] : memref<400x64xi8, #tpu.memory_space<vmem>> -> memref<80x64xi8, #tpu.memory_space<vmem>>
      %dma_start3A_96 = tpu.memref_slice %arg7[%add3A_92] : memref<6400xi32, #tpu.memory_space<vmem>> -> memref<80xi32, #tpu.memory_space<vmem>>
      %dma_start3A_97 = arith.constant 0 : i32
      %dma_start3A_98 = arith.constant 0 : i32
      %dma_start3A_99 = tpu.memref_slice %arg2[%dma_start3A_97, %dma_start3A_98] : memref<1000000x64xi8, #tpu.memory_space<hbm>> -> memref<1000000x64xi8, #tpu.memory_space<hbm>>
      tpu.enqueue_indirect_dma source(%dma_start3A_99 : memref<1000000x64xi8, #tpu.memory_space<hbm>>) target(%dma_start3A_95 : memref<80x64xi8, #tpu.memory_space<vmem>>) offsets(%dma_start3A_96 : memref<80xi32, #tpu.memory_space<vmem>>) semaphore(%arg12 : memref<!tpu.dma_semaphore, #tpu.memory_space<semaphore_mem>>)
      %dma_start3A_100 = arith.constant 240 : i32
      %dma_start3A_101 = tpu.memref_slice %arg9[%dma_start3A_100] : memref<400xf32, #tpu.memory_space<vmem>> -> memref<80xf32, #tpu.memory_space<vmem>>
      %dma_start3A_102 = tpu.memref_slice %arg7[%add3A_92] : memref<6400xi32, #tpu.memory_space<vmem>> -> memref<80xi32, #tpu.memory_space<vmem>>
      %dma_start3A_103 = arith.constant 0 : i32
      %dma_start3A_104 = tpu.memref_slice %arg4[%dma_start3A_103] : memref<1000000xf32, #tpu.memory_space<hbm>> -> memref<1000000xf32, #tpu.memory_space<hbm>>
      tpu.enqueue_indirect_dma source(%dma_start3A_104 : memref<1000000xf32, #tpu.memory_space<hbm>>) target(%dma_start3A_101 : memref<80xf32, #tpu.memory_space<vmem>>) offsets(%dma_start3A_102 : memref<80xi32, #tpu.memory_space<vmem>>) semaphore(%arg13 : memref<!tpu.dma_semaphore, #tpu.memory_space<semaphore_mem>>)
      %dma_start3A_105 = arith.constant 240 : i32
      %dma_start3A_106 = tpu.memref_slice %arg10[%dma_start3A_105] : memref<400xf32, #tpu.memory_space<vmem>> -> memref<80xf32, #tpu.memory_space<vmem>>
      %dma_start3A_107 = tpu.memref_slice %arg7[%add3A_92] : memref<6400xi32, #tpu.memory_space<vmem>> -> memref<80xi32, #tpu.memory_space<vmem>>
      %dma_start3A_108 = arith.constant 0 : i32
      %dma_start3A_109 = tpu.memref_slice %arg5[%dma_start3A_108] : memref<1000000xf32, #tpu.memory_space<hbm>> -> memref<1000000xf32, #tpu.memory_space<hbm>>
      tpu.enqueue_indirect_dma source(%dma_start3A_109 : memref<1000000xf32, #tpu.memory_space<hbm>>) target(%dma_start3A_106 : memref<80xf32, #tpu.memory_space<vmem>>) offsets(%dma_start3A_107 : memref<80xi32, #tpu.memory_space<vmem>>) semaphore(%arg14 : memref<!tpu.dma_semaphore, #tpu.memory_space<semaphore_mem>>)
      %add3A_110 = arith.constant 320 : i32
      %add3A_111 = arith.addi %multiple_of3A, %add3A_110 : i32
      %dma_start3A_112 = arith.constant 320 : i32
      %dma_start3A_113 = arith.constant 0 : i32
      %dma_start3A_114 = tpu.memref_slice %arg8[%dma_start3A_112, %dma_start3A_113] : memref<400x64xi8, #tpu.memory_space<vmem>> -> memref<80x64xi8, #tpu.memory_space<vmem>>
      %dma_start3A_115 = tpu.memref_slice %arg7[%add3A_111] : memref<6400xi32, #tpu.memory_space<vmem>> -> memref<80xi32, #tpu.memory_space<vmem>>
      %dma_start3A_116 = arith.constant 0 : i32
      %dma_start3A_117 = arith.constant 0 : i32
      %dma_start3A_118 = tpu.memref_slice %arg2[%dma_start3A_116, %dma_start3A_117] : memref<1000000x64xi8, #tpu.memory_space<hbm>> -> memref<1000000x64xi8, #tpu.memory_space<hbm>>
      tpu.enqueue_indirect_dma source(%dma_start3A_118 : memref<1000000x64xi8, #tpu.memory_space<hbm>>) target(%dma_start3A_114 : memref<80x64xi8, #tpu.memory_space<vmem>>) offsets(%dma_start3A_115 : memref<80xi32, #tpu.memory_space<vmem>>) semaphore(%arg12 : memref<!tpu.dma_semaphore, #tpu.memory_space<semaphore_mem>>)
      %dma_start3A_119 = arith.constant 320 : i32
      %dma_start3A_120 = tpu.memref_slice %arg9[%dma_start3A_119] : memref<400xf32, #tpu.memory_space<vmem>> -> memref<80xf32, #tpu.memory_space<vmem>>
      %dma_start3A_121 = tpu.memref_slice %arg7[%add3A_111] : memref<6400xi32, #tpu.memory_space<vmem>> -> memref<80xi32, #tpu.memory_space<vmem>>
      %dma_start3A_122 = arith.constant 0 : i32
      %dma_start3A_123 = tpu.memref_slice %arg4[%dma_start3A_122] : memref<1000000xf32, #tpu.memory_space<hbm>> -> memref<1000000xf32, #tpu.memory_space<hbm>>
      tpu.enqueue_indirect_dma source(%dma_start3A_123 : memref<1000000xf32, #tpu.memory_space<hbm>>) target(%dma_start3A_120 : memref<80xf32, #tpu.memory_space<vmem>>) offsets(%dma_start3A_121 : memref<80xi32, #tpu.memory_space<vmem>>) semaphore(%arg13 : memref<!tpu.dma_semaphore, #tpu.memory_space<semaphore_mem>>)
      %dma_start3A_124 = arith.constant 320 : i32
      %dma_start3A_125 = tpu.memref_slice %arg10[%dma_start3A_124] : memref<400xf32, #tpu.memory_space<vmem>> -> memref<80xf32, #tpu.memory_space<vmem>>
      %dma_start3A_126 = tpu.memref_slice %arg7[%add3A_111] : memref<6400xi32, #tpu.memory_space<vmem>> -> memref<80xi32, #tpu.memory_space<vmem>>
      %dma_start3A_127 = arith.constant 0 : i32
      %dma_start3A_128 = tpu.memref_slice %arg5[%dma_start3A_127] : memref<1000000xf32, #tpu.memory_space<hbm>> -> memref<1000000xf32, #tpu.memory_space<hbm>>
      tpu.enqueue_indirect_dma source(%dma_start3A_128 : memref<1000000xf32, #tpu.memory_space<hbm>>) target(%dma_start3A_125 : memref<80xf32, #tpu.memory_space<vmem>>) offsets(%dma_start3A_126 : memref<80xi32, #tpu.memory_space<vmem>>) semaphore(%arg14 : memref<!tpu.dma_semaphore, #tpu.memory_space<semaphore_mem>>)
      %dma_wait3A = tpu.memref_slice %arg7[%multiple_of3A] : memref<6400xi32, #tpu.memory_space<vmem>> -> memref<400xi32, #tpu.memory_space<vmem>>
      %dma_wait3A_129 = arith.constant 0 : i32
      %dma_wait3A_130 = arith.constant 0 : i32
      %dma_wait3A_131 = tpu.memref_slice %arg2[%dma_wait3A_129, %dma_wait3A_130] : memref<1000000x64xi8, #tpu.memory_space<hbm>> -> memref<1000000x64xi8, #tpu.memory_space<hbm>>
      tpu.wait_indirect_dma semaphore(%arg12 : memref<!tpu.dma_semaphore, #tpu.memory_space<semaphore_mem>>) src(%dma_wait3A_131 : memref<1000000x64xi8, #tpu.memory_space<hbm>>) dst(%arg8 : memref<400x64xi8, #tpu.memory_space<vmem>>)
      %dma_wait3A_132 = tpu.memref_slice %arg7[%multiple_of3A] : memref<6400xi32, #tpu.memory_space<vmem>> -> memref<400xi32, #tpu.memory_space<vmem>>
      %dma_wait3A_133 = arith.constant 0 : i32
      %dma_wait3A_134 = tpu.memref_slice %arg4[%dma_wait3A_133] : memref<1000000xf32, #tpu.memory_space<hbm>> -> memref<1000000xf32, #tpu.memory_space<hbm>>
      tpu.wait_indirect_dma semaphore(%arg13 : memref<!tpu.dma_semaphore, #tpu.memory_space<semaphore_mem>>) src(%dma_wait3A_134 : memref<1000000xf32, #tpu.memory_space<hbm>>) dst(%arg9 : memref<400xf32, #tpu.memory_space<vmem>>)
      %dma_wait3A_135 = tpu.memref_slice %arg7[%multiple_of3A] : memref<6400xi32, #tpu.memory_space<vmem>> -> memref<400xi32, #tpu.memory_space<vmem>>
      %dma_wait3A_136 = arith.constant 0 : i32
      %dma_wait3A_137 = tpu.memref_slice %arg5[%dma_wait3A_136] : memref<1000000xf32, #tpu.memory_space<hbm>> -> memref<1000000xf32, #tpu.memory_space<hbm>>
      tpu.wait_indirect_dma semaphore(%arg14 : memref<!tpu.dma_semaphore, #tpu.memory_space<semaphore_mem>>) src(%dma_wait3A_137 : memref<1000000xf32, #tpu.memory_space<hbm>>) dst(%arg10 : memref<400xf32, #tpu.memory_space<vmem>>)
      %scan3A_138 = arith.constant 0 : i32
      %scan3A_139 = arith.constant 0 : i32
      %scan3A_140 = arith.constant 25 : i32
      %scan3A_141 = arith.addi %scan3A_139, %scan3A_140 : i32
      %scan3A_142 = arith.constant 1 : i32
      scf.for %scan3A_405 = %scan3A_139 to %scan3A_141 step %scan3A_142  : i32 {
        %mul3A_406 = arith.constant 16 : i32
        %mul3A_407 = arith.muli %scan3A_405, %mul3A_406 : i32
        %add3A_408 = arith.constant 0 : i32
        %add3A_409 = arith.addi %mul3A_407, %add3A_408 : i32
        %broadcast_in_dim3A = vector.broadcast %add3A_409 : i32 to vector<16xi32>
        %get3A = arith.index_cast %add3A_409 : i32 to index
        %get3A_410 = arith.constant 0 : index
        %get3A_411 = tpu.vector_load %arg8[%get3A, %get3A_410] {strides = array<i32>} : memref<400x64xi8, #tpu.memory_space<vmem>>, vector<64xi8>,
        %bitcast3A = vector.bitcast %get3A_411 : vector<64xi8> to vector<16xi32>
        %gather3A = tpu.vector_load_idx %arg9[%broadcast_in_dim3A] : memref<400xf32, #tpu.memory_space<vmem>>[vector<16xi32>], vector<16xf32>,
        %gather3A_412 = tpu.vector_load_idx %arg10[%broadcast_in_dim3A] : memref<400xf32, #tpu.memory_space<vmem>>[vector<16xi32>], vector<16xf32>,
        %mul3A_413 = arith.mulf %gather3A_412, %gather3A : vector<16xf32>
        %and3A = arith.constant 255 : i32
        %and3A_414 = vector.broadcast %and3A : i32 to vector<16xi32>
        %and3A_415 = arith.andi %bitcast3A, %and3A_414 : vector<16xi32>
        %convert_element_type3A = arith.sitofp %and3A_415 : vector<16xi32> to vector<16xf32>
        %mul3A_416 = arith.mulf %convert_element_type3A, %gather3A : vector<16xf32>
        %sub3A = arith.subf %mul3A_416, %mul3A_413 : vector<16xf32>
        tpu.vector_store_idx %arg11[%broadcast_in_dim3A, %add3A_8], %sub3A : memref<400x64xf32, #tpu.memory_space<vmem>>[vector<16xi32>, vector<16xi32>], vector<16xf32>,
        %shift_right_arithmetic3A = arith.constant 8 : i32
        %shift_right_arithmetic3A_417 = vector.broadcast %shift_right_arithmetic3A : i32 to vector<16xi32>
        %shift_right_arithmetic3A_418 = arith.shrsi %bitcast3A, %shift_right_arithmetic3A_417 : vector<16xi32>
        %and3A_419 = arith.constant 255 : i32
        %and3A_420 = vector.broadcast %and3A_419 : i32 to vector<16xi32>
        %and3A_421 = arith.andi %shift_right_arithmetic3A_418, %and3A_420 : vector<16xi32>
        %convert_element_type3A_422 = arith.sitofp %and3A_421 : vector<16xi32> to vector<16xf32>
        %mul3A_423 = arith.mulf %convert_element_type3A_422, %gather3A : vector<16xf32>
        %sub3A_424 = arith.subf %mul3A_423, %mul3A_413 : vector<16xf32>
        tpu.vector_store_idx %arg11[%broadcast_in_dim3A, %add3A_14], %sub3A_424 : memref<400x64xf32, #tpu.memory_space<vmem>>[vector<16xi32>, vector<16xi32>], vector<16xf32>,
        %shift_right_arithmetic3A_425 = arith.constant 16 : i32
        %shift_right_arithmetic3A_426 = vector.broadcast %shift_right_arithmetic3A_425 : i32 to vector<16xi32>
        %shift_right_arithmetic3A_427 = arith.shrsi %bitcast3A, %shift_right_arithmetic3A_426 : vector<16xi32>
        %and3A_428 = arith.constant 255 : i32
        %and3A_429 = vector.broadcast %and3A_428 : i32 to vector<16xi32>
        %and3A_430 = arith.andi %shift_right_arithmetic3A_427, %and3A_429 : vector<16xi32>
        %convert_element_type3A_431 = arith.sitofp %and3A_430 : vector<16xi32> to vector<16xf32>
        %mul3A_432 = arith.mulf %convert_element_type3A_431, %gather3A : vector<16xf32>
        %sub3A_433 = arith.subf %mul3A_432, %mul3A_413 : vector<16xf32>
        tpu.vector_store_idx %arg11[%broadcast_in_dim3A, %add3A_20], %sub3A_433 : memref<400x64xf32, #tpu.memory_space<vmem>>[vector<16xi32>, vector<16xi32>], vector<16xf32>,
        %shift_right_logical3A = arith.constant 24 : i32
        %shift_right_logical3A_434 = vector.broadcast %shift_right_logical3A : i32 to vector<16xi32>
        %shift_right_logical3A_435 = arith.shrui %bitcast3A, %shift_right_logical3A_434 : vector<16xi32>
        %convert_element_type3A_436 = arith.sitofp %shift_right_logical3A_435 : vector<16xi32> to vector<16xf32>
        %mul3A_437 = arith.mulf %convert_element_type3A_436, %gather3A : vector<16xf32>
        %sub3A_438 = arith.subf %mul3A_437, %mul3A_413 : vector<16xf32>
        tpu.vector_store_idx %arg11[%broadcast_in_dim3A, %add3A_26], %sub3A_438 : memref<400x64xf32, #tpu.memory_space<vmem>>[vector<16xi32>, vector<16xi32>], vector<16xf32>,
        %add3A_439 = arith.constant 1 : i32
        %add3A_440 = arith.addi %mul3A_407, %add3A_439 : i32
        %broadcast_in_dim3A_441 = vector.broadcast %add3A_440 : i32 to vector<16xi32>
        %get3A_442 = arith.index_cast %add3A_440 : i32 to index
        %get3A_443 = arith.constant 0 : index
        %get3A_444 = tpu.vector_load %arg8[%get3A_442, %get3A_443] {strides = array<i32>} : memref<400x64xi8, #tpu.memory_space<vmem>>, vector<64xi8>,
        %bitcast3A_445 = vector.bitcast %get3A_444 : vector<64xi8> to vector<16xi32>
        %gather3A_446 = tpu.vector_load_idx %arg9[%broadcast_in_dim3A_441] : memref<400xf32, #tpu.memory_space<vmem>>[vector<16xi32>], vector<16xf32>,
        %gather3A_447 = tpu.vector_load_idx %arg10[%broadcast_in_dim3A_441] : memref<400xf32, #tpu.memory_space<vmem>>[vector<16xi32>], vector<16xf32>,
        %mul3A_448 = arith.mulf %gather3A_447, %gather3A_446 : vector<16xf32>
        %and3A_449 = arith.constant 255 : i32
        %and3A_450 = vector.broadcast %and3A_449 : i32 to vector<16xi32>
        %and3A_451 = arith.andi %bitcast3A_445, %and3A_450 : vector<16xi32>
        %convert_element_type3A_452 = arith.sitofp %and3A_451 : vector<16xi32> to vector<16xf32>
        %mul3A_453 = arith.mulf %convert_element_type3A_452, %gather3A_446 : vector<16xf32>
        %sub3A_454 = arith.subf %mul3A_453, %mul3A_448 : vector<16xf32>
        tpu.vector_store_idx %arg11[%broadcast_in_dim3A_441, %add3A_8], %sub3A_454 : memref<400x64xf32, #tpu.memory_space<vmem>>[vector<16xi32>, vector<16xi32>], vector<16xf32>,
        %shift_right_arithmetic3A_455 = arith.constant 8 : i32
        %shift_right_arithmetic3A_456 = vector.broadcast %shift_right_arithmetic3A_455 : i32 to vector<16xi32>
        %shift_right_arithmetic3A_457 = arith.shrsi %bitcast3A_445, %shift_right_arithmetic3A_456 : vector<16xi32>
        %and3A_458 = arith.constant 255 : i32
        %and3A_459 = vector.broadcast %and3A_458 : i32 to vector<16xi32>
        %and3A_460 = arith.andi %shift_right_arithmetic3A_457, %and3A_459 : vector<16xi32>
        %convert_element_type3A_461 = arith.sitofp %and3A_460 : vector<16xi32> to vector<16xf32>
        %mul3A_462 = arith.mulf %convert_element_type3A_461, %gather3A_446 : vector<16xf32>
        %sub3A_463 = arith.subf %mul3A_462, %mul3A_448 : vector<16xf32>
        tpu.vector_store_idx %arg11[%broadcast_in_dim3A_441, %add3A_14], %sub3A_463 : memref<400x64xf32, #tpu.memory_space<vmem>>[vector<16xi32>, vector<16xi32>], vector<16xf32>,
        %shift_right_arithmetic3A_464 = arith.constant 16 : i32
        %shift_right_arithmetic3A_465 = vector.broadcast %shift_right_arithmetic3A_464 : i32 to vector<16xi32>
        %shift_right_arithmetic3A_466 = arith.shrsi %bitcast3A_445, %shift_right_arithmetic3A_465 : vector<16xi32>
        %and3A_467 = arith.constant 255 : i32
        %and3A_468 = vector.broadcast %and3A_467 : i32 to vector<16xi32>
        %and3A_469 = arith.andi %shift_right_arithmetic3A_466, %and3A_468 : vector<16xi32>
        %convert_element_type3A_470 = arith.sitofp %and3A_469 : vector<16xi32> to vector<16xf32>
        %mul3A_471 = arith.mulf %convert_element_type3A_470, %gather3A_446 : vector<16xf32>
        %sub3A_472 = arith.subf %mul3A_471, %mul3A_448 : vector<16xf32>
        tpu.vector_store_idx %arg11[%broadcast_in_dim3A_441, %add3A_20], %sub3A_472 : memref<400x64xf32, #tpu.memory_space<vmem>>[vector<16xi32>, vector<16xi32>], vector<16xf32>,
        %shift_right_logical3A_473 = arith.constant 24 : i32
        %shift_right_logical3A_474 = vector.broadcast %shift_right_logical3A_473 : i32 to vector<16xi32>
        %shift_right_logical3A_475 = arith.shrui %bitcast3A_445, %shift_right_logical3A_474 : vector<16xi32>
        %convert_element_type3A_476 = arith.sitofp %shift_right_logical3A_475 : vector<16xi32> to vector<16xf32>
        %mul3A_477 = arith.mulf %convert_element_type3A_476, %gather3A_446 : vector<16xf32>
        %sub3A_478 = arith.subf %mul3A_477, %mul3A_448 : vector<16xf32>
        tpu.vector_store_idx %arg11[%broadcast_in_dim3A_441, %add3A_26], %sub3A_478 : memref<400x64xf32, #tpu.memory_space<vmem>>[vector<16xi32>, vector<16xi32>], vector<16xf32>,
        %add3A_479 = arith.constant 2 : i32
        %add3A_480 = arith.addi %mul3A_407, %add3A_479 : i32
        %broadcast_in_dim3A_481 = vector.broadcast %add3A_480 : i32 to vector<16xi32>
        %get3A_482 = arith.index_cast %add3A_480 : i32 to index
        %get3A_483 = arith.constant 0 : index
        %get3A_484 = tpu.vector_load %arg8[%get3A_482, %get3A_483] {strides = array<i32>} : memref<400x64xi8, #tpu.memory_space<vmem>>, vector<64xi8>,
        %bitcast3A_485 = vector.bitcast %get3A_484 : vector<64xi8> to vector<16xi32>
        %gather3A_486 = tpu.vector_load_idx %arg9[%broadcast_in_dim3A_481] : memref<400xf32, #tpu.memory_space<vmem>>[vector<16xi32>], vector<16xf32>,
        %gather3A_487 = tpu.vector_load_idx %arg10[%broadcast_in_dim3A_481] : memref<400xf32, #tpu.memory_space<vmem>>[vector<16xi32>], vector<16xf32>,
        %mul3A_488 = arith.mulf %gather3A_487, %gather3A_486 : vector<16xf32>
        %and3A_489 = arith.constant 255 : i32
        %and3A_490 = vector.broadcast %and3A_489 : i32 to vector<16xi32>
        %and3A_491 = arith.andi %bitcast3A_485, %and3A_490 : vector<16xi32>
        %convert_element_type3A_492 = arith.sitofp %and3A_491 : vector<16xi32> to vector<16xf32>
        %mul3A_493 = arith.mulf %convert_element_type3A_492, %gather3A_486 : vector<16xf32>
        %sub3A_494 = arith.subf %mul3A_493, %mul3A_488 : vector<16xf32>
        tpu.vector_store_idx %arg11[%broadcast_in_dim3A_481, %add3A_8], %sub3A_494 : memref<400x64xf32, #tpu.memory_space<vmem>>[vector<16xi32>, vector<16xi32>], vector<16xf32>,
        %shift_right_arithmetic3A_495 = arith.constant 8 : i32
        %shift_right_arithmetic3A_496 = vector.broadcast %shift_right_arithmetic3A_495 : i32 to vector<16xi32>
        %shift_right_arithmetic3A_497 = arith.shrsi %bitcast3A_485, %shift_right_arithmetic3A_496 : vector<16xi32>
        %and3A_498 = arith.constant 255 : i32
        %and3A_499 = vector.broadcast %and3A_498 : i32 to vector<16xi32>
        %and3A_500 = arith.andi %shift_right_arithmetic3A_497, %and3A_499 : vector<16xi32>
        %convert_element_type3A_501 = arith.sitofp %and3A_500 : vector<16xi32> to vector<16xf32>
        %mul3A_502 = arith.mulf %convert_element_type3A_501, %gather3A_486 : vector<16xf32>
        %sub3A_503 = arith.subf %mul3A_502, %mul3A_488 : vector<16xf32>
        tpu.vector_store_idx %arg11[%broadcast_in_dim3A_481, %add3A_14], %sub3A_503 : memref<400x64xf32, #tpu.memory_space<vmem>>[vector<16xi32>, vector<16xi32>], vector<16xf32>,
        %shift_right_arithmetic3A_504 = arith.constant 16 : i32
        %shift_right_arithmetic3A_505 = vector.broadcast %shift_right_arithmetic3A_504 : i32 to vector<16xi32>
        %shift_right_arithmetic3A_506 = arith.shrsi %bitcast3A_485, %shift_right_arithmetic3A_505 : vector<16xi32>
        %and3A_507 = arith.constant 255 : i32
        %and3A_508 = vector.broadcast %and3A_507 : i32 to vector<16xi32>
        %and3A_509 = arith.andi %shift_right_arithmetic3A_506, %and3A_508 : vector<16xi32>
        %convert_element_type3A_510 = arith.sitofp %and3A_509 : vector<16xi32> to vector<16xf32>
        %mul3A_511 = arith.mulf %convert_element_type3A_510, %gather3A_486 : vector<16xf32>
        %sub3A_512 = arith.subf %mul3A_511, %mul3A_488 : vector<16xf32>
        tpu.vector_store_idx %arg11[%broadcast_in_dim3A_481, %add3A_20], %sub3A_512 : memref<400x64xf32, #tpu.memory_space<vmem>>[vector<16xi32>, vector<16xi32>], vector<16xf32>,
        %shift_right_logical3A_513 = arith.constant 24 : i32
        %shift_right_logical3A_514 = vector.broadcast %shift_right_logical3A_513 : i32 to vector<16xi32>
        %shift_right_logical3A_515 = arith.shrui %bitcast3A_485, %shift_right_logical3A_514 : vector<16xi32>
        %convert_element_type3A_516 = arith.sitofp %shift_right_logical3A_515 : vector<16xi32> to vector<16xf32>
        %mul3A_517 = arith.mulf %convert_element_type3A_516, %gather3A_486 : vector<16xf32>
        %sub3A_518 = arith.subf %mul3A_517, %mul3A_488 : vector<16xf32>
        tpu.vector_store_idx %arg11[%broadcast_in_dim3A_481, %add3A_26], %sub3A_518 : memref<400x64xf32, #tpu.memory_space<vmem>>[vector<16xi32>, vector<16xi32>], vector<16xf32>,
        %add3A_519 = arith.constant 3 : i32
        %add3A_520 = arith.addi %mul3A_407, %add3A_519 : i32
        %broadcast_in_dim3A_521 = vector.broadcast %add3A_520 : i32 to vector<16xi32>
        %get3A_522 = arith.index_cast %add3A_520 : i32 to index
        %get3A_523 = arith.constant 0 : index
        %get3A_524 = tpu.vector_load %arg8[%get3A_522, %get3A_523] {strides = array<i32>} : memref<400x64xi8, #tpu.memory_space<vmem>>, vector<64xi8>,
        %bitcast3A_525 = vector.bitcast %get3A_524 : vector<64xi8> to vector<16xi32>
        %gather3A_526 = tpu.vector_load_idx %arg9[%broadcast_in_dim3A_521] : memref<400xf32, #tpu.memory_space<vmem>>[vector<16xi32>], vector<16xf32>,
        %gather3A_527 = tpu.vector_load_idx %arg10[%broadcast_in_dim3A_521] : memref<400xf32, #tpu.memory_space<vmem>>[vector<16xi32>], vector<16xf32>,
        %mul3A_528 = arith.mulf %gather3A_527, %gather3A_526 : vector<16xf32>
        %and3A_529 = arith.constant 255 : i32
        %and3A_530 = vector.broadcast %and3A_529 : i32 to vector<16xi32>
        %and3A_531 = arith.andi %bitcast3A_525, %and3A_530 : vector<16xi32>
        %convert_element_type3A_532 = arith.sitofp %and3A_531 : vector<16xi32> to vector<16xf32>
        %mul3A_533 = arith.mulf %convert_element_type3A_532, %gather3A_526 : vector<16xf32>
        %sub3A_534 = arith.subf %mul3A_533, %mul3A_528 : vector<16xf32>
        tpu.vector_store_idx %arg11[%broadcast_in_dim3A_521, %add3A_8], %sub3A_534 : memref<400x64xf32, #tpu.memory_space<vmem>>[vector<16xi32>, vector<16xi32>], vector<16xf32>,
        %shift_right_arithmetic3A_535 = arith.constant 8 : i32
        %shift_right_arithmetic3A_536 = vector.broadcast %shift_right_arithmetic3A_535 : i32 to vector<16xi32>
        %shift_right_arithmetic3A_537 = arith.shrsi %bitcast3A_525, %shift_right_arithmetic3A_536 : vector<16xi32>
        %and3A_538 = arith.constant 255 : i32
        %and3A_539 = vector.broadcast %and3A_538 : i32 to vector<16xi32>
        %and3A_540 = arith.andi %shift_right_arithmetic3A_537, %and3A_539 : vector<16xi32>
        %convert_element_type3A_541 = arith.sitofp %and3A_540 : vector<16xi32> to vector<16xf32>
        %mul3A_542 = arith.mulf %convert_element_type3A_541, %gather3A_526 : vector<16xf32>
        %sub3A_543 = arith.subf %mul3A_542, %mul3A_528 : vector<16xf32>
        tpu.vector_store_idx %arg11[%broadcast_in_dim3A_521, %add3A_14], %sub3A_543 : memref<400x64xf32, #tpu.memory_space<vmem>>[vector<16xi32>, vector<16xi32>], vector<16xf32>,
        %shift_right_arithmetic3A_544 = arith.constant 16 : i32
        %shift_right_arithmetic3A_545 = vector.broadcast %shift_right_arithmetic3A_544 : i32 to vector<16xi32>
        %shift_right_arithmetic3A_546 = arith.shrsi %bitcast3A_525, %shift_right_arithmetic3A_545 : vector<16xi32>
        %and3A_547 = arith.constant 255 : i32
        %and3A_548 = vector.broadcast %and3A_547 : i32 to vector<16xi32>
        %and3A_549 = arith.andi %shift_right_arithmetic3A_546, %and3A_548 : vector<16xi32>
        %convert_element_type3A_550 = arith.sitofp %and3A_549 : vector<16xi32> to vector<16xf32>
        %mul3A_551 = arith.mulf %convert_element_type3A_550, %gather3A_526 : vector<16xf32>
        %sub3A_552 = arith.subf %mul3A_551, %mul3A_528 : vector<16xf32>
        tpu.vector_store_idx %arg11[%broadcast_in_dim3A_521, %add3A_20], %sub3A_552 : memref<400x64xf32, #tpu.memory_space<vmem>>[vector<16xi32>, vector<16xi32>], vector<16xf32>,
        %shift_right_logical3A_553 = arith.constant 24 : i32
        %shift_right_logical3A_554 = vector.broadcast %shift_right_logical3A_553 : i32 to vector<16xi32>
        %shift_right_logical3A_555 = arith.shrui %bitcast3A_525, %shift_right_logical3A_554 : vector<16xi32>
        %convert_element_type3A_556 = arith.sitofp %shift_right_logical3A_555 : vector<16xi32> to vector<16xf32>
        %mul3A_557 = arith.mulf %convert_element_type3A_556, %gather3A_526 : vector<16xf32>
        %sub3A_558 = arith.subf %mul3A_557, %mul3A_528 : vector<16xf32>
        tpu.vector_store_idx %arg11[%broadcast_in_dim3A_521, %add3A_26], %sub3A_558 : memref<400x64xf32, #tpu.memory_space<vmem>>[vector<16xi32>, vector<16xi32>], vector<16xf32>,
        %add3A_559 = arith.constant 4 : i32
        %add3A_560 = arith.addi %mul3A_407, %add3A_559 : i32
        %broadcast_in_dim3A_561 = vector.broadcast %add3A_560 : i32 to vector<16xi32>
        %get3A_562 = arith.index_cast %add3A_560 : i32 to index
        %get3A_563 = arith.constant 0 : index
        %get3A_564 = tpu.vector_load %arg8[%get3A_562, %get3A_563] {strides = array<i32>} : memref<400x64xi8, #tpu.memory_space<vmem>>, vector<64xi8>,
        %bitcast3A_565 = vector.bitcast %get3A_564 : vector<64xi8> to vector<16xi32>
        %gather3A_566 = tpu.vector_load_idx %arg9[%broadcast_in_dim3A_561] : memref<400xf32, #tpu.memory_space<vmem>>[vector<16xi32>], vector<16xf32>,
        %gather3A_567 = tpu.vector_load_idx %arg10[%broadcast_in_dim3A_561] : memref<400xf32, #tpu.memory_space<vmem>>[vector<16xi32>], vector<16xf32>,
        %mul3A_568 = arith.mulf %gather3A_567, %gather3A_566 : vector<16xf32>
        %and3A_569 = arith.constant 255 : i32
        %and3A_570 = vector.broadcast %and3A_569 : i32 to vector<16xi32>
        %and3A_571 = arith.andi %bitcast3A_565, %and3A_570 : vector<16xi32>
        %convert_element_type3A_572 = arith.sitofp %and3A_571 : vector<16xi32> to vector<16xf32>
        %mul3A_573 = arith.mulf %convert_element_type3A_572, %gather3A_566 : vector<16xf32>
        %sub3A_574 = arith.subf %mul3A_573, %mul3A_568 : vector<16xf32>
        tpu.vector_store_idx %arg11[%broadcast_in_dim3A_561, %add3A_8], %sub3A_574 : memref<400x64xf32, #tpu.memory_space<vmem>>[vector<16xi32>, vector<16xi32>], vector<16xf32>,
        %shift_right_arithmetic3A_575 = arith.constant 8 : i32
        %shift_right_arithmetic3A_576 = vector.broadcast %shift_right_arithmetic3A_575 : i32 to vector<16xi32>
        %shift_right_arithmetic3A_577 = arith.shrsi %bitcast3A_565, %shift_right_arithmetic3A_576 : vector<16xi32>
        %and3A_578 = arith.constant 255 : i32
        %and3A_579 = vector.broadcast %and3A_578 : i32 to vector<16xi32>
        %and3A_580 = arith.andi %shift_right_arithmetic3A_577, %and3A_579 : vector<16xi32>
        %convert_element_type3A_581 = arith.sitofp %and3A_580 : vector<16xi32> to vector<16xf32>
        %mul3A_582 = arith.mulf %convert_element_type3A_581, %gather3A_566 : vector<16xf32>
        %sub3A_583 = arith.subf %mul3A_582, %mul3A_568 : vector<16xf32>
        tpu.vector_store_idx %arg11[%broadcast_in_dim3A_561, %add3A_14], %sub3A_583 : memref<400x64xf32, #tpu.memory_space<vmem>>[vector<16xi32>, vector<16xi32>], vector<16xf32>,
        %shift_right_arithmetic3A_584 = arith.constant 16 : i32
        %shift_right_arithmetic3A_585 = vector.broadcast %shift_right_arithmetic3A_584 : i32 to vector<16xi32>
        %shift_right_arithmetic3A_586 = arith.shrsi %bitcast3A_565, %shift_right_arithmetic3A_585 : vector<16xi32>
        %and3A_587 = arith.constant 255 : i32
        %and3A_588 = vector.broadcast %and3A_587 : i32 to vector<16xi32>
        %and3A_589 = arith.andi %shift_right_arithmetic3A_586, %and3A_588 : vector<16xi32>
        %convert_element_type3A_590 = arith.sitofp %and3A_589 : vector<16xi32> to vector<16xf32>
        %mul3A_591 = arith.mulf %convert_element_type3A_590, %gather3A_566 : vector<16xf32>
        %sub3A_592 = arith.subf %mul3A_591, %mul3A_568 : vector<16xf32>
        tpu.vector_store_idx %arg11[%broadcast_in_dim3A_561, %add3A_20], %sub3A_592 : memref<400x64xf32, #tpu.memory_space<vmem>>[vector<16xi32>, vector<16xi32>], vector<16xf32>,
        %shift_right_logical3A_593 = arith.constant 24 : i32
        %shift_right_logical3A_594 = vector.broadcast %shift_right_logical3A_593 : i32 to vector<16xi32>
        %shift_right_logical3A_595 = arith.shrui %bitcast3A_565, %shift_right_logical3A_594 : vector<16xi32>
        %convert_element_type3A_596 = arith.sitofp %shift_right_logical3A_595 : vector<16xi32> to vector<16xf32>
        %mul3A_597 = arith.mulf %convert_element_type3A_596, %gather3A_566 : vector<16xf32>
        %sub3A_598 = arith.subf %mul3A_597, %mul3A_568 : vector<16xf32>
        tpu.vector_store_idx %arg11[%broadcast_in_dim3A_561, %add3A_26], %sub3A_598 : memref<400x64xf32, #tpu.memory_space<vmem>>[vector<16xi32>, vector<16xi32>], vector<16xf32>,
        %add3A_599 = arith.constant 5 : i32
        %add3A_600 = arith.addi %mul3A_407, %add3A_599 : i32
        %broadcast_in_dim3A_601 = vector.broadcast %add3A_600 : i32 to vector<16xi32>
        %get3A_602 = arith.index_cast %add3A_600 : i32 to index
        %get3A_603 = arith.constant 0 : index
        %get3A_604 = tpu.vector_load %arg8[%get3A_602, %get3A_603] {strides = array<i32>} : memref<400x64xi8, #tpu.memory_space<vmem>>, vector<64xi8>,
        %bitcast3A_605 = vector.bitcast %get3A_604 : vector<64xi8> to vector<16xi32>
        %gather3A_606 = tpu.vector_load_idx %arg9[%broadcast_in_dim3A_601] : memref<400xf32, #tpu.memory_space<vmem>>[vector<16xi32>], vector<16xf32>,
        %gather3A_607 = tpu.vector_load_idx %arg10[%broadcast_in_dim3A_601] : memref<400xf32, #tpu.memory_space<vmem>>[vector<16xi32>], vector<16xf32>,
        %mul3A_608 = arith.mulf %gather3A_607, %gather3A_606 : vector<16xf32>
        %and3A_609 = arith.constant 255 : i32
        %and3A_610 = vector.broadcast %and3A_609 : i32 to vector<16xi32>
        %and3A_611 = arith.andi %bitcast3A_605, %and3A_610 : vector<16xi32>
        %convert_element_type3A_612 = arith.sitofp %and3A_611 : vector<16xi32> to vector<16xf32>
        %mul3A_613 = arith.mulf %convert_element_type3A_612, %gather3A_606 : vector<16xf32>
        %sub3A_614 = arith.subf %mul3A_613, %mul3A_608 : vector<16xf32>
        tpu.vector_store_idx %arg11[%broadcast_in_dim3A_601, %add3A_8], %sub3A_614 : memref<400x64xf32, #tpu.memory_space<vmem>>[vector<16xi32>, vector<16xi32>], vector<16xf32>,
        %shift_right_arithmetic3A_615 = arith.constant 8 : i32
        %shift_right_arithmetic3A_616 = vector.broadcast %shift_right_arithmetic3A_615 : i32 to vector<16xi32>
        %shift_right_arithmetic3A_617 = arith.shrsi %bitcast3A_605, %shift_right_arithmetic3A_616 : vector<16xi32>
        %and3A_618 = arith.constant 255 : i32
        %and3A_619 = vector.broadcast %and3A_618 : i32 to vector<16xi32>
        %and3A_620 = arith.andi %shift_right_arithmetic3A_617, %and3A_619 : vector<16xi32>
        %convert_element_type3A_621 = arith.sitofp %and3A_620 : vector<16xi32> to vector<16xf32>
        %mul3A_622 = arith.mulf %convert_element_type3A_621, %gather3A_606 : vector<16xf32>
        %sub3A_623 = arith.subf %mul3A_622, %mul3A_608 : vector<16xf32>
        tpu.vector_store_idx %arg11[%broadcast_in_dim3A_601, %add3A_14], %sub3A_623 : memref<400x64xf32, #tpu.memory_space<vmem>>[vector<16xi32>, vector<16xi32>], vector<16xf32>,
        %shift_right_arithmetic3A_624 = arith.constant 16 : i32
        %shift_right_arithmetic3A_625 = vector.broadcast %shift_right_arithmetic3A_624 : i32 to vector<16xi32>
        %shift_right_arithmetic3A_626 = arith.shrsi %bitcast3A_605, %shift_right_arithmetic3A_625 : vector<16xi32>
        %and3A_627 = arith.constant 255 : i32
        %and3A_628 = vector.broadcast %and3A_627 : i32 to vector<16xi32>
        %and3A_629 = arith.andi %shift_right_arithmetic3A_626, %and3A_628 : vector<16xi32>
        %convert_element_type3A_630 = arith.sitofp %and3A_629 : vector<16xi32> to vector<16xf32>
        %mul3A_631 = arith.mulf %convert_element_type3A_630, %gather3A_606 : vector<16xf32>
        %sub3A_632 = arith.subf %mul3A_631, %mul3A_608 : vector<16xf32>
        tpu.vector_store_idx %arg11[%broadcast_in_dim3A_601, %add3A_20], %sub3A_632 : memref<400x64xf32, #tpu.memory_space<vmem>>[vector<16xi32>, vector<16xi32>], vector<16xf32>,
        %shift_right_logical3A_633 = arith.constant 24 : i32
        %shift_right_logical3A_634 = vector.broadcast %shift_right_logical3A_633 : i32 to vector<16xi32>
        %shift_right_logical3A_635 = arith.shrui %bitcast3A_605, %shift_right_logical3A_634 : vector<16xi32>
        %convert_element_type3A_636 = arith.sitofp %shift_right_logical3A_635 : vector<16xi32> to vector<16xf32>
        %mul3A_637 = arith.mulf %convert_element_type3A_636, %gather3A_606 : vector<16xf32>
        %sub3A_638 = arith.subf %mul3A_637, %mul3A_608 : vector<16xf32>
        tpu.vector_store_idx %arg11[%broadcast_in_dim3A_601, %add3A_26], %sub3A_638 : memref<400x64xf32, #tpu.memory_space<vmem>>[vector<16xi32>, vector<16xi32>], vector<16xf32>,
        %add3A_639 = arith.constant 6 : i32
        %add3A_640 = arith.addi %mul3A_407, %add3A_639 : i32
        %broadcast_in_dim3A_641 = vector.broadcast %add3A_640 : i32 to vector<16xi32>
        %get3A_642 = arith.index_cast %add3A_640 : i32 to index
        %get3A_643 = arith.constant 0 : index
        %get3A_644 = tpu.vector_load %arg8[%get3A_642, %get3A_643] {strides = array<i32>} : memref<400x64xi8, #tpu.memory_space<vmem>>, vector<64xi8>,
        %bitcast3A_645 = vector.bitcast %get3A_644 : vector<64xi8> to vector<16xi32>
        %gather3A_646 = tpu.vector_load_idx %arg9[%broadcast_in_dim3A_641] : memref<400xf32, #tpu.memory_space<vmem>>[vector<16xi32>], vector<16xf32>,
        %gather3A_647 = tpu.vector_load_idx %arg10[%broadcast_in_dim3A_641] : memref<400xf32, #tpu.memory_space<vmem>>[vector<16xi32>], vector<16xf32>,
        %mul3A_648 = arith.mulf %gather3A_647, %gather3A_646 : vector<16xf32>
        %and3A_649 = arith.constant 255 : i32
        %and3A_650 = vector.broadcast %and3A_649 : i32 to vector<16xi32>
        %and3A_651 = arith.andi %bitcast3A_645, %and3A_650 : vector<16xi32>
        %convert_element_type3A_652 = arith.sitofp %and3A_651 : vector<16xi32> to vector<16xf32>
        %mul3A_653 = arith.mulf %convert_element_type3A_652, %gather3A_646 : vector<16xf32>
        %sub3A_654 = arith.subf %mul3A_653, %mul3A_648 : vector<16xf32>
        tpu.vector_store_idx %arg11[%broadcast_in_dim3A_641, %add3A_8], %sub3A_654 : memref<400x64xf32, #tpu.memory_space<vmem>>[vector<16xi32>, vector<16xi32>], vector<16xf32>,
        %shift_right_arithmetic3A_655 = arith.constant 8 : i32
        %shift_right_arithmetic3A_656 = vector.broadcast %shift_right_arithmetic3A_655 : i32 to vector<16xi32>
        %shift_right_arithmetic3A_657 = arith.shrsi %bitcast3A_645, %shift_right_arithmetic3A_656 : vector<16xi32>
        %and3A_658 = arith.constant 255 : i32
        %and3A_659 = vector.broadcast %and3A_658 : i32 to vector<16xi32>
        %and3A_660 = arith.andi %shift_right_arithmetic3A_657, %and3A_659 : vector<16xi32>
        %convert_element_type3A_661 = arith.sitofp %and3A_660 : vector<16xi32> to vector<16xf32>
        %mul3A_662 = arith.mulf %convert_element_type3A_661, %gather3A_646 : vector<16xf32>
        %sub3A_663 = arith.subf %mul3A_662, %mul3A_648 : vector<16xf32>
        tpu.vector_store_idx %arg11[%broadcast_in_dim3A_641, %add3A_14], %sub3A_663 : memref<400x64xf32, #tpu.memory_space<vmem>>[vector<16xi32>, vector<16xi32>], vector<16xf32>,
        %shift_right_arithmetic3A_664 = arith.constant 16 : i32
        %shift_right_arithmetic3A_665 = vector.broadcast %shift_right_arithmetic3A_664 : i32 to vector<16xi32>
        %shift_right_arithmetic3A_666 = arith.shrsi %bitcast3A_645, %shift_right_arithmetic3A_665 : vector<16xi32>
        %and3A_667 = arith.constant 255 : i32
        %and3A_668 = vector.broadcast %and3A_667 : i32 to vector<16xi32>
        %and3A_669 = arith.andi %shift_right_arithmetic3A_666, %and3A_668 : vector<16xi32>
        %convert_element_type3A_670 = arith.sitofp %and3A_669 : vector<16xi32> to vector<16xf32>
        %mul3A_671 = arith.mulf %convert_element_type3A_670, %gather3A_646 : vector<16xf32>
        %sub3A_672 = arith.subf %mul3A_671, %mul3A_648 : vector<16xf32>
        tpu.vector_store_idx %arg11[%broadcast_in_dim3A_641, %add3A_20], %sub3A_672 : memref<400x64xf32, #tpu.memory_space<vmem>>[vector<16xi32>, vector<16xi32>], vector<16xf32>,
        %shift_right_logical3A_673 = arith.constant 24 : i32
        %shift_right_logical3A_674 = vector.broadcast %shift_right_logical3A_673 : i32 to vector<16xi32>
        %shift_right_logical3A_675 = arith.shrui %bitcast3A_645, %shift_right_logical3A_674 : vector<16xi32>
        %convert_element_type3A_676 = arith.sitofp %shift_right_logical3A_675 : vector<16xi32> to vector<16xf32>
        %mul3A_677 = arith.mulf %convert_element_type3A_676, %gather3A_646 : vector<16xf32>
        %sub3A_678 = arith.subf %mul3A_677, %mul3A_648 : vector<16xf32>
        tpu.vector_store_idx %arg11[%broadcast_in_dim3A_641, %add3A_26], %sub3A_678 : memref<400x64xf32, #tpu.memory_space<vmem>>[vector<16xi32>, vector<16xi32>], vector<16xf32>,
        %add3A_679 = arith.constant 7 : i32
        %add3A_680 = arith.addi %mul3A_407, %add3A_679 : i32
        %broadcast_in_dim3A_681 = vector.broadcast %add3A_680 : i32 to vector<16xi32>
        %get3A_682 = arith.index_cast %add3A_680 : i32 to index
        %get3A_683 = arith.constant 0 : index
        %get3A_684 = tpu.vector_load %arg8[%get3A_682, %get3A_683] {strides = array<i32>} : memref<400x64xi8, #tpu.memory_space<vmem>>, vector<64xi8>,
        %bitcast3A_685 = vector.bitcast %get3A_684 : vector<64xi8> to vector<16xi32>
        %gather3A_686 = tpu.vector_load_idx %arg9[%broadcast_in_dim3A_681] : memref<400xf32, #tpu.memory_space<vmem>>[vector<16xi32>], vector<16xf32>,
        %gather3A_687 = tpu.vector_load_idx %arg10[%broadcast_in_dim3A_681] : memref<400xf32, #tpu.memory_space<vmem>>[vector<16xi32>], vector<16xf32>,
        %mul3A_688 = arith.mulf %gather3A_687, %gather3A_686 : vector<16xf32>
        %and3A_689 = arith.constant 255 : i32
        %and3A_690 = vector.broadcast %and3A_689 : i32 to vector<16xi32>
        %and3A_691 = arith.andi %bitcast3A_685, %and3A_690 : vector<16xi32>
        %convert_element_type3A_692 = arith.sitofp %and3A_691 : vector<16xi32> to vector<16xf32>
        %mul3A_693 = arith.mulf %convert_element_type3A_692, %gather3A_686 : vector<16xf32>
        %sub3A_694 = arith.subf %mul3A_693, %mul3A_688 : vector<16xf32>
        tpu.vector_store_idx %arg11[%broadcast_in_dim3A_681, %add3A_8], %sub3A_694 : memref<400x64xf32, #tpu.memory_space<vmem>>[vector<16xi32>, vector<16xi32>], vector<16xf32>,
        %shift_right_arithmetic3A_695 = arith.constant 8 : i32
        %shift_right_arithmetic3A_696 = vector.broadcast %shift_right_arithmetic3A_695 : i32 to vector<16xi32>
        %shift_right_arithmetic3A_697 = arith.shrsi %bitcast3A_685, %shift_right_arithmetic3A_696 : vector<16xi32>
        %and3A_698 = arith.constant 255 : i32
        %and3A_699 = vector.broadcast %and3A_698 : i32 to vector<16xi32>
        %and3A_700 = arith.andi %shift_right_arithmetic3A_697, %and3A_699 : vector<16xi32>
        %convert_element_type3A_701 = arith.sitofp %and3A_700 : vector<16xi32> to vector<16xf32>
        %mul3A_702 = arith.mulf %convert_element_type3A_701, %gather3A_686 : vector<16xf32>
        %sub3A_703 = arith.subf %mul3A_702, %mul3A_688 : vector<16xf32>
        tpu.vector_store_idx %arg11[%broadcast_in_dim3A_681, %add3A_14], %sub3A_703 : memref<400x64xf32, #tpu.memory_space<vmem>>[vector<16xi32>, vector<16xi32>], vector<16xf32>,
        %shift_right_arithmetic3A_704 = arith.constant 16 : i32
        %shift_right_arithmetic3A_705 = vector.broadcast %shift_right_arithmetic3A_704 : i32 to vector<16xi32>
        %shift_right_arithmetic3A_706 = arith.shrsi %bitcast3A_685, %shift_right_arithmetic3A_705 : vector<16xi32>
        %and3A_707 = arith.constant 255 : i32
        %and3A_708 = vector.broadcast %and3A_707 : i32 to vector<16xi32>
        %and3A_709 = arith.andi %shift_right_arithmetic3A_706, %and3A_708 : vector<16xi32>
        %convert_element_type3A_710 = arith.sitofp %and3A_709 : vector<16xi32> to vector<16xf32>
        %mul3A_711 = arith.mulf %convert_element_type3A_710, %gather3A_686 : vector<16xf32>
        %sub3A_712 = arith.subf %mul3A_711, %mul3A_688 : vector<16xf32>
        tpu.vector_store_idx %arg11[%broadcast_in_dim3A_681, %add3A_20], %sub3A_712 : memref<400x64xf32, #tpu.memory_space<vmem>>[vector<16xi32>, vector<16xi32>], vector<16xf32>,
        %shift_right_logical3A_713 = arith.constant 24 : i32
        %shift_right_logical3A_714 = vector.broadcast %shift_right_logical3A_713 : i32 to vector<16xi32>
        %shift_right_logical3A_715 = arith.shrui %bitcast3A_685, %shift_right_logical3A_714 : vector<16xi32>
        %convert_element_type3A_716 = arith.sitofp %shift_right_logical3A_715 : vector<16xi32> to vector<16xf32>
        %mul3A_717 = arith.mulf %convert_element_type3A_716, %gather3A_686 : vector<16xf32>
        %sub3A_718 = arith.subf %mul3A_717, %mul3A_688 : vector<16xf32>
        tpu.vector_store_idx %arg11[%broadcast_in_dim3A_681, %add3A_26], %sub3A_718 : memref<400x64xf32, #tpu.memory_space<vmem>>[vector<16xi32>, vector<16xi32>], vector<16xf32>,
        %add3A_719 = arith.constant 8 : i32
        %add3A_720 = arith.addi %mul3A_407, %add3A_719 : i32
        %broadcast_in_dim3A_721 = vector.broadcast %add3A_720 : i32 to vector<16xi32>
        %get3A_722 = arith.index_cast %add3A_720 : i32 to index
        %get3A_723 = arith.constant 0 : index
        %get3A_724 = tpu.vector_load %arg8[%get3A_722, %get3A_723] {strides = array<i32>} : memref<400x64xi8, #tpu.memory_space<vmem>>, vector<64xi8>,
        %bitcast3A_725 = vector.bitcast %get3A_724 : vector<64xi8> to vector<16xi32>
        %gather3A_726 = tpu.vector_load_idx %arg9[%broadcast_in_dim3A_721] : memref<400xf32, #tpu.memory_space<vmem>>[vector<16xi32>], vector<16xf32>,
        %gather3A_727 = tpu.vector_load_idx %arg10[%broadcast_in_dim3A_721] : memref<400xf32, #tpu.memory_space<vmem>>[vector<16xi32>], vector<16xf32>,
        %mul3A_728 = arith.mulf %gather3A_727, %gather3A_726 : vector<16xf32>
        %and3A_729 = arith.constant 255 : i32
        %and3A_730 = vector.broadcast %and3A_729 : i32 to vector<16xi32>
        %and3A_731 = arith.andi %bitcast3A_725, %and3A_730 : vector<16xi32>
        %convert_element_type3A_732 = arith.sitofp %and3A_731 : vector<16xi32> to vector<16xf32>
        %mul3A_733 = arith.mulf %convert_element_type3A_732, %gather3A_726 : vector<16xf32>
        %sub3A_734 = arith.subf %mul3A_733, %mul3A_728 : vector<16xf32>
        tpu.vector_store_idx %arg11[%broadcast_in_dim3A_721, %add3A_8], %sub3A_734 : memref<400x64xf32, #tpu.memory_space<vmem>>[vector<16xi32>, vector<16xi32>], vector<16xf32>,
        %shift_right_arithmetic3A_735 = arith.constant 8 : i32
        %shift_right_arithmetic3A_736 = vector.broadcast %shift_right_arithmetic3A_735 : i32 to vector<16xi32>
        %shift_right_arithmetic3A_737 = arith.shrsi %bitcast3A_725, %shift_right_arithmetic3A_736 : vector<16xi32>
        %and3A_738 = arith.constant 255 : i32
        %and3A_739 = vector.broadcast %and3A_738 : i32 to vector<16xi32>
        %and3A_740 = arith.andi %shift_right_arithmetic3A_737, %and3A_739 : vector<16xi32>
        %convert_element_type3A_741 = arith.sitofp %and3A_740 : vector<16xi32> to vector<16xf32>
        %mul3A_742 = arith.mulf %convert_element_type3A_741, %gather3A_726 : vector<16xf32>
        %sub3A_743 = arith.subf %mul3A_742, %mul3A_728 : vector<16xf32>
        tpu.vector_store_idx %arg11[%broadcast_in_dim3A_721, %add3A_14], %sub3A_743 : memref<400x64xf32, #tpu.memory_space<vmem>>[vector<16xi32>, vector<16xi32>], vector<16xf32>,
        %shift_right_arithmetic3A_744 = arith.constant 16 : i32
        %shift_right_arithmetic3A_745 = vector.broadcast %shift_right_arithmetic3A_744 : i32 to vector<16xi32>
        %shift_right_arithmetic3A_746 = arith.shrsi %bitcast3A_725, %shift_right_arithmetic3A_745 : vector<16xi32>
        %and3A_747 = arith.constant 255 : i32
        %and3A_748 = vector.broadcast %and3A_747 : i32 to vector<16xi32>
        %and3A_749 = arith.andi %shift_right_arithmetic3A_746, %and3A_748 : vector<16xi32>
        %convert_element_type3A_750 = arith.sitofp %and3A_749 : vector<16xi32> to vector<16xf32>
        %mul3A_751 = arith.mulf %convert_element_type3A_750, %gather3A_726 : vector<16xf32>
        %sub3A_752 = arith.subf %mul3A_751, %mul3A_728 : vector<16xf32>
        tpu.vector_store_idx %arg11[%broadcast_in_dim3A_721, %add3A_20], %sub3A_752 : memref<400x64xf32, #tpu.memory_space<vmem>>[vector<16xi32>, vector<16xi32>], vector<16xf32>,
        %shift_right_logical3A_753 = arith.constant 24 : i32
        %shift_right_logical3A_754 = vector.broadcast %shift_right_logical3A_753 : i32 to vector<16xi32>
        %shift_right_logical3A_755 = arith.shrui %bitcast3A_725, %shift_right_logical3A_754 : vector<16xi32>
        %convert_element_type3A_756 = arith.sitofp %shift_right_logical3A_755 : vector<16xi32> to vector<16xf32>
        %mul3A_757 = arith.mulf %convert_element_type3A_756, %gather3A_726 : vector<16xf32>
        %sub3A_758 = arith.subf %mul3A_757, %mul3A_728 : vector<16xf32>
        tpu.vector_store_idx %arg11[%broadcast_in_dim3A_721, %add3A_26], %sub3A_758 : memref<400x64xf32, #tpu.memory_space<vmem>>[vector<16xi32>, vector<16xi32>], vector<16xf32>,
        %add3A_759 = arith.constant 9 : i32
        %add3A_760 = arith.addi %mul3A_407, %add3A_759 : i32
        %broadcast_in_dim3A_761 = vector.broadcast %add3A_760 : i32 to vector<16xi32>
        %get3A_762 = arith.index_cast %add3A_760 : i32 to index
        %get3A_763 = arith.constant 0 : index
        %get3A_764 = tpu.vector_load %arg8[%get3A_762, %get3A_763] {strides = array<i32>} : memref<400x64xi8, #tpu.memory_space<vmem>>, vector<64xi8>,
        %bitcast3A_765 = vector.bitcast %get3A_764 : vector<64xi8> to vector<16xi32>
        %gather3A_766 = tpu.vector_load_idx %arg9[%broadcast_in_dim3A_761] : memref<400xf32, #tpu.memory_space<vmem>>[vector<16xi32>], vector<16xf32>,
        %gather3A_767 = tpu.vector_load_idx %arg10[%broadcast_in_dim3A_761] : memref<400xf32, #tpu.memory_space<vmem>>[vector<16xi32>], vector<16xf32>,
        %mul3A_768 = arith.mulf %gather3A_767, %gather3A_766 : vector<16xf32>
        %and3A_769 = arith.constant 255 : i32
        %and3A_770 = vector.broadcast %and3A_769 : i32 to vector<16xi32>
        %and3A_771 = arith.andi %bitcast3A_765, %and3A_770 : vector<16xi32>
        %convert_element_type3A_772 = arith.sitofp %and3A_771 : vector<16xi32> to vector<16xf32>
        %mul3A_773 = arith.mulf %convert_element_type3A_772, %gather3A_766 : vector<16xf32>
        %sub3A_774 = arith.subf %mul3A_773, %mul3A_768 : vector<16xf32>
        tpu.vector_store_idx %arg11[%broadcast_in_dim3A_761, %add3A_8], %sub3A_774 : memref<400x64xf32, #tpu.memory_space<vmem>>[vector<16xi32>, vector<16xi32>], vector<16xf32>,
        %shift_right_arithmetic3A_775 = arith.constant 8 : i32
        %shift_right_arithmetic3A_776 = vector.broadcast %shift_right_arithmetic3A_775 : i32 to vector<16xi32>
        %shift_right_arithmetic3A_777 = arith.shrsi %bitcast3A_765, %shift_right_arithmetic3A_776 : vector<16xi32>
        %and3A_778 = arith.constant 255 : i32
        %and3A_779 = vector.broadcast %and3A_778 : i32 to vector<16xi32>
        %and3A_780 = arith.andi %shift_right_arithmetic3A_777, %and3A_779 : vector<16xi32>
        %convert_element_type3A_781 = arith.sitofp %and3A_780 : vector<16xi32> to vector<16xf32>
        %mul3A_782 = arith.mulf %convert_element_type3A_781, %gather3A_766 : vector<16xf32>
        %sub3A_783 = arith.subf %mul3A_782, %mul3A_768 : vector<16xf32>
        tpu.vector_store_idx %arg11[%broadcast_in_dim3A_761, %add3A_14], %sub3A_783 : memref<400x64xf32, #tpu.memory_space<vmem>>[vector<16xi32>, vector<16xi32>], vector<16xf32>,
        %shift_right_arithmetic3A_784 = arith.constant 16 : i32
        %shift_right_arithmetic3A_785 = vector.broadcast %shift_right_arithmetic3A_784 : i32 to vector<16xi32>
        %shift_right_arithmetic3A_786 = arith.shrsi %bitcast3A_765, %shift_right_arithmetic3A_785 : vector<16xi32>
        %and3A_787 = arith.constant 255 : i32
        %and3A_788 = vector.broadcast %and3A_787 : i32 to vector<16xi32>
        %and3A_789 = arith.andi %shift_right_arithmetic3A_786, %and3A_788 : vector<16xi32>
        %convert_element_type3A_790 = arith.sitofp %and3A_789 : vector<16xi32> to vector<16xf32>
        %mul3A_791 = arith.mulf %convert_element_type3A_790, %gather3A_766 : vector<16xf32>
        %sub3A_792 = arith.subf %mul3A_791, %mul3A_768 : vector<16xf32>
        tpu.vector_store_idx %arg11[%broadcast_in_dim3A_761, %add3A_20], %sub3A_792 : memref<400x64xf32, #tpu.memory_space<vmem>>[vector<16xi32>, vector<16xi32>], vector<16xf32>,
        %shift_right_logical3A_793 = arith.constant 24 : i32
        %shift_right_logical3A_794 = vector.broadcast %shift_right_logical3A_793 : i32 to vector<16xi32>
        %shift_right_logical3A_795 = arith.shrui %bitcast3A_765, %shift_right_logical3A_794 : vector<16xi32>
        %convert_element_type3A_796 = arith.sitofp %shift_right_logical3A_795 : vector<16xi32> to vector<16xf32>
        %mul3A_797 = arith.mulf %convert_element_type3A_796, %gather3A_766 : vector<16xf32>
        %sub3A_798 = arith.subf %mul3A_797, %mul3A_768 : vector<16xf32>
        tpu.vector_store_idx %arg11[%broadcast_in_dim3A_761, %add3A_26], %sub3A_798 : memref<400x64xf32, #tpu.memory_space<vmem>>[vector<16xi32>, vector<16xi32>], vector<16xf32>,
        %add3A_799 = arith.constant 10 : i32
        %add3A_800 = arith.addi %mul3A_407, %add3A_799 : i32
        %broadcast_in_dim3A_801 = vector.broadcast %add3A_800 : i32 to vector<16xi32>
        %get3A_802 = arith.index_cast %add3A_800 : i32 to index
        %get3A_803 = arith.constant 0 : index
        %get3A_804 = tpu.vector_load %arg8[%get3A_802, %get3A_803] {strides = array<i32>} : memref<400x64xi8, #tpu.memory_space<vmem>>, vector<64xi8>,
        %bitcast3A_805 = vector.bitcast %get3A_804 : vector<64xi8> to vector<16xi32>
        %gather3A_806 = tpu.vector_load_idx %arg9[%broadcast_in_dim3A_801] : memref<400xf32, #tpu.memory_space<vmem>>[vector<16xi32>], vector<16xf32>,
        %gather3A_807 = tpu.vector_load_idx %arg10[%broadcast_in_dim3A_801] : memref<400xf32, #tpu.memory_space<vmem>>[vector<16xi32>], vector<16xf32>,
        %mul3A_808 = arith.mulf %gather3A_807, %gather3A_806 : vector<16xf32>
        %and3A_809 = arith.constant 255 : i32
        %and3A_810 = vector.broadcast %and3A_809 : i32 to vector<16xi32>
        %and3A_811 = arith.andi %bitcast3A_805, %and3A_810 : vector<16xi32>
        %convert_element_type3A_812 = arith.sitofp %and3A_811 : vector<16xi32> to vector<16xf32>
        %mul3A_813 = arith.mulf %convert_element_type3A_812, %gather3A_806 : vector<16xf32>
        %sub3A_814 = arith.subf %mul3A_813, %mul3A_808 : vector<16xf32>
        tpu.vector_store_idx %arg11[%broadcast_in_dim3A_801, %add3A_8], %sub3A_814 : memref<400x64xf32, #tpu.memory_space<vmem>>[vector<16xi32>, vector<16xi32>], vector<16xf32>,
        %shift_right_arithmetic3A_815 = arith.constant 8 : i32
        %shift_right_arithmetic3A_816 = vector.broadcast %shift_right_arithmetic3A_815 : i32 to vector<16xi32>
        %shift_right_arithmetic3A_817 = arith.shrsi %bitcast3A_805, %shift_right_arithmetic3A_816 : vector<16xi32>
        %and3A_818 = arith.constant 255 : i32
        %and3A_819 = vector.broadcast %and3A_818 : i32 to vector<16xi32>
        %and3A_820 = arith.andi %shift_right_arithmetic3A_817, %and3A_819 : vector<16xi32>
        %convert_element_type3A_821 = arith.sitofp %and3A_820 : vector<16xi32> to vector<16xf32>
        %mul3A_822 = arith.mulf %convert_element_type3A_821, %gather3A_806 : vector<16xf32>
        %sub3A_823 = arith.subf %mul3A_822, %mul3A_808 : vector<16xf32>
        tpu.vector_store_idx %arg11[%broadcast_in_dim3A_801, %add3A_14], %sub3A_823 : memref<400x64xf32, #tpu.memory_space<vmem>>[vector<16xi32>, vector<16xi32>], vector<16xf32>,
        %shift_right_arithmetic3A_824 = arith.constant 16 : i32
        %shift_right_arithmetic3A_825 = vector.broadcast %shift_right_arithmetic3A_824 : i32 to vector<16xi32>
        %shift_right_arithmetic3A_826 = arith.shrsi %bitcast3A_805, %shift_right_arithmetic3A_825 : vector<16xi32>
        %and3A_827 = arith.constant 255 : i32
        %and3A_828 = vector.broadcast %and3A_827 : i32 to vector<16xi32>
        %and3A_829 = arith.andi %shift_right_arithmetic3A_826, %and3A_828 : vector<16xi32>
        %convert_element_type3A_830 = arith.sitofp %and3A_829 : vector<16xi32> to vector<16xf32>
        %mul3A_831 = arith.mulf %convert_element_type3A_830, %gather3A_806 : vector<16xf32>
        %sub3A_832 = arith.subf %mul3A_831, %mul3A_808 : vector<16xf32>
        tpu.vector_store_idx %arg11[%broadcast_in_dim3A_801, %add3A_20], %sub3A_832 : memref<400x64xf32, #tpu.memory_space<vmem>>[vector<16xi32>, vector<16xi32>], vector<16xf32>,
        %shift_right_logical3A_833 = arith.constant 24 : i32
        %shift_right_logical3A_834 = vector.broadcast %shift_right_logical3A_833 : i32 to vector<16xi32>
        %shift_right_logical3A_835 = arith.shrui %bitcast3A_805, %shift_right_logical3A_834 : vector<16xi32>
        %convert_element_type3A_836 = arith.sitofp %shift_right_logical3A_835 : vector<16xi32> to vector<16xf32>
        %mul3A_837 = arith.mulf %convert_element_type3A_836, %gather3A_806 : vector<16xf32>
        %sub3A_838 = arith.subf %mul3A_837, %mul3A_808 : vector<16xf32>
        tpu.vector_store_idx %arg11[%broadcast_in_dim3A_801, %add3A_26], %sub3A_838 : memref<400x64xf32, #tpu.memory_space<vmem>>[vector<16xi32>, vector<16xi32>], vector<16xf32>,
        %add3A_839 = arith.constant 11 : i32
        %add3A_840 = arith.addi %mul3A_407, %add3A_839 : i32
        %broadcast_in_dim3A_841 = vector.broadcast %add3A_840 : i32 to vector<16xi32>
        %get3A_842 = arith.index_cast %add3A_840 : i32 to index
        %get3A_843 = arith.constant 0 : index
        %get3A_844 = tpu.vector_load %arg8[%get3A_842, %get3A_843] {strides = array<i32>} : memref<400x64xi8, #tpu.memory_space<vmem>>, vector<64xi8>,
        %bitcast3A_845 = vector.bitcast %get3A_844 : vector<64xi8> to vector<16xi32>
        %gather3A_846 = tpu.vector_load_idx %arg9[%broadcast_in_dim3A_841] : memref<400xf32, #tpu.memory_space<vmem>>[vector<16xi32>], vector<16xf32>,
        %gather3A_847 = tpu.vector_load_idx %arg10[%broadcast_in_dim3A_841] : memref<400xf32, #tpu.memory_space<vmem>>[vector<16xi32>], vector<16xf32>,
        %mul3A_848 = arith.mulf %gather3A_847, %gather3A_846 : vector<16xf32>
        %and3A_849 = arith.constant 255 : i32
        %and3A_850 = vector.broadcast %and3A_849 : i32 to vector<16xi32>
        %and3A_851 = arith.andi %bitcast3A_845, %and3A_850 : vector<16xi32>
        %convert_element_type3A_852 = arith.sitofp %and3A_851 : vector<16xi32> to vector<16xf32>
        %mul3A_853 = arith.mulf %convert_element_type3A_852, %gather3A_846 : vector<16xf32>
        %sub3A_854 = arith.subf %mul3A_853, %mul3A_848 : vector<16xf32>
        tpu.vector_store_idx %arg11[%broadcast_in_dim3A_841, %add3A_8], %sub3A_854 : memref<400x64xf32, #tpu.memory_space<vmem>>[vector<16xi32>, vector<16xi32>], vector<16xf32>,
        %shift_right_arithmetic3A_855 = arith.constant 8 : i32
        %shift_right_arithmetic3A_856 = vector.broadcast %shift_right_arithmetic3A_855 : i32 to vector<16xi32>
        %shift_right_arithmetic3A_857 = arith.shrsi %bitcast3A_845, %shift_right_arithmetic3A_856 : vector<16xi32>
        %and3A_858 = arith.constant 255 : i32
        %and3A_859 = vector.broadcast %and3A_858 : i32 to vector<16xi32>
        %and3A_860 = arith.andi %shift_right_arithmetic3A_857, %and3A_859 : vector<16xi32>
        %convert_element_type3A_861 = arith.sitofp %and3A_860 : vector<16xi32> to vector<16xf32>
        %mul3A_862 = arith.mulf %convert_element_type3A_861, %gather3A_846 : vector<16xf32>
        %sub3A_863 = arith.subf %mul3A_862, %mul3A_848 : vector<16xf32>
        tpu.vector_store_idx %arg11[%broadcast_in_dim3A_841, %add3A_14], %sub3A_863 : memref<400x64xf32, #tpu.memory_space<vmem>>[vector<16xi32>, vector<16xi32>], vector<16xf32>,
        %shift_right_arithmetic3A_864 = arith.constant 16 : i32
        %shift_right_arithmetic3A_865 = vector.broadcast %shift_right_arithmetic3A_864 : i32 to vector<16xi32>
        %shift_right_arithmetic3A_866 = arith.shrsi %bitcast3A_845, %shift_right_arithmetic3A_865 : vector<16xi32>
        %and3A_867 = arith.constant 255 : i32
        %and3A_868 = vector.broadcast %and3A_867 : i32 to vector<16xi32>
        %and3A_869 = arith.andi %shift_right_arithmetic3A_866, %and3A_868 : vector<16xi32>
        %convert_element_type3A_870 = arith.sitofp %and3A_869 : vector<16xi32> to vector<16xf32>
        %mul3A_871 = arith.mulf %convert_element_type3A_870, %gather3A_846 : vector<16xf32>
        %sub3A_872 = arith.subf %mul3A_871, %mul3A_848 : vector<16xf32>
        tpu.vector_store_idx %arg11[%broadcast_in_dim3A_841, %add3A_20], %sub3A_872 : memref<400x64xf32, #tpu.memory_space<vmem>>[vector<16xi32>, vector<16xi32>], vector<16xf32>,
        %shift_right_logical3A_873 = arith.constant 24 : i32
        %shift_right_logical3A_874 = vector.broadcast %shift_right_logical3A_873 : i32 to vector<16xi32>
        %shift_right_logical3A_875 = arith.shrui %bitcast3A_845, %shift_right_logical3A_874 : vector<16xi32>
        %convert_element_type3A_876 = arith.sitofp %shift_right_logical3A_875 : vector<16xi32> to vector<16xf32>
        %mul3A_877 = arith.mulf %convert_element_type3A_876, %gather3A_846 : vector<16xf32>
        %sub3A_878 = arith.subf %mul3A_877, %mul3A_848 : vector<16xf32>
        tpu.vector_store_idx %arg11[%broadcast_in_dim3A_841, %add3A_26], %sub3A_878 : memref<400x64xf32, #tpu.memory_space<vmem>>[vector<16xi32>, vector<16xi32>], vector<16xf32>,
        %add3A_879 = arith.constant 12 : i32
        %add3A_880 = arith.addi %mul3A_407, %add3A_879 : i32
        %broadcast_in_dim3A_881 = vector.broadcast %add3A_880 : i32 to vector<16xi32>
        %get3A_882 = arith.index_cast %add3A_880 : i32 to index
        %get3A_883 = arith.constant 0 : index
        %get3A_884 = tpu.vector_load %arg8[%get3A_882, %get3A_883] {strides = array<i32>} : memref<400x64xi8, #tpu.memory_space<vmem>>, vector<64xi8>,
        %bitcast3A_885 = vector.bitcast %get3A_884 : vector<64xi8> to vector<16xi32>
        %gather3A_886 = tpu.vector_load_idx %arg9[%broadcast_in_dim3A_881] : memref<400xf32, #tpu.memory_space<vmem>>[vector<16xi32>], vector<16xf32>,
        %gather3A_887 = tpu.vector_load_idx %arg10[%broadcast_in_dim3A_881] : memref<400xf32, #tpu.memory_space<vmem>>[vector<16xi32>], vector<16xf32>,
        %mul3A_888 = arith.mulf %gather3A_887, %gather3A_886 : vector<16xf32>
        %and3A_889 = arith.constant 255 : i32
        %and3A_890 = vector.broadcast %and3A_889 : i32 to vector<16xi32>
        %and3A_891 = arith.andi %bitcast3A_885, %and3A_890 : vector<16xi32>
        %convert_element_type3A_892 = arith.sitofp %and3A_891 : vector<16xi32> to vector<16xf32>
        %mul3A_893 = arith.mulf %convert_element_type3A_892, %gather3A_886 : vector<16xf32>
        %sub3A_894 = arith.subf %mul3A_893, %mul3A_888 : vector<16xf32>
        tpu.vector_store_idx %arg11[%broadcast_in_dim3A_881, %add3A_8], %sub3A_894 : memref<400x64xf32, #tpu.memory_space<vmem>>[vector<16xi32>, vector<16xi32>], vector<16xf32>,
        %shift_right_arithmetic3A_895 = arith.constant 8 : i32
        %shift_right_arithmetic3A_896 = vector.broadcast %shift_right_arithmetic3A_895 : i32 to vector<16xi32>
        %shift_right_arithmetic3A_897 = arith.shrsi %bitcast3A_885, %shift_right_arithmetic3A_896 : vector<16xi32>
        %and3A_898 = arith.constant 255 : i32
        %and3A_899 = vector.broadcast %and3A_898 : i32 to vector<16xi32>
        %and3A_900 = arith.andi %shift_right_arithmetic3A_897, %and3A_899 : vector<16xi32>
        %convert_element_type3A_901 = arith.sitofp %and3A_900 : vector<16xi32> to vector<16xf32>
        %mul3A_902 = arith.mulf %convert_element_type3A_901, %gather3A_886 : vector<16xf32>
        %sub3A_903 = arith.subf %mul3A_902, %mul3A_888 : vector<16xf32>
        tpu.vector_store_idx %arg11[%broadcast_in_dim3A_881, %add3A_14], %sub3A_903 : memref<400x64xf32, #tpu.memory_space<vmem>>[vector<16xi32>, vector<16xi32>], vector<16xf32>,
        %shift_right_arithmetic3A_904 = arith.constant 16 : i32
        %shift_right_arithmetic3A_905 = vector.broadcast %shift_right_arithmetic3A_904 : i32 to vector<16xi32>
        %shift_right_arithmetic3A_906 = arith.shrsi %bitcast3A_885, %shift_right_arithmetic3A_905 : vector<16xi32>
        %and3A_907 = arith.constant 255 : i32
        %and3A_908 = vector.broadcast %and3A_907 : i32 to vector<16xi32>
        %and3A_909 = arith.andi %shift_right_arithmetic3A_906, %and3A_908 : vector<16xi32>
        %convert_element_type3A_910 = arith.sitofp %and3A_909 : vector<16xi32> to vector<16xf32>
        %mul3A_911 = arith.mulf %convert_element_type3A_910, %gather3A_886 : vector<16xf32>
        %sub3A_912 = arith.subf %mul3A_911, %mul3A_888 : vector<16xf32>
        tpu.vector_store_idx %arg11[%broadcast_in_dim3A_881, %add3A_20], %sub3A_912 : memref<400x64xf32, #tpu.memory_space<vmem>>[vector<16xi32>, vector<16xi32>], vector<16xf32>,
        %shift_right_logical3A_913 = arith.constant 24 : i32
        %shift_right_logical3A_914 = vector.broadcast %shift_right_logical3A_913 : i32 to vector<16xi32>
        %shift_right_logical3A_915 = arith.shrui %bitcast3A_885, %shift_right_logical3A_914 : vector<16xi32>
        %convert_element_type3A_916 = arith.sitofp %shift_right_logical3A_915 : vector<16xi32> to vector<16xf32>
        %mul3A_917 = arith.mulf %convert_element_type3A_916, %gather3A_886 : vector<16xf32>
        %sub3A_918 = arith.subf %mul3A_917, %mul3A_888 : vector<16xf32>
        tpu.vector_store_idx %arg11[%broadcast_in_dim3A_881, %add3A_26], %sub3A_918 : memref<400x64xf32, #tpu.memory_space<vmem>>[vector<16xi32>, vector<16xi32>], vector<16xf32>,
        %add3A_919 = arith.constant 13 : i32
        %add3A_920 = arith.addi %mul3A_407, %add3A_919 : i32
        %broadcast_in_dim3A_921 = vector.broadcast %add3A_920 : i32 to vector<16xi32>
        %get3A_922 = arith.index_cast %add3A_920 : i32 to index
        %get3A_923 = arith.constant 0 : index
        %get3A_924 = tpu.vector_load %arg8[%get3A_922, %get3A_923] {strides = array<i32>} : memref<400x64xi8, #tpu.memory_space<vmem>>, vector<64xi8>,
        %bitcast3A_925 = vector.bitcast %get3A_924 : vector<64xi8> to vector<16xi32>
        %gather3A_926 = tpu.vector_load_idx %arg9[%broadcast_in_dim3A_921] : memref<400xf32, #tpu.memory_space<vmem>>[vector<16xi32>], vector<16xf32>,
        %gather3A_927 = tpu.vector_load_idx %arg10[%broadcast_in_dim3A_921] : memref<400xf32, #tpu.memory_space<vmem>>[vector<16xi32>], vector<16xf32>,
        %mul3A_928 = arith.mulf %gather3A_927, %gather3A_926 : vector<16xf32>
        %and3A_929 = arith.constant 255 : i32
        %and3A_930 = vector.broadcast %and3A_929 : i32 to vector<16xi32>
        %and3A_931 = arith.andi %bitcast3A_925, %and3A_930 : vector<16xi32>
        %convert_element_type3A_932 = arith.sitofp %and3A_931 : vector<16xi32> to vector<16xf32>
        %mul3A_933 = arith.mulf %convert_element_type3A_932, %gather3A_926 : vector<16xf32>
        %sub3A_934 = arith.subf %mul3A_933, %mul3A_928 : vector<16xf32>
        tpu.vector_store_idx %arg11[%broadcast_in_dim3A_921, %add3A_8], %sub3A_934 : memref<400x64xf32, #tpu.memory_space<vmem>>[vector<16xi32>, vector<16xi32>], vector<16xf32>,
        %shift_right_arithmetic3A_935 = arith.constant 8 : i32
        %shift_right_arithmetic3A_936 = vector.broadcast %shift_right_arithmetic3A_935 : i32 to vector<16xi32>
        %shift_right_arithmetic3A_937 = arith.shrsi %bitcast3A_925, %shift_right_arithmetic3A_936 : vector<16xi32>
        %and3A_938 = arith.constant 255 : i32
        %and3A_939 = vector.broadcast %and3A_938 : i32 to vector<16xi32>
        %and3A_940 = arith.andi %shift_right_arithmetic3A_937, %and3A_939 : vector<16xi32>
        %convert_element_type3A_941 = arith.sitofp %and3A_940 : vector<16xi32> to vector<16xf32>
        %mul3A_942 = arith.mulf %convert_element_type3A_941, %gather3A_926 : vector<16xf32>
        %sub3A_943 = arith.subf %mul3A_942, %mul3A_928 : vector<16xf32>
        tpu.vector_store_idx %arg11[%broadcast_in_dim3A_921, %add3A_14], %sub3A_943 : memref<400x64xf32, #tpu.memory_space<vmem>>[vector<16xi32>, vector<16xi32>], vector<16xf32>,
        %shift_right_arithmetic3A_944 = arith.constant 16 : i32
        %shift_right_arithmetic3A_945 = vector.broadcast %shift_right_arithmetic3A_944 : i32 to vector<16xi32>
        %shift_right_arithmetic3A_946 = arith.shrsi %bitcast3A_925, %shift_right_arithmetic3A_945 : vector<16xi32>
        %and3A_947 = arith.constant 255 : i32
        %and3A_948 = vector.broadcast %and3A_947 : i32 to vector<16xi32>
        %and3A_949 = arith.andi %shift_right_arithmetic3A_946, %and3A_948 : vector<16xi32>
        %convert_element_type3A_950 = arith.sitofp %and3A_949 : vector<16xi32> to vector<16xf32>
        %mul3A_951 = arith.mulf %convert_element_type3A_950, %gather3A_926 : vector<16xf32>
        %sub3A_952 = arith.subf %mul3A_951, %mul3A_928 : vector<16xf32>
        tpu.vector_store_idx %arg11[%broadcast_in_dim3A_921, %add3A_20], %sub3A_952 : memref<400x64xf32, #tpu.memory_space<vmem>>[vector<16xi32>, vector<16xi32>], vector<16xf32>,
        %shift_right_logical3A_953 = arith.constant 24 : i32
        %shift_right_logical3A_954 = vector.broadcast %shift_right_logical3A_953 : i32 to vector<16xi32>
        %shift_right_logical3A_955 = arith.shrui %bitcast3A_925, %shift_right_logical3A_954 : vector<16xi32>
        %convert_element_type3A_956 = arith.sitofp %shift_right_logical3A_955 : vector<16xi32> to vector<16xf32>
        %mul3A_957 = arith.mulf %convert_element_type3A_956, %gather3A_926 : vector<16xf32>
        %sub3A_958 = arith.subf %mul3A_957, %mul3A_928 : vector<16xf32>
        tpu.vector_store_idx %arg11[%broadcast_in_dim3A_921, %add3A_26], %sub3A_958 : memref<400x64xf32, #tpu.memory_space<vmem>>[vector<16xi32>, vector<16xi32>], vector<16xf32>,
        %add3A_959 = arith.constant 14 : i32
        %add3A_960 = arith.addi %mul3A_407, %add3A_959 : i32
        %broadcast_in_dim3A_961 = vector.broadcast %add3A_960 : i32 to vector<16xi32>
        %get3A_962 = arith.index_cast %add3A_960 : i32 to index
        %get3A_963 = arith.constant 0 : index
        %get3A_964 = tpu.vector_load %arg8[%get3A_962, %get3A_963] {strides = array<i32>} : memref<400x64xi8, #tpu.memory_space<vmem>>, vector<64xi8>,
        %bitcast3A_965 = vector.bitcast %get3A_964 : vector<64xi8> to vector<16xi32>
        %gather3A_966 = tpu.vector_load_idx %arg9[%broadcast_in_dim3A_961] : memref<400xf32, #tpu.memory_space<vmem>>[vector<16xi32>], vector<16xf32>,
        %gather3A_967 = tpu.vector_load_idx %arg10[%broadcast_in_dim3A_961] : memref<400xf32, #tpu.memory_space<vmem>>[vector<16xi32>], vector<16xf32>,
        %mul3A_968 = arith.mulf %gather3A_967, %gather3A_966 : vector<16xf32>
        %and3A_969 = arith.constant 255 : i32
        %and3A_970 = vector.broadcast %and3A_969 : i32 to vector<16xi32>
        %and3A_971 = arith.andi %bitcast3A_965, %and3A_970 : vector<16xi32>
        %convert_element_type3A_972 = arith.sitofp %and3A_971 : vector<16xi32> to vector<16xf32>
        %mul3A_973 = arith.mulf %convert_element_type3A_972, %gather3A_966 : vector<16xf32>
        %sub3A_974 = arith.subf %mul3A_973, %mul3A_968 : vector<16xf32>
        tpu.vector_store_idx %arg11[%broadcast_in_dim3A_961, %add3A_8], %sub3A_974 : memref<400x64xf32, #tpu.memory_space<vmem>>[vector<16xi32>, vector<16xi32>], vector<16xf32>,
        %shift_right_arithmetic3A_975 = arith.constant 8 : i32
        %shift_right_arithmetic3A_976 = vector.broadcast %shift_right_arithmetic3A_975 : i32 to vector<16xi32>
        %shift_right_arithmetic3A_977 = arith.shrsi %bitcast3A_965, %shift_right_arithmetic3A_976 : vector<16xi32>
        %and3A_978 = arith.constant 255 : i32
        %and3A_979 = vector.broadcast %and3A_978 : i32 to vector<16xi32>
        %and3A_980 = arith.andi %shift_right_arithmetic3A_977, %and3A_979 : vector<16xi32>
        %convert_element_type3A_981 = arith.sitofp %and3A_980 : vector<16xi32> to vector<16xf32>
        %mul3A_982 = arith.mulf %convert_element_type3A_981, %gather3A_966 : vector<16xf32>
        %sub3A_983 = arith.subf %mul3A_982, %mul3A_968 : vector<16xf32>
        tpu.vector_store_idx %arg11[%broadcast_in_dim3A_961, %add3A_14], %sub3A_983 : memref<400x64xf32, #tpu.memory_space<vmem>>[vector<16xi32>, vector<16xi32>], vector<16xf32>,
        %shift_right_arithmetic3A_984 = arith.constant 16 : i32
        %shift_right_arithmetic3A_985 = vector.broadcast %shift_right_arithmetic3A_984 : i32 to vector<16xi32>
        %shift_right_arithmetic3A_986 = arith.shrsi %bitcast3A_965, %shift_right_arithmetic3A_985 : vector<16xi32>
        %and3A_987 = arith.constant 255 : i32
        %and3A_988 = vector.broadcast %and3A_987 : i32 to vector<16xi32>
        %and3A_989 = arith.andi %shift_right_arithmetic3A_986, %and3A_988 : vector<16xi32>
        %convert_element_type3A_990 = arith.sitofp %and3A_989 : vector<16xi32> to vector<16xf32>
        %mul3A_991 = arith.mulf %convert_element_type3A_990, %gather3A_966 : vector<16xf32>
        %sub3A_992 = arith.subf %mul3A_991, %mul3A_968 : vector<16xf32>
        tpu.vector_store_idx %arg11[%broadcast_in_dim3A_961, %add3A_20], %sub3A_992 : memref<400x64xf32, #tpu.memory_space<vmem>>[vector<16xi32>, vector<16xi32>], vector<16xf32>,
        %shift_right_logical3A_993 = arith.constant 24 : i32
        %shift_right_logical3A_994 = vector.broadcast %shift_right_logical3A_993 : i32 to vector<16xi32>
        %shift_right_logical3A_995 = arith.shrui %bitcast3A_965, %shift_right_logical3A_994 : vector<16xi32>
        %convert_element_type3A_996 = arith.sitofp %shift_right_logical3A_995 : vector<16xi32> to vector<16xf32>
        %mul3A_997 = arith.mulf %convert_element_type3A_996, %gather3A_966 : vector<16xf32>
        %sub3A_998 = arith.subf %mul3A_997, %mul3A_968 : vector<16xf32>
        tpu.vector_store_idx %arg11[%broadcast_in_dim3A_961, %add3A_26], %sub3A_998 : memref<400x64xf32, #tpu.memory_space<vmem>>[vector<16xi32>, vector<16xi32>], vector<16xf32>,
        %add3A_999 = arith.constant 15 : i32
        %add3A_1000 = arith.addi %mul3A_407, %add3A_999 : i32
        %broadcast_in_dim3A_1001 = vector.broadcast %add3A_1000 : i32 to vector<16xi32>
        %get3A_1002 = arith.index_cast %add3A_1000 : i32 to index
        %get3A_1003 = arith.constant 0 : index
        %get3A_1004 = tpu.vector_load %arg8[%get3A_1002, %get3A_1003] {strides = array<i32>} : memref<400x64xi8, #tpu.memory_space<vmem>>, vector<64xi8>,
        %bitcast3A_1005 = vector.bitcast %get3A_1004 : vector<64xi8> to vector<16xi32>
        %gather3A_1006 = tpu.vector_load_idx %arg9[%broadcast_in_dim3A_1001] : memref<400xf32, #tpu.memory_space<vmem>>[vector<16xi32>], vector<16xf32>,
        %gather3A_1007 = tpu.vector_load_idx %arg10[%broadcast_in_dim3A_1001] : memref<400xf32, #tpu.memory_space<vmem>>[vector<16xi32>], vector<16xf32>,
        %mul3A_1008 = arith.mulf %gather3A_1007, %gather3A_1006 : vector<16xf32>
        %and3A_1009 = arith.constant 255 : i32
        %and3A_1010 = vector.broadcast %and3A_1009 : i32 to vector<16xi32>
        %and3A_1011 = arith.andi %bitcast3A_1005, %and3A_1010 : vector<16xi32>
        %convert_element_type3A_1012 = arith.sitofp %and3A_1011 : vector<16xi32> to vector<16xf32>
        %mul3A_1013 = arith.mulf %convert_element_type3A_1012, %gather3A_1006 : vector<16xf32>
        %sub3A_1014 = arith.subf %mul3A_1013, %mul3A_1008 : vector<16xf32>
        tpu.vector_store_idx %arg11[%broadcast_in_dim3A_1001, %add3A_8], %sub3A_1014 : memref<400x64xf32, #tpu.memory_space<vmem>>[vector<16xi32>, vector<16xi32>], vector<16xf32>,
        %shift_right_arithmetic3A_1015 = arith.constant 8 : i32
        %shift_right_arithmetic3A_1016 = vector.broadcast %shift_right_arithmetic3A_1015 : i32 to vector<16xi32>
        %shift_right_arithmetic3A_1017 = arith.shrsi %bitcast3A_1005, %shift_right_arithmetic3A_1016 : vector<16xi32>
        %and3A_1018 = arith.constant 255 : i32
        %and3A_1019 = vector.broadcast %and3A_1018 : i32 to vector<16xi32>
        %and3A_1020 = arith.andi %shift_right_arithmetic3A_1017, %and3A_1019 : vector<16xi32>
        %convert_element_type3A_1021 = arith.sitofp %and3A_1020 : vector<16xi32> to vector<16xf32>
        %mul3A_1022 = arith.mulf %convert_element_type3A_1021, %gather3A_1006 : vector<16xf32>
        %sub3A_1023 = arith.subf %mul3A_1022, %mul3A_1008 : vector<16xf32>
        tpu.vector_store_idx %arg11[%broadcast_in_dim3A_1001, %add3A_14], %sub3A_1023 : memref<400x64xf32, #tpu.memory_space<vmem>>[vector<16xi32>, vector<16xi32>], vector<16xf32>,
        %shift_right_arithmetic3A_1024 = arith.constant 16 : i32
        %shift_right_arithmetic3A_1025 = vector.broadcast %shift_right_arithmetic3A_1024 : i32 to vector<16xi32>
        %shift_right_arithmetic3A_1026 = arith.shrsi %bitcast3A_1005, %shift_right_arithmetic3A_1025 : vector<16xi32>
        %and3A_1027 = arith.constant 255 : i32
        %and3A_1028 = vector.broadcast %and3A_1027 : i32 to vector<16xi32>
        %and3A_1029 = arith.andi %shift_right_arithmetic3A_1026, %and3A_1028 : vector<16xi32>
        %convert_element_type3A_1030 = arith.sitofp %and3A_1029 : vector<16xi32> to vector<16xf32>
        %mul3A_1031 = arith.mulf %convert_element_type3A_1030, %gather3A_1006 : vector<16xf32>
        %sub3A_1032 = arith.subf %mul3A_1031, %mul3A_1008 : vector<16xf32>
        tpu.vector_store_idx %arg11[%broadcast_in_dim3A_1001, %add3A_20], %sub3A_1032 : memref<400x64xf32, #tpu.memory_space<vmem>>[vector<16xi32>, vector<16xi32>], vector<16xf32>,
        %shift_right_logical3A_1033 = arith.constant 24 : i32
        %shift_right_logical3A_1034 = vector.broadcast %shift_right_logical3A_1033 : i32 to vector<16xi32>
        %shift_right_logical3A_1035 = arith.shrui %bitcast3A_1005, %shift_right_logical3A_1034 : vector<16xi32>
        %convert_element_type3A_1036 = arith.sitofp %shift_right_logical3A_1035 : vector<16xi32> to vector<16xf32>
        %mul3A_1037 = arith.mulf %convert_element_type3A_1036, %gather3A_1006 : vector<16xf32>
        %sub3A_1038 = arith.subf %mul3A_1037, %mul3A_1008 : vector<16xf32>
        tpu.vector_store_idx %arg11[%broadcast_in_dim3A_1001, %add3A_26], %sub3A_1038 : memref<400x64xf32, #tpu.memory_space<vmem>>[vector<16xi32>, vector<16xi32>], vector<16xf32>,
      }
      %scan3A_143 = arith.constant 25 : i32
      %mul3A_144 = arith.constant 128 : i32
      %mul3A_145 = arith.muli %add3A, %mul3A_144 : i32
      %mul3A_146 = arith.constant 8 : i32
      %mul3A_147 = arith.muli %scan3A_32, %mul3A_146 : i32
      %add3A_148 = arith.addi %mul3A_145, %mul3A_147 : i32
      %add3A_149 = arith.constant 0 : i32
      %add3A_150 = arith.addi %add3A_148, %add3A_149 : i32
      %dma_start3A_151 = arith.constant 0 : i32
      %dma_start3A_152 = arith.constant 0 : i32
      %dma_start3A_153 = tpu.memref_slice %arg11[%dma_start3A_151, %dma_start3A_152] : memref<400x64xf32, #tpu.memory_space<vmem>> -> memref<50x64xf32, #tpu.memory_space<vmem>>
      %dma_start3A_154 = arith.constant 0 : i32
      %dma_start3A_155 = arith.constant 0 : i32
      %dma_start3A_156 = tpu.memref_slice %arg6[%add3A_150, %dma_start3A_154, %dma_start3A_155] : memref<4096x50x64xf32, #tpu.memory_space<hbm>> -> memref<1x50x64xf32, #tpu.memory_space<hbm>>
      %dma_start3A_157 = tpu.memref_squeeze %dma_start3A_156 : memref<1x50x64xf32, #tpu.memory_space<hbm>> -> memref<50x64xf32, #tpu.memory_space<hbm>>
      %dma_start3A_158 = arith.constant 0 : i32
      %dma_start3A_159 = arith.constant 0 : i32
      %dma_start3A_160 = tpu.memref_slice %arg6[%add3A_150, %dma_start3A_158, %dma_start3A_159] : memref<4096x50x64xf32, #tpu.memory_space<hbm>> -> memref<1x50x64xf32, #tpu.memory_space<hbm>>
      %dma_start3A_161 = tpu.memref_squeeze %dma_start3A_160 : memref<1x50x64xf32, #tpu.memory_space<hbm>> -> memref<50x64xf32, #tpu.memory_space<hbm>>
      %dma_start3A_162 = arith.constant 0 : i32
      %dma_start3A_163 = arith.constant 0 : i32
      %dma_start3A_164 = tpu.memref_slice %arg11[%dma_start3A_162, %dma_start3A_163] : memref<400x64xf32, #tpu.memory_space<vmem>> -> memref<50x64xf32, #tpu.memory_space<vmem>>
      tpu.enqueue_dma source(%dma_start3A_164 : memref<50x64xf32, #tpu.memory_space<vmem>>) target(%dma_start3A_161 : memref<50x64xf32, #tpu.memory_space<hbm>>) target_semaphore(%arg15 : memref<!tpu.dma_semaphore, #tpu.memory_space<semaphore_mem>>)
      %add3A_165 = arith.constant 1 : i32
      %add3A_166 = arith.addi %add3A_148, %add3A_165 : i32
      %dma_start3A_167 = arith.constant 50 : i32
      %dma_start3A_168 = arith.constant 0 : i32
      %dma_start3A_169 = tpu.memref_slice %arg11[%dma_start3A_167, %dma_start3A_168] : memref<400x64xf32, #tpu.memory_space<vmem>> -> memref<50x64xf32, #tpu.memory_space<vmem>>
      %dma_start3A_170 = arith.constant 0 : i32
      %dma_start3A_171 = arith.constant 0 : i32
      %dma_start3A_172 = tpu.memref_slice %arg6[%add3A_166, %dma_start3A_170, %dma_start3A_171] : memref<4096x50x64xf32, #tpu.memory_space<hbm>> -> memref<1x50x64xf32, #tpu.memory_space<hbm>>
      %dma_start3A_173 = tpu.memref_squeeze %dma_start3A_172 : memref<1x50x64xf32, #tpu.memory_space<hbm>> -> memref<50x64xf32, #tpu.memory_space<hbm>>
      %dma_start3A_174 = arith.constant 0 : i32
      %dma_start3A_175 = arith.constant 0 : i32
      %dma_start3A_176 = tpu.memref_slice %arg6[%add3A_166, %dma_start3A_174, %dma_start3A_175] : memref<4096x50x64xf32, #tpu.memory_space<hbm>> -> memref<1x50x64xf32, #tpu.memory_space<hbm>>
      %dma_start3A_177 = tpu.memref_squeeze %dma_start3A_176 : memref<1x50x64xf32, #tpu.memory_space<hbm>> -> memref<50x64xf32, #tpu.memory_space<hbm>>
      %dma_start3A_178 = arith.constant 50 : i32
      %dma_start3A_179 = arith.constant 0 : i32
      %dma_start3A_180 = tpu.memref_slice %arg11[%dma_start3A_178, %dma_start3A_179] : memref<400x64xf32, #tpu.memory_space<vmem>> -> memref<50x64xf32, #tpu.memory_space<vmem>>
      tpu.enqueue_dma source(%dma_start3A_180 : memref<50x64xf32, #tpu.memory_space<vmem>>) target(%dma_start3A_177 : memref<50x64xf32, #tpu.memory_space<hbm>>) target_semaphore(%arg15 : memref<!tpu.dma_semaphore, #tpu.memory_space<semaphore_mem>>)
      %add3A_181 = arith.constant 2 : i32
      %add3A_182 = arith.addi %add3A_148, %add3A_181 : i32
      %dma_start3A_183 = arith.constant 100 : i32
      %dma_start3A_184 = arith.constant 0 : i32
      %dma_start3A_185 = tpu.memref_slice %arg11[%dma_start3A_183, %dma_start3A_184] : memref<400x64xf32, #tpu.memory_space<vmem>> -> memref<50x64xf32, #tpu.memory_space<vmem>>
      %dma_start3A_186 = arith.constant 0 : i32
      %dma_start3A_187 = arith.constant 0 : i32
      %dma_start3A_188 = tpu.memref_slice %arg6[%add3A_182, %dma_start3A_186, %dma_start3A_187] : memref<4096x50x64xf32, #tpu.memory_space<hbm>> -> memref<1x50x64xf32, #tpu.memory_space<hbm>>
      %dma_start3A_189 = tpu.memref_squeeze %dma_start3A_188 : memref<1x50x64xf32, #tpu.memory_space<hbm>> -> memref<50x64xf32, #tpu.memory_space<hbm>>
      %dma_start3A_190 = arith.constant 0 : i32
      %dma_start3A_191 = arith.constant 0 : i32
      %dma_start3A_192 = tpu.memref_slice %arg6[%add3A_182, %dma_start3A_190, %dma_start3A_191] : memref<4096x50x64xf32, #tpu.memory_space<hbm>> -> memref<1x50x64xf32, #tpu.memory_space<hbm>>
      %dma_start3A_193 = tpu.memref_squeeze %dma_start3A_192 : memref<1x50x64xf32, #tpu.memory_space<hbm>> -> memref<50x64xf32, #tpu.memory_space<hbm>>
      %dma_start3A_194 = arith.constant 100 : i32
      %dma_start3A_195 = arith.constant 0 : i32
      %dma_start3A_196 = tpu.memref_slice %arg11[%dma_start3A_194, %dma_start3A_195] : memref<400x64xf32, #tpu.memory_space<vmem>> -> memref<50x64xf32, #tpu.memory_space<vmem>>
      tpu.enqueue_dma source(%dma_start3A_196 : memref<50x64xf32, #tpu.memory_space<vmem>>) target(%dma_start3A_193 : memref<50x64xf32, #tpu.memory_space<hbm>>) target_semaphore(%arg15 : memref<!tpu.dma_semaphore, #tpu.memory_space<semaphore_mem>>)
      %add3A_197 = arith.constant 3 : i32
      %add3A_198 = arith.addi %add3A_148, %add3A_197 : i32
      %dma_start3A_199 = arith.constant 150 : i32
      %dma_start3A_200 = arith.constant 0 : i32
      %dma_start3A_201 = tpu.memref_slice %arg11[%dma_start3A_199, %dma_start3A_200] : memref<400x64xf32, #tpu.memory_space<vmem>> -> memref<50x64xf32, #tpu.memory_space<vmem>>
      %dma_start3A_202 = arith.constant 0 : i32
      %dma_start3A_203 = arith.constant 0 : i32
      %dma_start3A_204 = tpu.memref_slice %arg6[%add3A_198, %dma_start3A_202, %dma_start3A_203] : memref<4096x50x64xf32, #tpu.memory_space<hbm>> -> memref<1x50x64xf32, #tpu.memory_space<hbm>>
      %dma_start3A_205 = tpu.memref_squeeze %dma_start3A_204 : memref<1x50x64xf32, #tpu.memory_space<hbm>> -> memref<50x64xf32, #tpu.memory_space<hbm>>
      %dma_start3A_206 = arith.constant 0 : i32
      %dma_start3A_207 = arith.constant 0 : i32
      %dma_start3A_208 = tpu.memref_slice %arg6[%add3A_198, %dma_start3A_206, %dma_start3A_207] : memref<4096x50x64xf32, #tpu.memory_space<hbm>> -> memref<1x50x64xf32, #tpu.memory_space<hbm>>
      %dma_start3A_209 = tpu.memref_squeeze %dma_start3A_208 : memref<1x50x64xf32, #tpu.memory_space<hbm>> -> memref<50x64xf32, #tpu.memory_space<hbm>>
      %dma_start3A_210 = arith.constant 150 : i32
      %dma_start3A_211 = arith.constant 0 : i32
      %dma_start3A_212 = tpu.memref_slice %arg11[%dma_start3A_210, %dma_start3A_211] : memref<400x64xf32, #tpu.memory_space<vmem>> -> memref<50x64xf32, #tpu.memory_space<vmem>>
      tpu.enqueue_dma source(%dma_start3A_212 : memref<50x64xf32, #tpu.memory_space<vmem>>) target(%dma_start3A_209 : memref<50x64xf32, #tpu.memory_space<hbm>>) target_semaphore(%arg15 : memref<!tpu.dma_semaphore, #tpu.memory_space<semaphore_mem>>)
      %add3A_213 = arith.constant 4 : i32
      %add3A_214 = arith.addi %add3A_148, %add3A_213 : i32
      %dma_start3A_215 = arith.constant 200 : i32
      %dma_start3A_216 = arith.constant 0 : i32
      %dma_start3A_217 = tpu.memref_slice %arg11[%dma_start3A_215, %dma_start3A_216] : memref<400x64xf32, #tpu.memory_space<vmem>> -> memref<50x64xf32, #tpu.memory_space<vmem>>
      %dma_start3A_218 = arith.constant 0 : i32
      %dma_start3A_219 = arith.constant 0 : i32
      %dma_start3A_220 = tpu.memref_slice %arg6[%add3A_214, %dma_start3A_218, %dma_start3A_219] : memref<4096x50x64xf32, #tpu.memory_space<hbm>> -> memref<1x50x64xf32, #tpu.memory_space<hbm>>
      %dma_start3A_221 = tpu.memref_squeeze %dma_start3A_220 : memref<1x50x64xf32, #tpu.memory_space<hbm>> -> memref<50x64xf32, #tpu.memory_space<hbm>>
      %dma_start3A_222 = arith.constant 0 : i32
      %dma_start3A_223 = arith.constant 0 : i32
      %dma_start3A_224 = tpu.memref_slice %arg6[%add3A_214, %dma_start3A_222, %dma_start3A_223] : memref<4096x50x64xf32, #tpu.memory_space<hbm>> -> memref<1x50x64xf32, #tpu.memory_space<hbm>>
      %dma_start3A_225 = tpu.memref_squeeze %dma_start3A_224 : memref<1x50x64xf32, #tpu.memory_space<hbm>> -> memref<50x64xf32, #tpu.memory_space<hbm>>
      %dma_start3A_226 = arith.constant 200 : i32
      %dma_start3A_227 = arith.constant 0 : i32
      %dma_start3A_228 = tpu.memref_slice %arg11[%dma_start3A_226, %dma_start3A_227] : memref<400x64xf32, #tpu.memory_space<vmem>> -> memref<50x64xf32, #tpu.memory_space<vmem>>
      tpu.enqueue_dma source(%dma_start3A_228 : memref<50x64xf32, #tpu.memory_space<vmem>>) target(%dma_start3A_225 : memref<50x64xf32, #tpu.memory_space<hbm>>) target_semaphore(%arg15 : memref<!tpu.dma_semaphore, #tpu.memory_space<semaphore_mem>>)
      %add3A_229 = arith.constant 5 : i32
      %add3A_230 = arith.addi %add3A_148, %add3A_229 : i32
      %dma_start3A_231 = arith.constant 250 : i32
      %dma_start3A_232 = arith.constant 0 : i32
      %dma_start3A_233 = tpu.memref_slice %arg11[%dma_start3A_231, %dma_start3A_232] : memref<400x64xf32, #tpu.memory_space<vmem>> -> memref<50x64xf32, #tpu.memory_space<vmem>>
      %dma_start3A_234 = arith.constant 0 : i32
      %dma_start3A_235 = arith.constant 0 : i32
      %dma_start3A_236 = tpu.memref_slice %arg6[%add3A_230, %dma_start3A_234, %dma_start3A_235] : memref<4096x50x64xf32, #tpu.memory_space<hbm>> -> memref<1x50x64xf32, #tpu.memory_space<hbm>>
      %dma_start3A_237 = tpu.memref_squeeze %dma_start3A_236 : memref<1x50x64xf32, #tpu.memory_space<hbm>> -> memref<50x64xf32, #tpu.memory_space<hbm>>
      %dma_start3A_238 = arith.constant 0 : i32
      %dma_start3A_239 = arith.constant 0 : i32
      %dma_start3A_240 = tpu.memref_slice %arg6[%add3A_230, %dma_start3A_238, %dma_start3A_239] : memref<4096x50x64xf32, #tpu.memory_space<hbm>> -> memref<1x50x64xf32, #tpu.memory_space<hbm>>
      %dma_start3A_241 = tpu.memref_squeeze %dma_start3A_240 : memref<1x50x64xf32, #tpu.memory_space<hbm>> -> memref<50x64xf32, #tpu.memory_space<hbm>>
      %dma_start3A_242 = arith.constant 250 : i32
      %dma_start3A_243 = arith.constant 0 : i32
      %dma_start3A_244 = tpu.memref_slice %arg11[%dma_start3A_242, %dma_start3A_243] : memref<400x64xf32, #tpu.memory_space<vmem>> -> memref<50x64xf32, #tpu.memory_space<vmem>>
      tpu.enqueue_dma source(%dma_start3A_244 : memref<50x64xf32, #tpu.memory_space<vmem>>) target(%dma_start3A_241 : memref<50x64xf32, #tpu.memory_space<hbm>>) target_semaphore(%arg15 : memref<!tpu.dma_semaphore, #tpu.memory_space<semaphore_mem>>)
      %add3A_245 = arith.constant 6 : i32
      %add3A_246 = arith.addi %add3A_148, %add3A_245 : i32
      %dma_start3A_247 = arith.constant 300 : i32
      %dma_start3A_248 = arith.constant 0 : i32
      %dma_start3A_249 = tpu.memref_slice %arg11[%dma_start3A_247, %dma_start3A_248] : memref<400x64xf32, #tpu.memory_space<vmem>> -> memref<50x64xf32, #tpu.memory_space<vmem>>
      %dma_start3A_250 = arith.constant 0 : i32
      %dma_start3A_251 = arith.constant 0 : i32
      %dma_start3A_252 = tpu.memref_slice %arg6[%add3A_246, %dma_start3A_250, %dma_start3A_251] : memref<4096x50x64xf32, #tpu.memory_space<hbm>> -> memref<1x50x64xf32, #tpu.memory_space<hbm>>
      %dma_start3A_253 = tpu.memref_squeeze %dma_start3A_252 : memref<1x50x64xf32, #tpu.memory_space<hbm>> -> memref<50x64xf32, #tpu.memory_space<hbm>>
      %dma_start3A_254 = arith.constant 0 : i32
      %dma_start3A_255 = arith.constant 0 : i32
      %dma_start3A_256 = tpu.memref_slice %arg6[%add3A_246, %dma_start3A_254, %dma_start3A_255] : memref<4096x50x64xf32, #tpu.memory_space<hbm>> -> memref<1x50x64xf32, #tpu.memory_space<hbm>>
      %dma_start3A_257 = tpu.memref_squeeze %dma_start3A_256 : memref<1x50x64xf32, #tpu.memory_space<hbm>> -> memref<50x64xf32, #tpu.memory_space<hbm>>
      %dma_start3A_258 = arith.constant 300 : i32
      %dma_start3A_259 = arith.constant 0 : i32
      %dma_start3A_260 = tpu.memref_slice %arg11[%dma_start3A_258, %dma_start3A_259] : memref<400x64xf32, #tpu.memory_space<vmem>> -> memref<50x64xf32, #tpu.memory_space<vmem>>
      tpu.enqueue_dma source(%dma_start3A_260 : memref<50x64xf32, #tpu.memory_space<vmem>>) target(%dma_start3A_257 : memref<50x64xf32, #tpu.memory_space<hbm>>) target_semaphore(%arg15 : memref<!tpu.dma_semaphore, #tpu.memory_space<semaphore_mem>>)
      %add3A_261 = arith.constant 7 : i32
      %add3A_262 = arith.addi %add3A_148, %add3A_261 : i32
      %dma_start3A_263 = arith.constant 350 : i32
      %dma_start3A_264 = arith.constant 0 : i32
      %dma_start3A_265 = tpu.memref_slice %arg11[%dma_start3A_263, %dma_start3A_264] : memref<400x64xf32, #tpu.memory_space<vmem>> -> memref<50x64xf32, #tpu.memory_space<vmem>>
      %dma_start3A_266 = arith.constant 0 : i32
      %dma_start3A_267 = arith.constant 0 : i32
      %dma_start3A_268 = tpu.memref_slice %arg6[%add3A_262, %dma_start3A_266, %dma_start3A_267] : memref<4096x50x64xf32, #tpu.memory_space<hbm>> -> memref<1x50x64xf32, #tpu.memory_space<hbm>>
      %dma_start3A_269 = tpu.memref_squeeze %dma_start3A_268 : memref<1x50x64xf32, #tpu.memory_space<hbm>> -> memref<50x64xf32, #tpu.memory_space<hbm>>
      %dma_start3A_270 = arith.constant 0 : i32
      %dma_start3A_271 = arith.constant 0 : i32
      %dma_start3A_272 = tpu.memref_slice %arg6[%add3A_262, %dma_start3A_270, %dma_start3A_271] : memref<4096x50x64xf32, #tpu.memory_space<hbm>> -> memref<1x50x64xf32, #tpu.memory_space<hbm>>
      %dma_start3A_273 = tpu.memref_squeeze %dma_start3A_272 : memref<1x50x64xf32, #tpu.memory_space<hbm>> -> memref<50x64xf32, #tpu.memory_space<hbm>>
      %dma_start3A_274 = arith.constant 350 : i32
      %dma_start3A_275 = arith.constant 0 : i32
      %dma_start3A_276 = tpu.memref_slice %arg11[%dma_start3A_274, %dma_start3A_275] : memref<400x64xf32, #tpu.memory_space<vmem>> -> memref<50x64xf32, #tpu.memory_space<vmem>>
      tpu.enqueue_dma source(%dma_start3A_276 : memref<50x64xf32, #tpu.memory_space<vmem>>) target(%dma_start3A_273 : memref<50x64xf32, #tpu.memory_space<hbm>>) target_semaphore(%arg15 : memref<!tpu.dma_semaphore, #tpu.memory_space<semaphore_mem>>)
      %add3A_277 = arith.constant 0 : i32
      %add3A_278 = arith.addi %add3A_148, %add3A_277 : i32
      %dma_wait3A_279 = arith.constant 0 : i32
      %dma_wait3A_280 = arith.constant 0 : i32
      %dma_wait3A_281 = tpu.memref_slice %arg11[%dma_wait3A_279, %dma_wait3A_280] : memref<400x64xf32, #tpu.memory_space<vmem>> -> memref<50x64xf32, #tpu.memory_space<vmem>>
      %dma_wait3A_282 = arith.constant 0 : i32
      %dma_wait3A_283 = arith.constant 0 : i32
      %dma_wait3A_284 = tpu.memref_slice %arg6[%add3A_278, %dma_wait3A_282, %dma_wait3A_283] : memref<4096x50x64xf32, #tpu.memory_space<hbm>> -> memref<1x50x64xf32, #tpu.memory_space<hbm>>
      %dma_wait3A_285 = tpu.memref_squeeze %dma_wait3A_284 : memref<1x50x64xf32, #tpu.memory_space<hbm>> -> memref<50x64xf32, #tpu.memory_space<hbm>>
      %dma_wait3A_286 = arith.constant 0 : i32
      %dma_wait3A_287 = arith.constant 0 : i32
      %dma_wait3A_288 = tpu.memref_slice %arg6[%add3A_278, %dma_wait3A_286, %dma_wait3A_287] : memref<4096x50x64xf32, #tpu.memory_space<hbm>> -> memref<1x50x64xf32, #tpu.memory_space<hbm>>
      %dma_wait3A_289 = tpu.memref_squeeze %dma_wait3A_288 : memref<1x50x64xf32, #tpu.memory_space<hbm>> -> memref<50x64xf32, #tpu.memory_space<hbm>>
      %dma_wait3A_290 = arith.constant 0 : i32
      %dma_wait3A_291 = arith.constant 0 : i32
      %dma_wait3A_292 = tpu.memref_slice %arg11[%dma_wait3A_290, %dma_wait3A_291] : memref<400x64xf32, #tpu.memory_space<vmem>> -> memref<50x64xf32, #tpu.memory_space<vmem>>
      tpu.wait_dma2 semaphore(%arg15 : memref<!tpu.dma_semaphore, #tpu.memory_space<semaphore_mem>>) src(%dma_wait3A_292 : memref<50x64xf32, #tpu.memory_space<vmem>>) dst(%dma_wait3A_289 : memref<50x64xf32, #tpu.memory_space<hbm>>)
      %add3A_293 = arith.constant 1 : i32
      %add3A_294 = arith.addi %add3A_148, %add3A_293 : i32
      %dma_wait3A_295 = arith.constant 50 : i32
      %dma_wait3A_296 = arith.constant 0 : i32
      %dma_wait3A_297 = tpu.memref_slice %arg11[%dma_wait3A_295, %dma_wait3A_296] : memref<400x64xf32, #tpu.memory_space<vmem>> -> memref<50x64xf32, #tpu.memory_space<vmem>>
      %dma_wait3A_298 = arith.constant 0 : i32
      %dma_wait3A_299 = arith.constant 0 : i32
      %dma_wait3A_300 = tpu.memref_slice %arg6[%add3A_294, %dma_wait3A_298, %dma_wait3A_299] : memref<4096x50x64xf32, #tpu.memory_space<hbm>> -> memref<1x50x64xf32, #tpu.memory_space<hbm>>
      %dma_wait3A_301 = tpu.memref_squeeze %dma_wait3A_300 : memref<1x50x64xf32, #tpu.memory_space<hbm>> -> memref<50x64xf32, #tpu.memory_space<hbm>>
      %dma_wait3A_302 = arith.constant 0 : i32
      %dma_wait3A_303 = arith.constant 0 : i32
      %dma_wait3A_304 = tpu.memref_slice %arg6[%add3A_294, %dma_wait3A_302, %dma_wait3A_303] : memref<4096x50x64xf32, #tpu.memory_space<hbm>> -> memref<1x50x64xf32, #tpu.memory_space<hbm>>
      %dma_wait3A_305 = tpu.memref_squeeze %dma_wait3A_304 : memref<1x50x64xf32, #tpu.memory_space<hbm>> -> memref<50x64xf32, #tpu.memory_space<hbm>>
      %dma_wait3A_306 = arith.constant 50 : i32
      %dma_wait3A_307 = arith.constant 0 : i32
      %dma_wait3A_308 = tpu.memref_slice %arg11[%dma_wait3A_306, %dma_wait3A_307] : memref<400x64xf32, #tpu.memory_space<vmem>> -> memref<50x64xf32, #tpu.memory_space<vmem>>
      tpu.wait_dma2 semaphore(%arg15 : memref<!tpu.dma_semaphore, #tpu.memory_space<semaphore_mem>>) src(%dma_wait3A_308 : memref<50x64xf32, #tpu.memory_space<vmem>>) dst(%dma_wait3A_305 : memref<50x64xf32, #tpu.memory_space<hbm>>)
      %add3A_309 = arith.constant 2 : i32
      %add3A_310 = arith.addi %add3A_148, %add3A_309 : i32
      %dma_wait3A_311 = arith.constant 100 : i32
      %dma_wait3A_312 = arith.constant 0 : i32
      %dma_wait3A_313 = tpu.memref_slice %arg11[%dma_wait3A_311, %dma_wait3A_312] : memref<400x64xf32, #tpu.memory_space<vmem>> -> memref<50x64xf32, #tpu.memory_space<vmem>>
      %dma_wait3A_314 = arith.constant 0 : i32
      %dma_wait3A_315 = arith.constant 0 : i32
      %dma_wait3A_316 = tpu.memref_slice %arg6[%add3A_310, %dma_wait3A_314, %dma_wait3A_315] : memref<4096x50x64xf32, #tpu.memory_space<hbm>> -> memref<1x50x64xf32, #tpu.memory_space<hbm>>
      %dma_wait3A_317 = tpu.memref_squeeze %dma_wait3A_316 : memref<1x50x64xf32, #tpu.memory_space<hbm>> -> memref<50x64xf32, #tpu.memory_space<hbm>>
      %dma_wait3A_318 = arith.constant 0 : i32
      %dma_wait3A_319 = arith.constant 0 : i32
      %dma_wait3A_320 = tpu.memref_slice %arg6[%add3A_310, %dma_wait3A_318, %dma_wait3A_319] : memref<4096x50x64xf32, #tpu.memory_space<hbm>> -> memref<1x50x64xf32, #tpu.memory_space<hbm>>
      %dma_wait3A_321 = tpu.memref_squeeze %dma_wait3A_320 : memref<1x50x64xf32, #tpu.memory_space<hbm>> -> memref<50x64xf32, #tpu.memory_space<hbm>>
      %dma_wait3A_322 = arith.constant 100 : i32
      %dma_wait3A_323 = arith.constant 0 : i32
      %dma_wait3A_324 = tpu.memref_slice %arg11[%dma_wait3A_322, %dma_wait3A_323] : memref<400x64xf32, #tpu.memory_space<vmem>> -> memref<50x64xf32, #tpu.memory_space<vmem>>
      tpu.wait_dma2 semaphore(%arg15 : memref<!tpu.dma_semaphore, #tpu.memory_space<semaphore_mem>>) src(%dma_wait3A_324 : memref<50x64xf32, #tpu.memory_space<vmem>>) dst(%dma_wait3A_321 : memref<50x64xf32, #tpu.memory_space<hbm>>)
      %add3A_325 = arith.constant 3 : i32
      %add3A_326 = arith.addi %add3A_148, %add3A_325 : i32
      %dma_wait3A_327 = arith.constant 150 : i32
      %dma_wait3A_328 = arith.constant 0 : i32
      %dma_wait3A_329 = tpu.memref_slice %arg11[%dma_wait3A_327, %dma_wait3A_328] : memref<400x64xf32, #tpu.memory_space<vmem>> -> memref<50x64xf32, #tpu.memory_space<vmem>>
      %dma_wait3A_330 = arith.constant 0 : i32
      %dma_wait3A_331 = arith.constant 0 : i32
      %dma_wait3A_332 = tpu.memref_slice %arg6[%add3A_326, %dma_wait3A_330, %dma_wait3A_331] : memref<4096x50x64xf32, #tpu.memory_space<hbm>> -> memref<1x50x64xf32, #tpu.memory_space<hbm>>
      %dma_wait3A_333 = tpu.memref_squeeze %dma_wait3A_332 : memref<1x50x64xf32, #tpu.memory_space<hbm>> -> memref<50x64xf32, #tpu.memory_space<hbm>>
      %dma_wait3A_334 = arith.constant 0 : i32
      %dma_wait3A_335 = arith.constant 0 : i32
      %dma_wait3A_336 = tpu.memref_slice %arg6[%add3A_326, %dma_wait3A_334, %dma_wait3A_335] : memref<4096x50x64xf32, #tpu.memory_space<hbm>> -> memref<1x50x64xf32, #tpu.memory_space<hbm>>
      %dma_wait3A_337 = tpu.memref_squeeze %dma_wait3A_336 : memref<1x50x64xf32, #tpu.memory_space<hbm>> -> memref<50x64xf32, #tpu.memory_space<hbm>>
      %dma_wait3A_338 = arith.constant 150 : i32
      %dma_wait3A_339 = arith.constant 0 : i32
      %dma_wait3A_340 = tpu.memref_slice %arg11[%dma_wait3A_338, %dma_wait3A_339] : memref<400x64xf32, #tpu.memory_space<vmem>> -> memref<50x64xf32, #tpu.memory_space<vmem>>
      tpu.wait_dma2 semaphore(%arg15 : memref<!tpu.dma_semaphore, #tpu.memory_space<semaphore_mem>>) src(%dma_wait3A_340 : memref<50x64xf32, #tpu.memory_space<vmem>>) dst(%dma_wait3A_337 : memref<50x64xf32, #tpu.memory_space<hbm>>)
      %add3A_341 = arith.constant 4 : i32
      %add3A_342 = arith.addi %add3A_148, %add3A_341 : i32
      %dma_wait3A_343 = arith.constant 200 : i32
      %dma_wait3A_344 = arith.constant 0 : i32
      %dma_wait3A_345 = tpu.memref_slice %arg11[%dma_wait3A_343, %dma_wait3A_344] : memref<400x64xf32, #tpu.memory_space<vmem>> -> memref<50x64xf32, #tpu.memory_space<vmem>>
      %dma_wait3A_346 = arith.constant 0 : i32
      %dma_wait3A_347 = arith.constant 0 : i32
      %dma_wait3A_348 = tpu.memref_slice %arg6[%add3A_342, %dma_wait3A_346, %dma_wait3A_347] : memref<4096x50x64xf32, #tpu.memory_space<hbm>> -> memref<1x50x64xf32, #tpu.memory_space<hbm>>
      %dma_wait3A_349 = tpu.memref_squeeze %dma_wait3A_348 : memref<1x50x64xf32, #tpu.memory_space<hbm>> -> memref<50x64xf32, #tpu.memory_space<hbm>>
      %dma_wait3A_350 = arith.constant 0 : i32
      %dma_wait3A_351 = arith.constant 0 : i32
      %dma_wait3A_352 = tpu.memref_slice %arg6[%add3A_342, %dma_wait3A_350, %dma_wait3A_351] : memref<4096x50x64xf32, #tpu.memory_space<hbm>> -> memref<1x50x64xf32, #tpu.memory_space<hbm>>
      %dma_wait3A_353 = tpu.memref_squeeze %dma_wait3A_352 : memref<1x50x64xf32, #tpu.memory_space<hbm>> -> memref<50x64xf32, #tpu.memory_space<hbm>>
      %dma_wait3A_354 = arith.constant 200 : i32
      %dma_wait3A_355 = arith.constant 0 : i32
      %dma_wait3A_356 = tpu.memref_slice %arg11[%dma_wait3A_354, %dma_wait3A_355] : memref<400x64xf32, #tpu.memory_space<vmem>> -> memref<50x64xf32, #tpu.memory_space<vmem>>
      tpu.wait_dma2 semaphore(%arg15 : memref<!tpu.dma_semaphore, #tpu.memory_space<semaphore_mem>>) src(%dma_wait3A_356 : memref<50x64xf32, #tpu.memory_space<vmem>>) dst(%dma_wait3A_353 : memref<50x64xf32, #tpu.memory_space<hbm>>)
      %add3A_357 = arith.constant 5 : i32
      %add3A_358 = arith.addi %add3A_148, %add3A_357 : i32
      %dma_wait3A_359 = arith.constant 250 : i32
      %dma_wait3A_360 = arith.constant 0 : i32
      %dma_wait3A_361 = tpu.memref_slice %arg11[%dma_wait3A_359, %dma_wait3A_360] : memref<400x64xf32, #tpu.memory_space<vmem>> -> memref<50x64xf32, #tpu.memory_space<vmem>>
      %dma_wait3A_362 = arith.constant 0 : i32
      %dma_wait3A_363 = arith.constant 0 : i32
      %dma_wait3A_364 = tpu.memref_slice %arg6[%add3A_358, %dma_wait3A_362, %dma_wait3A_363] : memref<4096x50x64xf32, #tpu.memory_space<hbm>> -> memref<1x50x64xf32, #tpu.memory_space<hbm>>
      %dma_wait3A_365 = tpu.memref_squeeze %dma_wait3A_364 : memref<1x50x64xf32, #tpu.memory_space<hbm>> -> memref<50x64xf32, #tpu.memory_space<hbm>>
      %dma_wait3A_366 = arith.constant 0 : i32
      %dma_wait3A_367 = arith.constant 0 : i32
      %dma_wait3A_368 = tpu.memref_slice %arg6[%add3A_358, %dma_wait3A_366, %dma_wait3A_367] : memref<4096x50x64xf32, #tpu.memory_space<hbm>> -> memref<1x50x64xf32, #tpu.memory_space<hbm>>
      %dma_wait3A_369 = tpu.memref_squeeze %dma_wait3A_368 : memref<1x50x64xf32, #tpu.memory_space<hbm>> -> memref<50x64xf32, #tpu.memory_space<hbm>>
      %dma_wait3A_370 = arith.constant 250 : i32
      %dma_wait3A_371 = arith.constant 0 : i32
      %dma_wait3A_372 = tpu.memref_slice %arg11[%dma_wait3A_370, %dma_wait3A_371] : memref<400x64xf32, #tpu.memory_space<vmem>> -> memref<50x64xf32, #tpu.memory_space<vmem>>
      tpu.wait_dma2 semaphore(%arg15 : memref<!tpu.dma_semaphore, #tpu.memory_space<semaphore_mem>>) src(%dma_wait3A_372 : memref<50x64xf32, #tpu.memory_space<vmem>>) dst(%dma_wait3A_369 : memref<50x64xf32, #tpu.memory_space<hbm>>)
      %add3A_373 = arith.constant 6 : i32
      %add3A_374 = arith.addi %add3A_148, %add3A_373 : i32
      %dma_wait3A_375 = arith.constant 300 : i32
      %dma_wait3A_376 = arith.constant 0 : i32
      %dma_wait3A_377 = tpu.memref_slice %arg11[%dma_wait3A_375, %dma_wait3A_376] : memref<400x64xf32, #tpu.memory_space<vmem>> -> memref<50x64xf32, #tpu.memory_space<vmem>>
      %dma_wait3A_378 = arith.constant 0 : i32
      %dma_wait3A_379 = arith.constant 0 : i32
      %dma_wait3A_380 = tpu.memref_slice %arg6[%add3A_374, %dma_wait3A_378, %dma_wait3A_379] : memref<4096x50x64xf32, #tpu.memory_space<hbm>> -> memref<1x50x64xf32, #tpu.memory_space<hbm>>
      %dma_wait3A_381 = tpu.memref_squeeze %dma_wait3A_380 : memref<1x50x64xf32, #tpu.memory_space<hbm>> -> memref<50x64xf32, #tpu.memory_space<hbm>>
      %dma_wait3A_382 = arith.constant 0 : i32
      %dma_wait3A_383 = arith.constant 0 : i32
      %dma_wait3A_384 = tpu.memref_slice %arg6[%add3A_374, %dma_wait3A_382, %dma_wait3A_383] : memref<4096x50x64xf32, #tpu.memory_space<hbm>> -> memref<1x50x64xf32, #tpu.memory_space<hbm>>
      %dma_wait3A_385 = tpu.memref_squeeze %dma_wait3A_384 : memref<1x50x64xf32, #tpu.memory_space<hbm>> -> memref<50x64xf32, #tpu.memory_space<hbm>>
      %dma_wait3A_386 = arith.constant 300 : i32
      %dma_wait3A_387 = arith.constant 0 : i32
      %dma_wait3A_388 = tpu.memref_slice %arg11[%dma_wait3A_386, %dma_wait3A_387] : memref<400x64xf32, #tpu.memory_space<vmem>> -> memref<50x64xf32, #tpu.memory_space<vmem>>
      tpu.wait_dma2 semaphore(%arg15 : memref<!tpu.dma_semaphore, #tpu.memory_space<semaphore_mem>>) src(%dma_wait3A_388 : memref<50x64xf32, #tpu.memory_space<vmem>>) dst(%dma_wait3A_385 : memref<50x64xf32, #tpu.memory_space<hbm>>)
      %add3A_389 = arith.constant 7 : i32
      %add3A_390 = arith.addi %add3A_148, %add3A_389 : i32
      %dma_wait3A_391 = arith.constant 350 : i32
      %dma_wait3A_392 = arith.constant 0 : i32
      %dma_wait3A_393 = tpu.memref_slice %arg11[%dma_wait3A_391, %dma_wait3A_392] : memref<400x64xf32, #tpu.memory_space<vmem>> -> memref<50x64xf32, #tpu.memory_space<vmem>>
      %dma_wait3A_394 = arith.constant 0 : i32
      %dma_wait3A_395 = arith.constant 0 : i32
      %dma_wait3A_396 = tpu.memref_slice %arg6[%add3A_390, %dma_wait3A_394, %dma_wait3A_395] : memref<4096x50x64xf32, #tpu.memory_space<hbm>> -> memref<1x50x64xf32, #tpu.memory_space<hbm>>
      %dma_wait3A_397 = tpu.memref_squeeze %dma_wait3A_396 : memref<1x50x64xf32, #tpu.memory_space<hbm>> -> memref<50x64xf32, #tpu.memory_space<hbm>>
      %dma_wait3A_398 = arith.constant 0 : i32
      %dma_wait3A_399 = arith.constant 0 : i32
      %dma_wait3A_400 = tpu.memref_slice %arg6[%add3A_390, %dma_wait3A_398, %dma_wait3A_399] : memref<4096x50x64xf32, #tpu.memory_space<hbm>> -> memref<1x50x64xf32, #tpu.memory_space<hbm>>
      %dma_wait3A_401 = tpu.memref_squeeze %dma_wait3A_400 : memref<1x50x64xf32, #tpu.memory_space<hbm>> -> memref<50x64xf32, #tpu.memory_space<hbm>>
      %dma_wait3A_402 = arith.constant 350 : i32
      %dma_wait3A_403 = arith.constant 0 : i32
      %dma_wait3A_404 = tpu.memref_slice %arg11[%dma_wait3A_402, %dma_wait3A_403] : memref<400x64xf32, #tpu.memory_space<vmem>> -> memref<50x64xf32, #tpu.memory_space<vmem>>
      tpu.wait_dma2 semaphore(%arg15 : memref<!tpu.dma_semaphore, #tpu.memory_space<semaphore_mem>>) src(%dma_wait3A_404 : memref<50x64xf32, #tpu.memory_space<vmem>>) dst(%dma_wait3A_401 : memref<50x64xf32, #tpu.memory_space<hbm>>)
    }
    %scan3A_31 = arith.constant 16 : i32
    return
  }
}

</mosaic_0001>

<sc_bundles>
// kernel: kernel.3.cloned.1.call-start
scs
__scs_entry_jumppad:
0x0: {  	(pc) =	sbr.rel $0x88, $3  }
0x1: {  	(tag) =	ssettag $0x0;
	lr =	simm.s32 $0x1  }
0x2: {  	[smem:$0x3F9D] =	sst lr;
	_ =	strace $0xD0000000  }
0x3: {  	_ = 	snop  }
0x4: {  	_ = 	snop  }
0x5: {  	_ = 	snop  }
0x6: {  	_ = 	snop  }
0x7: {  	_ = 	snop  }
__scs_overlays_trampoline_lowered:
0x8: {  	[smem:$0x3FAC] =	sst s0  }
0x9: {  	[smem:$0x3FAD] =	sst s1  }
0xa: {  	[smem:$0x3FAE] =	sst s2  }
0xb: {  	[smem:$0x3FAF] =	sst s3  }
0xc: {  	[smem:$0x3FB0] =	sst s4  }
0xd: {  	[smem:$0x3FB1] =	sst s5  }
0xe: {  	[smem:$0x3FB2] =	sst s6  }
0xf: {  	[smem:$0x3FB3] =	sst s7  }
0x10: {  	[smem:$0x3FB4] =	sst s8  }
0x11: {  	[smem:$0x3FB5] =	sst s9;
	s0 =	simm.s32 @!p0 $0x0  }
0x12: {  	s1 =	sld [smem:$0x3F9B];
	s0 =	simm.s32 @p0 $0x1  }
0x13: {  	[smem:$0x3FB6] =	sst s0;
	s0 =	simm.s32 @!p1 $0x0  }
0x14: {  	s2 =	sld [smem:$0x3F9A];
	s0 =	simm.s32 @p1 $0x1  }
0x15: {  	[smem:$0x3FB7] =	sst s0;
	s0 =	simm.s32 @!p2 $0x0  }
0x16: {  	s3 =	sld [smem:$0x3FDB];
	s0 =	simm.s32 @p2 $0x1  }
0x17: {  	s4 =	simm.s32 $0x1BF5;
	[smem:$0x3FB9] =	sst s0  }
0x18: {  	s0 =	sld [smem:$0x3F9C];
	_ =	swait.ge [sflag:s4], $0x0  }
0x19: {  	s7 =	sld [smem:$0x3F9D]  }
0x1a: {  	s8 =	sadd.s32 $0xFFFFE003, lr  }
0x1b: {  	s9 =	sadd.s32 $0xFFFFFEF7, lr;
	s5 =	simm.s32 $0xFFFFFFFF;
	p2 =	slt.u32 s8, $0xFFFFF086  }
0x1c: {  	p1 =	slt.u32 s9, $0xF7A;
	s5 =	simm.s32 @!p2 $0x0  }
0x1d: {  	s5 =	simm.s32 @p1 $0x1;
	p0 =	seq.s32 s7, s2  }
0x1e: {  	s7 =	smul.u32 @!p0 $0xF7A, s2;
	p2 =	seq.s32 @!p0 s5, $0x0  }
0x1f: {  	s9 =	smul.u32 $0xF7A, s1;
	s8 =	simm.s32 @!p0 $0x1BF5;
	p2 =	por !p2, p0  }
0x20: {  	[sflag:s8] =	ssyncset.s32 @!p0 $0xFFFFF086;
	s6 =	sadd.s32 @!p0 s3, s7;
	s7 =	simm.s32 @!p0 $0x108  }
0x21: {  	s3 =	sadd.s32 s3, s9;
	s6 =	sadd.s32 @!p0 $0x88, s6;
	s7 =	simm.s32 @p2 $0x1082  }
0x22: {  	[simem:s7], [sflag:s8] =	dma.local @!p0 [hbm:s6], $0xF7A  }
0x23: {  	s9 =	sor.u32 $0xD0000000, s2;
	s6 =	simm.s32 $0x108;
	_ =	swait.ge @!p0 [sflag:s8], $0x0  }
0x24: {  	s3 =	sadd.s32 $0x88, s3;
	s6 =	simm.s32 @!p1 $0x1082;
	[sflag:s4] =	ssyncset.s32 $0xFFFFF086  }
0x25: {  	[simem:s6], [sflag:s4] =	dma.local [hbm:s3], $0xF7A  }
0x26: {  	[smem:$0x3F9D] =	sst s1;
	(tag) =	ssettag s2;
	_ =	strace s9  }
0x27: {  	s1 =	sld [smem:$0x3FAD]  }
0x28: {  	s2 =	sld [smem:$0x3FAE]  }
0x29: {  	s4 =	sld [smem:$0x3FB0]  }
0x2a: {  	p0 =	seq.s32 s5, $0x0;
	s5 =	sld [smem:$0x3FB1]  }
0x2b: {  	s6 =	sld [smem:$0x3FB2]  }
0x2c: {  	s7 =	sld [smem:$0x3FB3]  }
0x2d: {  	s3 =	simm.s32 $0x108;
	s8 =	sld [smem:$0x3FB4]  }
0x2e: {  	s3 =	simm.s32 @!p0 $0x1082;
	s9 =	sld [smem:$0x3FB5]  }
0x2f: {  	lr =	sadd.s32 s0, s3;
	s0 =	sld [smem:$0x3FAC]  }
0x30: {  	s3 =	sld [smem:$0x3FAF]  }
0x31: {  	[smem:$0x3FB8] =	sst s10  }
0x32: {  	s10 =	sld [smem:$0x3FB6];
	_ =	sdelay $0x3  }
0x33: {  	p0 =	seq.s32 s10, $0x1;
	s10 =	sld [smem:$0x3FB8];
	_ =	sdelay $0x3  }
0x34: {  	[smem:$0x3FB8] =	sst s10  }
0x35: {  	s10 =	sld [smem:$0x3FB7];
	_ =	sdelay $0x3  }
0x36: {  	p1 =	seq.s32 s10, $0x1;
	s10 =	sld [smem:$0x3FB8];
	_ =	sdelay $0x3  }
0x37: {  	[smem:$0x3FB8] =	sst s10  }
0x38: {  	s10 =	sld [smem:$0x3FB9]  }
0x39: {  	_ = 	snop;
	(pc) =	sbr.ind lr, $3  }
0x3a: {  	_ = 	snop  }
0x3b: {  	_ = 	snop  }
0x3c: {  	p2 =	seq.s32 s10, $0x1;
	s10 =	sld [smem:$0x3FB8]  }
0x3d: {  	_ =	shalt  }
0x3e: {  	_ =	shalt  }
0x3f: {  	_ =	shalt  }
0x40: {  	_ =	shalt  }
0x41: {  	_ =	shalt  }
0x42: {  	_ =	shalt  }
0x43: {  	_ =	shalt  }
0x44: {  	_ =	shalt  }
0x45: {  	_ =	shalt  }
0x46: {  	_ =	shalt  }
0x47: {  	_ =	shalt  }
0x48: {  	_ =	shalt  }
0x49: {  	_ =	shalt  }
0x4a: {  	_ =	shalt  }
0x4b: {  	_ =	shalt  }
0x4c: {  	_ =	shalt  }
0x4d: {  	_ =	shalt  }
0x4e: {  	_ =	shalt  }
0x4f: {  	_ =	shalt  }
0x50: {  	_ =	shalt  }
0x51: {  	_ =	shalt  }
0x52: {  	_ =	shalt  }
0x53: {  	_ =	shalt  }
0x54: {  	_ =	shalt  }
0x55: {  	_ =	shalt  }
0x56: {  	_ =	shalt  }
0x57: {  	_ =	shalt  }
0x58: {  	_ =	shalt  }
0x59: {  	_ =	shalt  }
0x5a: {  	_ =	shalt  }
0x5b: {  	_ =	shalt  }
0x5c: {  	_ =	shalt  }
0x5d: {  	_ =	shalt  }
0x5e: {  	_ =	shalt  }
0x5f: {  	_ =	shalt  }
0x60: {  	_ =	shalt  }
0x61: {  	_ =	shalt  }
0x62: {  	_ =	shalt  }
0x63: {  	_ =	shalt  }
0x64: {  	_ =	shalt  }
0x65: {  	_ =	shalt  }
0x66: {  	_ =	shalt  }
0x67: {  	_ =	shalt  }
0x68: {  	_ =	shalt  }
0x69: {  	_ =	shalt  }
0x6a: {  	_ =	shalt  }
0x6b: {  	_ =	shalt  }
0x6c: {  	_ =	shalt  }
0x6d: {  	_ =	shalt  }
0x6e: {  	_ =	shalt  }
0x6f: {  	_ =	shalt  }
0x70: {  	_ =	shalt  }
0x71: {  	_ =	shalt  }
0x72: {  	_ =	shalt  }
0x73: {  	_ =	shalt  }
0x74: {  	_ =	shalt  }
0x75: {  	_ =	shalt  }
0x76: {  	_ =	shalt  }
0x77: {  	_ =	shalt  }
0x78: {  	_ =	shalt  }
0x79: {  	_ =	shalt  }
0x7a: {  	_ =	shalt  }
0x7b: {  	_ =	shalt  }
0x7c: {  	_ =	shalt  }
0x7d: {  	_ =	shalt  }
0x7e: {  	_ =	shalt  }
0x7f: {  	_ =	shalt  }
0x80: {  	_ =	shalt  }
0x81: {  	_ =	shalt  }
0x82: {  	_ =	shalt  }
0x83: {  	_ =	shalt  }
0x84: {  	_ =	shalt  }
0x85: {  	_ =	shalt  }
0x86: {  	_ =	shalt  }
0x87: {  	_ =	shalt  }
.Lfunc_end0:
.L_simem_size_0:
called_computation.2_lowered:
.L_overlay_start_0:
0x88: {  	s2 =	sld [smem:$0x3FD9]  }
0x89: {  	s3 =	sld [smem:$0x3FFE];
	_ =	sdelay $0x1  }
0x8a: {  	s1 =	srdreg.scid  }
0x8b: {  	s0 =	sand.u32 $0x1, s1  }
0x8c: {  	s17 =	sshll.u32 s0, $0xA;
	s2 =	sadd.s32 s3, s2  }
0x8d: {  	s2 =	sadd.s32 s2, s17  }
0x8e: {  	[smem:$0x3FC4] =	sst s2  }
0x8f: {  	_ = 	snop  }
0x90: {  	s2 =	sld [smem:$0x3FC7]  }
0x91: {  	s18 =	sld [smem:$0x3FC6]  }
0x92: {  	s4 =	sld [smem:$0x3FD0];
	(tm) =	ssettm $0x1  }
0x93: {  	s5 =	sld [smem:$0x3FFB];
	_ =	sdelay $0x3  }
0x94: {  	_ =	strace s5  }
0x95: {  	s5 =	sld [smem:$0x3FFC];
	_ =	sdelay $0x3  }
0x96: {  	_ =	strace s5  }
0x97: {  	s5 =	sld [smem:$0x3FFD];
	_ =	sdelay $0x3  }
0x98: {  	_ =	strace s5  }
0x99: {  	_ =	strace $0x8FFFFFFF  }
0x9a: {  	s19 =	sld [smem:$0x3FDB];
	_ =	sdelay $0x1  }
0x9b: {  	s6 =	simm.s32 $_scs_section_size  }
0x9c: {  	s7 =	simm.s32 $_size__tile_overlayer_lowered;
	s8 =	simm.s32 $_tile_overlayer_lowered  }
0x9d: {  	s22 =	simm.s32 $0x1BFF;
	s21 =	sshll.u32 s8, $0x1;
	s5 =	sadd.s32 s6, s19  }
0x9e: {  	s9 =	simm.s32 $0x0;
	s20 =	sshll.u32 s7, $0x1;
	s7 =	sadd.s32 s21, s5  }
0x9f: {  	[timem:s9], [sflag:s22] =	dma.local [hbm:s7], s20  }
0xa0: {  	_ =	swait.ge [sflag:s22], s20  }
0xa1: {  	s6 =	ssub.s32 $0x0, s20;
	[sflag:s22] =	ssyncset.done $0x0  }
0xa2: {  	[sflag:s22] =	ssyncadd.s32 s6;
	_ =	sdelay $0x1  }
0xa3: {  	s23 =	simm.s32 $0x1B8B  }
0xa4: {  	_ =	swait.ge [sflag:s23], $0x1  }
0xa5: {  	[sflag:s23] =	ssyncset.done $0x0  }
0xa6: {  	s25 =	simm.s32 $0x1B8E;
	s24 =	sld [smem:$0x3FFE];
	[sflag:s23] =	ssyncadd.s32 $0xFFFFFFFF  }
0xa7: {  	s26 =	simm.s32 $execute0_lowered;
	[smem:$0x3FD2] =	sst s25  }
0xa8: {  	s7 =	sshll.u32 s26, $0x1;
	_ =	strace $0x80000049;
	[dreg:$0x1] =	wrdreg $0xFFFFFFFF  }
0xa9: {  	s28 =	simm.s32 $_size_execute0_lowered;
	s5 =	sadd.s32 s5, s7;
	[dreg:$0x0] =	wrdreg $0x0  }
0xaa: {  	s7 =	sshll.u32 s28, $0x1;
	[dreg:$0x2] =	wrdreg s5  }
0xab: {  	[dreg:$0x3] =	wrdreg s7  }
0xac: {  	[dreg:$0x4] =	wrdreg $0xC0  }
0xad: {  	_ =	task [dreg:s9], $0x5FFFF  }
0xae: {  	[dreg:$0x1] =	wrdreg $0xFFFFFFFF  }
0xaf: {  	[dreg:$0x0] =	wrdreg $0x60  }
0xb0: {  	[dreg:$0x2] =	wrdreg s24  }
0xb1: {  	[dreg:$0x3] =	wrdreg s2  }
0xb2: {  	[dreg:$0x4] =	wrdreg s18  }
0xb3: {  	[dreg:$0x5] =	wrdreg s4  }
0xb4: {  	[dreg:$0x6] =	wrdreg $0x9  }
0xb5: {  	_ =	task.clear_ibuf [dreg:s9], $0x7FFFF;
	_ =	strace $0x90000049  }
0xb6: {  	s29 =	simm.s32 $0x9;
	_ =	strace $0x8000004B  }
0xb7: {  	_ =	swait.ge [sflag:s29], $0x1  }
0xb8: {  	[sflag:s29] =	ssyncadd.s32 $0xFFFFFFFF  }
0xb9: {  	_ =	strace $0x9000004B  }
0xba: {  	_ =	sfence  }
0xbb: {  	s30 =	sld [smem:$0x0];
	_ =	sdelay $0x2  }
0xbc: {  	s31 =	sshll.u32 s1, $0xD;
	s1 =	sshrl.u32 s1, $0x2  }
0xbd: {  	s3 =	sand.u32 $0x4000, s31;
	s1 =	sadd.s32 s1, s30  }
0xbe: {  	s0 =	sor.u32 s3, s0;
	s1 =	sshll.u32 s1, $0x11  }
0xbf: {  	s0 =	sor.u32 s1, s0  }
0xc0: {  	s0 =	sadd.s32 $0x8F2B, s0  }
0xc1: {  	[sflag:s0] =	ssyncadd.remote.s32 $0x1  }
0xc2: {  	_ =	sfence.sel $0xFFFF  }
0xc3: {  	[dreg:$0x0] =	wrdreg $0xFFFFFFFF;
	(pc) =	sbr.abs _section_cstart, $3  }
0xc4: {  	[dreg:$0x1] =	wrdreg $0xFFFFFFFF  }
0xc5: {  	_ =	task.clear_ibuf [dreg:s9], $0x2FFFF;
	_ =	strace $0x9FFFFFFF  }
0xc6: {  	(tm) =	ssettm $0x7FFFFFFF  }
0xc7: {  	_ =	shalt  }
tec
execute0_lowered:
.L_overlay_start_1:
0x0: {  	(tag) =	ssettag $0x1  }
0x1: {  	s0 =	rddreg [dreg:$0x0]  }
0x2: {  	s1 =	rddreg [dreg:$0x1]  }
0x3: {  	s3 =	rddreg [dreg:$0x2];
	s2 =	srdreg.scid  }
0x4: {  	s5 =	stileid.u32;
	s4 =	rddreg [dreg:$0x3];
	s11 =	simm.s32 $0x50  }
0x5: {  	s13 =	simm.s32 $0x3200;
	s14 =	simm.s32 $0x3390;
	s23 =	simm.s32 $0x3480  }
0x6: {  	s24 =	simm.s32 $0x2D00;
	s25 =	simm.s32 $0x3340;
	s28 =	simm.s32 $0x1  }
0x7: {  	s29 =	simm.s32 $0x2;
	s30 =	simm.s32 $0x3;
	s31 =	simm.s32 $0x3520  }
0x8: {  	s10 =	simm.s32 $0x73A0;
	s12 =	simm.s32 $0x8020;
	s15 =	simm.s32 $0x8CA0  }
0x9: {  	s16 =	simm.s32 $0x4;
	s2 =	sand.u32 $0x1, s2;
	s6 =	sshll.u32 s5, $0x1  }
0xa: {  	s18 =	simm.s32 $0x0;
	s5 =	simm.s32 $0x0;
	s7 =	sor.u32 s2, s6  }
0xb: {  	[smem:$0x7FF] =	sst s5;
	s2 =	ssub.s32 $0x2, s2;
	s8 =	smul.u32 $0x320, s7  }
0xc: {  	s6 =	sadd.s32 $0x1E9400, s0;
	_ =	strace $0x8000004A;
	s9 =	sshrl.u32 s2, $0x1  }
0xd: {  	v0 =	vlaneseq.u32;
	s2 =	ssub.s32 s2, s9;
	s9 =	simm.s32 $0x6720;
	s0 =	sadd.s32 s8, s0  }
0xe: {  	v0 =	vmul.u32 $0x4, v0;
	s8 =	sshll.u32 s7, $0x7;
	s26 =	smax.u32 s2, $0x1;
	s2 =	simm.s32 $0x41A0  }
0xf: {  	s7 =	simm.s32 $0x5AA0;
	s0 =	sadd.s32 $0x3D1A00, s0;
	[dreg:$0x6] =	wrdreg s26  }
0x10: {  	v1 =	vor.u32 $0x1, v0;
	v2 =	vor.u32 $0x2, v0;
	v3 =	vor.u32 $0x3, v0;
	s26 =	simm.s32 $0x34D0;
	[dreg:$0x5] =	wrdreg s0;
	s0 =	simm.s32 $0x4E20  }
.LBB2_1:
0x11: {  	[dreg:$0x7] =	wrdreg s18  }
0x12: {  	s17 =	rddreg [dreg:$0x5];
	s22 =	simm.s32 $0x5  }
0x13: {  	[tilespmem:s5], [sflag:$0x5] =	stream.linear.gather [hbm4b:s17+s5], $0x1900, $0x38;
	[tilespmem:$0x9920] =	vst v63  }
0x14: {  	_ =	swait.ge [sflag:s22], $0x1900  }
0x15: {  	[sflag:s22] =	ssyncset.done $0x0  }
0x16: {  	s17 =	simm.s32 $0x0;
	[sflag:s22] =	ssyncadd.s32 $0xFFFFE700  }
.LBB2_2:
0x17: {  	s18 =	smul.u32 $0x640, s17;
	_ =	sdelay $0x1  }
0x18: {  	s19 =	simm.s32 $0x1900;
	s18 =	sshra.s32 s18, $0x2  }
0x19: {  	[tilespmem:s19], [sflag:$0x1] =	stream.indirect.gather [hbm4b:s6+s11], $0x10, s18, s11, $0xb8;
	[tilespmem:$0x9920] =	vst v63  }
0x1a: {  	_ = 	snop  }
0x1b: {  	[tilespmem:s13], [sflag:$0x2] =	stream.indirect.gather [hbm4b:s1+s11], $0x1, s18, s11, $0xb8;
	[tilespmem:$0x9920] =	vst v63  }
0x1c: {  	_ = 	snop  }
0x1d: {  	[tilespmem:s14], [sflag:$0x3] =	stream.indirect.gather [hbm4b:s3+s11], $0x1, s18, s11, $0xb8;
	[tilespmem:$0x9920] =	vst v63  }
0x1e: {  	s20 =	simm.s32 $0x1E00;
	s19 =	sadd.s32 $0x50, s18  }
0x1f: {  	[tilespmem:s20], [sflag:$0x1] =	stream.indirect.gather [hbm4b:s6+s11], $0x10, s19, s11, $0xb8;
	[tilespmem:$0x9920] =	vst v63  }
0x20: {  	s22 =	simm.s32 $0x3250  }
0x21: {  	[tilespmem:s22], [sflag:$0x2] =	stream.indirect.gather [hbm4b:s1+s11], $0x1, s19, s11, $0xb8;
	[tilespmem:$0x9920] =	vst v63  }
0x22: {  	s21 =	simm.s32 $0x33E0  }
0x23: {  	[tilespmem:s21], [sflag:$0x3] =	stream.indirect.gather [hbm4b:s3+s11], $0x1, s19, s11, $0xb8;
	[tilespmem:$0x9920] =	vst v63  }
0x24: {  	s22 =	simm.s32 $0x2300;
	s19 =	sadd.s32 $0xA0, s18  }
0x25: {  	[tilespmem:s22], [sflag:$0x1] =	stream.indirect.gather [hbm4b:s6+s11], $0x10, s19, s11, $0xb8;
	[tilespmem:$0x9920] =	vst v63  }
0x26: {  	s21 =	simm.s32 $0x32A0  }
0x27: {  	[tilespmem:s21], [sflag:$0x2] =	stream.indirect.gather [hbm4b:s1+s11], $0x1, s19, s11, $0xb8;
	[tilespmem:$0x9920] =	vst v63  }
0x28: {  	s22 =	simm.s32 $0x3430  }
0x29: {  	[tilespmem:s22], [sflag:$0x3] =	stream.indirect.gather [hbm4b:s3+s11], $0x1, s19, s11, $0xb8;
	[tilespmem:$0x9920] =	vst v63  }
0x2a: {  	s21 =	simm.s32 $0x2800;
	s19 =	sadd.s32 $0xF0, s18  }
0x2b: {  	[tilespmem:s21], [sflag:$0x1] =	stream.indirect.gather [hbm4b:s6+s11], $0x10, s19, s11, $0xb8;
	[tilespmem:$0x9920] =	vst v63  }
0x2c: {  	s22 =	simm.s32 $0x32F0  }
0x2d: {  	[tilespmem:s22], [sflag:$0x2] =	stream.indirect.gather [hbm4b:s1+s11], $0x1, s19, s11, $0xb8;
	[tilespmem:$0x9920] =	vst v63  }
0x2e: {  	_ = 	snop  }
0x2f: {  	[tilespmem:s23], [sflag:$0x3] =	stream.indirect.gather [hbm4b:s3+s11], $0x1, s19, s11, $0xb8;
	[tilespmem:$0x9920] =	vst v63  }
0x30: {  	s18 =	sadd.s32 $0x140, s18  }
0x31: {  	[tilespmem:s24], [sflag:$0x1] =	stream.indirect.gather [hbm4b:s6+s11], $0x10, s18, s11, $0xb8;
	[tilespmem:$0x9920] =	vst v63  }
0x32: {  	_ = 	snop  }
0x33: {  	[tilespmem:s25], [sflag:$0x2] =	stream.indirect.gather [hbm4b:s1+s11], $0x1, s18, s11, $0xb8;
	[tilespmem:$0x9920] =	vst v63  }
0x34: {  	_ = 	snop  }
0x35: {  	[tilespmem:s26], [sflag:$0x3] =	stream.indirect.gather [hbm4b:s3+s11], $0x1, s18, s11, $0xb8;
	[tilespmem:$0x9920] =	vst v63  }
0x36: {  	_ =	swait.ge [sflag:s28], $0x1900  }
0x37: {  	[sflag:s28] =	ssyncset.done $0x0  }
0x38: {  	[sflag:s28] =	ssyncadd.s32 $0xFFFFE700  }
0x39: {  	_ =	swait.ge [sflag:s29], $0x190  }
0x3a: {  	s21 =	simm.s32 $0x0;
	[sflag:s29] =	ssyncset.done $0x0  }
0x3b: {  	v4 =	vmov s21;
	[sflag:s29] =	ssyncadd.s32 $0xFFFFFE70  }
0x3c: {  	_ =	swait.ge [sflag:s30], $0x190  }
0x3d: {  	[sflag:s30] =	ssyncset.done $0x0  }
0x3e: {  	s18 =	simm.s32 $0x1980;
	[sflag:s30] =	ssyncadd.s32 $0xFFFFFE70  }
0x3f: {  	v5 =	vld [tilespmem:s18+$0xFFFFFF80]  }
0x40: {  	v6 =	vld.idx.msk [tilespmem:v4+s13+$0x0], $0xffff  }
0x41: {  	v7 =	vshll.u32 v4, $0x6;
	v4 =	vld.idx.msk [tilespmem:v4+s14+$0x0], $0xffff;
	_ =	sdelay $0x1  }
0x42: {  	v8 =	vor.u32 v0, v7  }
0x43: {  	v12 =	vor.u32 v1, v7;
	v9 =	vand.u32 $0xFF, v5;
	v10 =	vshrl.u32 v5, $0x8  }
0x44: {  	v11 =	vshrl.u32 v5, $0x10;
	v9 =	vcvt.s32.f32 v9;
	v10 =	vand.u32 $0xFF, v10  }
0x45: {  	v4 =	vmul.f32 v4, v6;
	v11 =	vand.u32 $0xFF, v11;
	v10 =	vcvt.s32.f32 v10  }
0x46: {  	v5 =	vshrl.u32 v5, $0x18;
	v11 =	vcvt.s32.f32 v11;
	v9 =	vmul.f32 v9, v6  }
0x47: {  	v13 =	vor.u32 v2, v7;
	v5 =	vcvt.s32.f32 v5;
	v10 =	vmul.f32 v10, v6  }
0x48: {  	v7 =	vor.u32 v3, v7;
	v11 =	vmul.f32 v11, v6;
	v9 =	vsub.f32 v9, v4  }
0x49: {  	s22 =	simm.s32 $0x1;
	v5 =	vmul.f32 v5, v6;
	v10 =	vsub.f32 v10, v4  }
0x4a: {  	v6 =	vsub.f32 v11, v4;
	[tilespmem:v8+s31+$0x0] =	vst.idx.msk $0xffff, v9;
	v8 =	vmov s22  }
0x4b: {  	v4 =	vsub.f32 v5, v4;
	[tilespmem:v12+s31+$0x0] =	vst.idx.msk $0xffff, v10  }
0x4c: {  	[tilespmem:v13+s31+$0x0] =	vst.idx.msk $0xffff, v6  }
0x4d: {  	[tilespmem:v7+s31+$0x0] =	vst.idx.msk $0xffff, v4  }
0x4e: {  	v4 =	vld [tilespmem:s18+$0xFFFFFF90]  }
0x4f: {  	v5 =	vld.idx.msk [tilespmem:v8+s14+$0x0], $0xffff  }
0x50: {  	v7 =	vld.idx.msk [tilespmem:v8+s13+$0x0], $0xffff  }
0x51: {  	v6 =	vshll.u32 v8, $0x6  }
0x52: {  	v34 =	vor.u32 v1, v6  }
0x53: {  	v8 =	vor.u32 v0, v6;
	v9 =	vand.u32 $0xFF, v4;
	v10 =	vshrl.u32 v4, $0x8  }
0x54: {  	v11 =	vshrl.u32 v4, $0x10;
	v9 =	vcvt.s32.f32 v9;
	v10 =	vand.u32 $0xFF, v10  }
0x55: {  	v11 =	vand.u32 $0xFF, v11;
	v5 =	vmul.f32 v5, v7;
	v10 =	vcvt.s32.f32 v10  }
0x56: {  	v4 =	vshrl.u32 v4, $0x18;
	v11 =	vcvt.s32.f32 v11;
	v9 =	vmul.f32 v9, v7  }
0x57: {  	v35 =	vor.u32 v2, v6;
	v4 =	vcvt.s32.f32 v4;
	v10 =	vmul.f32 v10, v7  }
0x58: {  	v6 =	vor.u32 v3, v6;
	v11 =	vmul.f32 v11, v7;
	v9 =	vsub.f32 v9, v5  }
0x59: {  	s20 =	simm.s32 $0x2;
	v4 =	vmul.f32 v4, v7;
	v10 =	vsub.f32 v10, v5  }
0x5a: {  	v7 =	vsub.f32 v11, v5;
	[tilespmem:v8+s31+$0x0] =	vst.idx.msk $0xffff, v9;
	v8 =	vmov s20  }
0x5b: {  	v4 =	vsub.f32 v4, v5;
	[tilespmem:v34+s31+$0x0] =	vst.idx.msk $0xffff, v10  }
0x5c: {  	[tilespmem:v35+s31+$0x0] =	vst.idx.msk $0xffff, v7  }
0x5d: {  	[tilespmem:v6+s31+$0x0] =	vst.idx.msk $0xffff, v4  }
0x5e: {  	v4 =	vld [tilespmem:s18+$0xFFFFFFA0]  }
0x5f: {  	v5 =	vld.idx.msk [tilespmem:v8+s14+$0x0], $0xffff  }
0x60: {  	v7 =	vld.idx.msk [tilespmem:v8+s13+$0x0], $0xffff  }
0x61: {  	v6 =	vshll.u32 v8, $0x6  }
0x62: {  	v36 =	vor.u32 v1, v6  }
0x63: {  	v8 =	vor.u32 v0, v6;
	v9 =	vand.u32 $0xFF, v4;
	v10 =	vshrl.u32 v4, $0x8  }
0x64: {  	v11 =	vshrl.u32 v4, $0x10;
	v9 =	vcvt.s32.f32 v9;
	v10 =	vand.u32 $0xFF, v10  }
0x65: {  	v11 =	vand.u32 $0xFF, v11;
	v5 =	vmul.f32 v5, v7;
	v10 =	vcvt.s32.f32 v10  }
0x66: {  	v4 =	vshrl.u32 v4, $0x18;
	v11 =	vcvt.s32.f32 v11;
	v9 =	vmul.f32 v9, v7  }
0x67: {  	v37 =	vor.u32 v2, v6;
	v4 =	vcvt.s32.f32 v4;
	v10 =	vmul.f32 v10, v7  }
0x68: {  	v6 =	vor.u32 v3, v6;
	v11 =	vmul.f32 v11, v7;
	v9 =	vsub.f32 v9, v5  }
0x69: {  	s21 =	simm.s32 $0x3;
	v4 =	vmul.f32 v4, v7;
	v10 =	vsub.f32 v10, v5  }
0x6a: {  	v7 =	vsub.f32 v11, v5;
	[tilespmem:v8+s31+$0x0] =	vst.idx.msk $0xffff, v9;
	v8 =	vmov s21  }
0x6b: {  	v4 =	vsub.f32 v4, v5;
	[tilespmem:v36+s31+$0x0] =	vst.idx.msk $0xffff, v10  }
0x6c: {  	[tilespmem:v37+s31+$0x0] =	vst.idx.msk $0xffff, v7  }
0x6d: {  	[tilespmem:v6+s31+$0x0] =	vst.idx.msk $0xffff, v4  }
0x6e: {  	v4 =	vld [tilespmem:s18+$0xFFFFFFB0]  }
0x6f: {  	v5 =	vld.idx.msk [tilespmem:v8+s14+$0x0], $0xffff  }
0x70: {  	v7 =	vld.idx.msk [tilespmem:v8+s13+$0x0], $0xffff  }
0x71: {  	v6 =	vshll.u32 v8, $0x6  }
0x72: {  	v38 =	vor.u32 v1, v6  }
0x73: {  	v8 =	vor.u32 v0, v6;
	v9 =	vand.u32 $0xFF, v4;
	v10 =	vshrl.u32 v4, $0x8  }
0x74: {  	v11 =	vshrl.u32 v4, $0x10;
	v9 =	vcvt.s32.f32 v9;
	v10 =	vand.u32 $0xFF, v10  }
0x75: {  	v11 =	vand.u32 $0xFF, v11;
	v5 =	vmul.f32 v5, v7;
	v10 =	vcvt.s32.f32 v10  }
0x76: {  	v4 =	vshrl.u32 v4, $0x18;
	v11 =	vcvt.s32.f32 v11;
	v9 =	vmul.f32 v9, v7  }
0x77: {  	v39 =	vor.u32 v2, v6;
	v4 =	vcvt.s32.f32 v4;
	v10 =	vmul.f32 v10, v7  }
0x78: {  	v6 =	vor.u32 v3, v6;
	v11 =	vmul.f32 v11, v7;
	v9 =	vsub.f32 v9, v5  }
0x79: {  	s22 =	simm.s32 $0x4;
	v4 =	vmul.f32 v4, v7;
	v10 =	vsub.f32 v10, v5  }
0x7a: {  	v7 =	vsub.f32 v11, v5;
	[tilespmem:v8+s31+$0x0] =	vst.idx.msk $0xffff, v9;
	v8 =	vmov s22  }
0x7b: {  	v4 =	vsub.f32 v4, v5;
	[tilespmem:v38+s31+$0x0] =	vst.idx.msk $0xffff, v10  }
0x7c: {  	[tilespmem:v39+s31+$0x0] =	vst.idx.msk $0xffff, v7  }
0x7d: {  	[tilespmem:v6+s31+$0x0] =	vst.idx.msk $0xffff, v4  }
0x7e: {  	v4 =	vld [tilespmem:s18+$0xFFFFFFC0]  }
0x7f: {  	v5 =	vld.idx.msk [tilespmem:v8+s14+$0x0], $0xffff  }
0x80: {  	v7 =	vld.idx.msk [tilespmem:v8+s13+$0x0], $0xffff  }
0x81: {  	v6 =	vshll.u32 v8, $0x6  }
0x82: {  	v40 =	vor.u32 v1, v6  }
0x83: {  	v8 =	vor.u32 v0, v6;
	v9 =	vand.u32 $0xFF, v4;
	v10 =	vshrl.u32 v4, $0x8  }
0x84: {  	v11 =	vshrl.u32 v4, $0x10;
	v9 =	vcvt.s32.f32 v9;
	v10 =	vand.u32 $0xFF, v10  }
0x85: {  	v11 =	vand.u32 $0xFF, v11;
	v5 =	vmul.f32 v5, v7;
	v10 =	vcvt.s32.f32 v10  }
0x86: {  	v4 =	vshrl.u32 v4, $0x18;
	v11 =	vcvt.s32.f32 v11;
	v9 =	vmul.f32 v9, v7  }
0x87: {  	v41 =	vor.u32 v2, v6;
	v4 =	vcvt.s32.f32 v4;
	v10 =	vmul.f32 v10, v7  }
0x88: {  	v6 =	vor.u32 v3, v6;
	v11 =	vmul.f32 v11, v7;
	v9 =	vsub.f32 v9, v5  }
0x89: {  	s20 =	simm.s32 $0x5;
	v4 =	vmul.f32 v4, v7;
	v10 =	vsub.f32 v10, v5  }
0x8a: {  	v7 =	vsub.f32 v11, v5;
	[tilespmem:v8+s31+$0x0] =	vst.idx.msk $0xffff, v9;
	v8 =	vmov s20  }
0x8b: {  	v4 =	vsub.f32 v4, v5;
	[tilespmem:v40+s31+$0x0] =	vst.idx.msk $0xffff, v10  }
0x8c: {  	[tilespmem:v41+s31+$0x0] =	vst.idx.msk $0xffff, v7  }
0x8d: {  	[tilespmem:v6+s31+$0x0] =	vst.idx.msk $0xffff, v4  }
0x8e: {  	v4 =	vld [tilespmem:s18+$0xFFFFFFD0]  }
0x8f: {  	v5 =	vld.idx.msk [tilespmem:v8+s14+$0x0], $0xffff  }
0x90: {  	v7 =	vld.idx.msk [tilespmem:v8+s13+$0x0], $0xffff  }
0x91: {  	v6 =	vshll.u32 v8, $0x6  }
0x92: {  	v42 =	vor.u32 v1, v6  }
0x93: {  	v8 =	vor.u32 v0, v6;
	v9 =	vand.u32 $0xFF, v4;
	v10 =	vshrl.u32 v4, $0x8  }
0x94: {  	v11 =	vshrl.u32 v4, $0x10;
	v9 =	vcvt.s32.f32 v9;
	v10 =	vand.u32 $0xFF, v10  }
0x95: {  	v11 =	vand.u32 $0xFF, v11;
	v5 =	vmul.f32 v5, v7;
	v10 =	vcvt.s32.f32 v10  }
0x96: {  	v4 =	vshrl.u32 v4, $0x18;
	v11 =	vcvt.s32.f32 v11;
	v9 =	vmul.f32 v9, v7  }
0x97: {  	v43 =	vor.u32 v2, v6;
	v4 =	vcvt.s32.f32 v4;
	v10 =	vmul.f32 v10, v7  }
0x98: {  	v6 =	vor.u32 v3, v6;
	v11 =	vmul.f32 v11, v7;
	v9 =	vsub.f32 v9, v5  }
0x99: {  	s21 =	simm.s32 $0x6;
	v4 =	vmul.f32 v4, v7;
	v10 =	vsub.f32 v10, v5  }
0x9a: {  	v7 =	vsub.f32 v11, v5;
	[tilespmem:v8+s31+$0x0] =	vst.idx.msk $0xffff, v9;
	v8 =	vmov s21  }
0x9b: {  	v4 =	vsub.f32 v4, v5;
	[tilespmem:v42+s31+$0x0] =	vst.idx.msk $0xffff, v10  }
0x9c: {  	[tilespmem:v43+s31+$0x0] =	vst.idx.msk $0xffff, v7  }
0x9d: {  	[tilespmem:v6+s31+$0x0] =	vst.idx.msk $0xffff, v4  }
0x9e: {  	v4 =	vld [tilespmem:s18+$0xFFFFFFE0]  }
0x9f: {  	v5 =	vld.idx.msk [tilespmem:v8+s14+$0x0], $0xffff  }
0xa0: {  	v7 =	vld.idx.msk [tilespmem:v8+s13+$0x0], $0xffff  }
0xa1: {  	v6 =	vshll.u32 v8, $0x6  }
0xa2: {  	v44 =	vor.u32 v1, v6  }
0xa3: {  	v8 =	vor.u32 v0, v6;
	v9 =	vand.u32 $0xFF, v4;
	v10 =	vshrl.u32 v4, $0x8  }
0xa4: {  	v11 =	vshrl.u32 v4, $0x10;
	v9 =	vcvt.s32.f32 v9;
	v10 =	vand.u32 $0xFF, v10  }
0xa5: {  	v11 =	vand.u32 $0xFF, v11;
	v5 =	vmul.f32 v5, v7;
	v10 =	vcvt.s32.f32 v10  }
0xa6: {  	v4 =	vshrl.u32 v4, $0x18;
	v11 =	vcvt.s32.f32 v11;
	v9 =	vmul.f32 v9, v7  }
0xa7: {  	v45 =	vor.u32 v2, v6;
	v4 =	vcvt.s32.f32 v4;
	v10 =	vmul.f32 v10, v7  }
0xa8: {  	v6 =	vor.u32 v3, v6;
	v11 =	vmul.f32 v11, v7;
	v9 =	vsub.f32 v9, v5  }
0xa9: {  	s22 =	simm.s32 $0x7;
	v4 =	vmul.f32 v4, v7;
	v10 =	vsub.f32 v10, v5  }
0xaa: {  	v7 =	vsub.f32 v11, v5;
	[tilespmem:v8+s31+$0x0] =	vst.idx.msk $0xffff, v9;
	v8 =	vmov s22  }
0xab: {  	v4 =	vsub.f32 v4, v5;
	[tilespmem:v44+s31+$0x0] =	vst.idx.msk $0xffff, v10  }
0xac: {  	[tilespmem:v45+s31+$0x0] =	vst.idx.msk $0xffff, v7  }
0xad: {  	[tilespmem:v6+s31+$0x0] =	vst.idx.msk $0xffff, v4  }
0xae: {  	v4 =	vld [tilespmem:s18+$0xFFFFFFF0]  }
0xaf: {  	v5 =	vld.idx.msk [tilespmem:v8+s14+$0x0], $0xffff  }
0xb0: {  	v7 =	vld.idx.msk [tilespmem:v8+s13+$0x0], $0xffff  }
0xb1: {  	v6 =	vshll.u32 v8, $0x6  }
0xb2: {  	v46 =	vor.u32 v1, v6  }
0xb3: {  	v8 =	vor.u32 v0, v6;
	v9 =	vand.u32 $0xFF, v4;
	v10 =	vshrl.u32 v4, $0x8  }
0xb4: {  	v11 =	vshrl.u32 v4, $0x10;
	v9 =	vcvt.s32.f32 v9;
	v10 =	vand.u32 $0xFF, v10  }
0xb5: {  	v11 =	vand.u32 $0xFF, v11;
	v5 =	vmul.f32 v5, v7;
	v10 =	vcvt.s32.f32 v10  }
0xb6: {  	v4 =	vshrl.u32 v4, $0x18;
	v11 =	vcvt.s32.f32 v11;
	v9 =	vmul.f32 v9, v7  }
0xb7: {  	v47 =	vor.u32 v2, v6;
	v4 =	vcvt.s32.f32 v4;
	v10 =	vmul.f32 v10, v7  }
0xb8: {  	v6 =	vor.u32 v3, v6;
	v11 =	vmul.f32 v11, v7;
	v9 =	vsub.f32 v9, v5  }
0xb9: {  	s20 =	simm.s32 $0x8;
	v4 =	vmul.f32 v4, v7;
	v10 =	vsub.f32 v10, v5  }
0xba: {  	v7 =	vsub.f32 v11, v5;
	[tilespmem:v8+s31+$0x0] =	vst.idx.msk $0xffff, v9;
	v8 =	vmov s20  }
0xbb: {  	v4 =	vsub.f32 v4, v5;
	[tilespmem:v46+s31+$0x0] =	vst.idx.msk $0xffff, v10  }
0xbc: {  	[tilespmem:v47+s31+$0x0] =	vst.idx.msk $0xffff, v7  }
0xbd: {  	[tilespmem:v6+s31+$0x0] =	vst.idx.msk $0xffff, v4  }
0xbe: {  	v4 =	vld [tilespmem:s18+$0x0]  }
0xbf: {  	v5 =	vld.idx.msk [tilespmem:v8+s14+$0x0], $0xffff  }
0xc0: {  	v7 =	vld.idx.msk [tilespmem:v8+s13+$0x0], $0xffff  }
0xc1: {  	v6 =	vshll.u32 v8, $0x6  }
0xc2: {  	v48 =	vor.u32 v1, v6  }
0xc3: {  	v8 =	vor.u32 v0, v6;
	v9 =	vand.u32 $0xFF, v4;
	v10 =	vshrl.u32 v4, $0x8  }
0xc4: {  	v11 =	vshrl.u32 v4, $0x10;
	v9 =	vcvt.s32.f32 v9;
	v10 =	vand.u32 $0xFF, v10  }
0xc5: {  	v11 =	vand.u32 $0xFF, v11;
	v5 =	vmul.f32 v5, v7;
	v10 =	vcvt.s32.f32 v10  }
0xc6: {  	v4 =	vshrl.u32 v4, $0x18;
	v11 =	vcvt.s32.f32 v11;
	v9 =	vmul.f32 v9, v7  }
0xc7: {  	v49 =	vor.u32 v2, v6;
	v4 =	vcvt.s32.f32 v4;
	v10 =	vmul.f32 v10, v7  }
0xc8: {  	v6 =	vor.u32 v3, v6;
	v11 =	vmul.f32 v11, v7;
	v9 =	vsub.f32 v9, v5  }
0xc9: {  	s21 =	simm.s32 $0x9;
	v4 =	vmul.f32 v4, v7;
	v10 =	vsub.f32 v10, v5  }
0xca: {  	v7 =	vsub.f32 v11, v5;
	[tilespmem:v8+s31+$0x0] =	vst.idx.msk $0xffff, v9;
	v8 =	vmov s21  }
0xcb: {  	v4 =	vsub.f32 v4, v5;
	[tilespmem:v48+s31+$0x0] =	vst.idx.msk $0xffff, v10  }
0xcc: {  	[tilespmem:v49+s31+$0x0] =	vst.idx.msk $0xffff, v7  }
0xcd: {  	[tilespmem:v6+s31+$0x0] =	vst.idx.msk $0xffff, v4  }
0xce: {  	v4 =	vld [tilespmem:s18+$0x10]  }
0xcf: {  	v5 =	vld.idx.msk [tilespmem:v8+s13+$0x0], $0xffff  }
0xd0: {  	v7 =	vld.idx.msk [tilespmem:v8+s14+$0x0], $0xffff  }
0xd1: {  	v6 =	vshll.u32 v8, $0x6  }
0xd2: {  	v50 =	vor.u32 v1, v6  }
0xd3: {  	v8 =	vor.u32 v0, v6;
	v9 =	vand.u32 $0xFF, v4;
	v10 =	vshrl.u32 v4, $0x8  }
0xd4: {  	v11 =	vshrl.u32 v4, $0x10;
	v9 =	vcvt.s32.f32 v9;
	v10 =	vand.u32 $0xFF, v10  }
0xd5: {  	v11 =	vand.u32 $0xFF, v11;
	v7 =	vmul.f32 v7, v5;
	v10 =	vcvt.s32.f32 v10  }
0xd6: {  	v4 =	vshrl.u32 v4, $0x18;
	v11 =	vcvt.s32.f32 v11;
	v9 =	vmul.f32 v9, v5  }
0xd7: {  	v51 =	vor.u32 v2, v6;
	v4 =	vcvt.s32.f32 v4;
	v10 =	vmul.f32 v10, v5  }
0xd8: {  	v6 =	vor.u32 v3, v6;
	v11 =	vmul.f32 v11, v5;
	v9 =	vsub.f32 v9, v7  }
0xd9: {  	s22 =	simm.s32 $0xA;
	v4 =	vmul.f32 v4, v5;
	v10 =	vsub.f32 v10, v7  }
0xda: {  	v5 =	vsub.f32 v11, v7;
	[tilespmem:v8+s31+$0x0] =	vst.idx.msk $0xffff, v9;
	v8 =	vmov s22  }
0xdb: {  	v4 =	vsub.f32 v4, v7;
	[tilespmem:v50+s31+$0x0] =	vst.idx.msk $0xffff, v10  }
0xdc: {  	[tilespmem:v51+s31+$0x0] =	vst.idx.msk $0xffff, v5  }
0xdd: {  	[tilespmem:v6+s31+$0x0] =	vst.idx.msk $0xffff, v4  }
0xde: {  	v4 =	vld [tilespmem:s18+$0x20]  }
0xdf: {  	v5 =	vld.idx.msk [tilespmem:v8+s13+$0x0], $0xffff  }
0xe0: {  	v7 =	vld.idx.msk [tilespmem:v8+s14+$0x0], $0xffff  }
0xe1: {  	v6 =	vshll.u32 v8, $0x6  }
0xe2: {  	v52 =	vor.u32 v1, v6  }
0xe3: {  	v8 =	vor.u32 v0, v6;
	v9 =	vand.u32 $0xFF, v4;
	v10 =	vshrl.u32 v4, $0x8  }
0xe4: {  	v11 =	vshrl.u32 v4, $0x10;
	v9 =	vcvt.s32.f32 v9;
	v10 =	vand.u32 $0xFF, v10  }
0xe5: {  	v11 =	vand.u32 $0xFF, v11;
	v7 =	vmul.f32 v7, v5;
	v10 =	vcvt.s32.f32 v10  }
0xe6: {  	v4 =	vshrl.u32 v4, $0x18;
	v11 =	vcvt.s32.f32 v11;
	v9 =	vmul.f32 v9, v5  }
0xe7: {  	v53 =	vor.u32 v2, v6;
	v4 =	vcvt.s32.f32 v4;
	v10 =	vmul.f32 v10, v5  }
0xe8: {  	v6 =	vor.u32 v3, v6;
	v11 =	vmul.f32 v11, v5;
	v9 =	vsub.f32 v9, v7  }
0xe9: {  	s20 =	simm.s32 $0xB;
	v4 =	vmul.f32 v4, v5;
	v10 =	vsub.f32 v10, v7  }
0xea: {  	v5 =	vsub.f32 v11, v7;
	[tilespmem:v8+s31+$0x0] =	vst.idx.msk $0xffff, v9;
	v8 =	vmov s20  }
0xeb: {  	v4 =	vsub.f32 v4, v7;
	[tilespmem:v52+s31+$0x0] =	vst.idx.msk $0xffff, v10  }
0xec: {  	[tilespmem:v53+s31+$0x0] =	vst.idx.msk $0xffff, v5  }
0xed: {  	[tilespmem:v6+s31+$0x0] =	vst.idx.msk $0xffff, v4  }
0xee: {  	v4 =	vld [tilespmem:s18+$0x30]  }
0xef: {  	v5 =	vld.idx.msk [tilespmem:v8+s13+$0x0], $0xffff  }
0xf0: {  	v7 =	vld.idx.msk [tilespmem:v8+s14+$0x0], $0xffff  }
0xf1: {  	v6 =	vshll.u32 v8, $0x6  }
0xf2: {  	v54 =	vor.u32 v1, v6  }
0xf3: {  	v8 =	vor.u32 v0, v6;
	v9 =	vand.u32 $0xFF, v4;
	v10 =	vshrl.u32 v4, $0x8  }
0xf4: {  	v11 =	vshrl.u32 v4, $0x10;
	v9 =	vcvt.s32.f32 v9;
	v10 =	vand.u32 $0xFF, v10  }
0xf5: {  	v11 =	vand.u32 $0xFF, v11;
	v7 =	vmul.f32 v7, v5;
	v10 =	vcvt.s32.f32 v10  }
0xf6: {  	v4 =	vshrl.u32 v4, $0x18;
	v11 =	vcvt.s32.f32 v11;
	v9 =	vmul.f32 v9, v5  }
0xf7: {  	v55 =	vor.u32 v2, v6;
	v4 =	vcvt.s32.f32 v4;
	v10 =	vmul.f32 v10, v5  }
0xf8: {  	v6 =	vor.u32 v3, v6;
	v11 =	vmul.f32 v11, v5;
	v9 =	vsub.f32 v9, v7  }
0xf9: {  	s21 =	simm.s32 $0xC;
	v4 =	vmul.f32 v4, v5;
	v10 =	vsub.f32 v10, v7  }
0xfa: {  	v5 =	vsub.f32 v11, v7;
	[tilespmem:v8+s31+$0x0] =	vst.idx.msk $0xffff, v9;
	v8 =	vmov s21  }
0xfb: {  	v4 =	vsub.f32 v4, v7;
	[tilespmem:v54+s31+$0x0] =	vst.idx.msk $0xffff, v10  }
0xfc: {  	[tilespmem:v55+s31+$0x0] =	vst.idx.msk $0xffff, v5  }
0xfd: {  	[tilespmem:v6+s31+$0x0] =	vst.idx.msk $0xffff, v4  }
0xfe: {  	v4 =	vld [tilespmem:s18+$0x40]  }
0xff: {  	v5 =	vld.idx.msk [tilespmem:v8+s13+$0x0], $0xffff  }
0x100: {  	v7 =	vld.idx.msk [tilespmem:v8+s14+$0x0], $0xffff  }
0x101: {  	v6 =	vshll.u32 v8, $0x6  }
0x102: {  	v56 =	vor.u32 v1, v6  }
0x103: {  	v8 =	vor.u32 v0, v6;
	v9 =	vand.u32 $0xFF, v4;
	v10 =	vshrl.u32 v4, $0x8  }
0x104: {  	v11 =	vshrl.u32 v4, $0x10;
	v9 =	vcvt.s32.f32 v9;
	v10 =	vand.u32 $0xFF, v10  }
0x105: {  	v11 =	vand.u32 $0xFF, v11;
	v7 =	vmul.f32 v7, v5;
	v10 =	vcvt.s32.f32 v10  }
0x106: {  	v4 =	vshrl.u32 v4, $0x18;
	v11 =	vcvt.s32.f32 v11;
	v9 =	vmul.f32 v9, v5  }
0x107: {  	v57 =	vor.u32 v2, v6;
	v4 =	vcvt.s32.f32 v4;
	v10 =	vmul.f32 v10, v5  }
0x108: {  	v6 =	vor.u32 v3, v6;
	v11 =	vmul.f32 v11, v5;
	v9 =	vsub.f32 v9, v7  }
0x109: {  	s22 =	simm.s32 $0xD;
	v4 =	vmul.f32 v4, v5;
	v10 =	vsub.f32 v10, v7  }
0x10a: {  	v5 =	vsub.f32 v11, v7;
	[tilespmem:v8+s31+$0x0] =	vst.idx.msk $0xffff, v9;
	v8 =	vmov s22  }
0x10b: {  	v4 =	vsub.f32 v4, v7;
	[tilespmem:v56+s31+$0x0] =	vst.idx.msk $0xffff, v10  }
0x10c: {  	[tilespmem:v57+s31+$0x0] =	vst.idx.msk $0xffff, v5  }
0x10d: {  	[tilespmem:v6+s31+$0x0] =	vst.idx.msk $0xffff, v4  }
0x10e: {  	v4 =	vld [tilespmem:s18+$0x50]  }
0x10f: {  	v5 =	vld.idx.msk [tilespmem:v8+s13+$0x0], $0xffff  }
0x110: {  	v7 =	vld.idx.msk [tilespmem:v8+s14+$0x0], $0xffff  }
0x111: {  	v6 =	vshll.u32 v8, $0x6  }
0x112: {  	v58 =	vor.u32 v1, v6  }
0x113: {  	v8 =	vor.u32 v0, v6;
	v9 =	vand.u32 $0xFF, v4;
	v10 =	vshrl.u32 v4, $0x8  }
0x114: {  	v11 =	vshrl.u32 v4, $0x10;
	v9 =	vcvt.s32.f32 v9;
	v10 =	vand.u32 $0xFF, v10  }
0x115: {  	v11 =	vand.u32 $0xFF, v11;
	v7 =	vmul.f32 v7, v5;
	v10 =	vcvt.s32.f32 v10  }
0x116: {  	v4 =	vshrl.u32 v4, $0x18;
	v11 =	vcvt.s32.f32 v11;
	v9 =	vmul.f32 v9, v5  }
0x117: {  	v59 =	vor.u32 v2, v6;
	v4 =	vcvt.s32.f32 v4;
	v10 =	vmul.f32 v10, v5  }
0x118: {  	v6 =	vor.u32 v3, v6;
	v11 =	vmul.f32 v11, v5;
	v9 =	vsub.f32 v9, v7  }
0x119: {  	s20 =	simm.s32 $0xE;
	v4 =	vmul.f32 v4, v5;
	v10 =	vsub.f32 v10, v7  }
0x11a: {  	v5 =	vsub.f32 v11, v7;
	[tilespmem:v8+s31+$0x0] =	vst.idx.msk $0xffff, v9;
	v8 =	vmov s20  }
0x11b: {  	v4 =	vsub.f32 v4, v7;
	[tilespmem:v58+s31+$0x0] =	vst.idx.msk $0xffff, v10  }
0x11c: {  	[tilespmem:v59+s31+$0x0] =	vst.idx.msk $0xffff, v5  }
0x11d: {  	[tilespmem:v6+s31+$0x0] =	vst.idx.msk $0xffff, v4  }
0x11e: {  	v4 =	vld [tilespmem:s18+$0x60]  }
0x11f: {  	v5 =	vld.idx.msk [tilespmem:v8+s13+$0x0], $0xffff  }
0x120: {  	v7 =	vld.idx.msk [tilespmem:v8+s14+$0x0], $0xffff  }
0x121: {  	v6 =	vshll.u32 v8, $0x6  }
0x122: {  	v60 =	vor.u32 v1, v6  }
0x123: {  	v8 =	vor.u32 v0, v6;
	v9 =	vand.u32 $0xFF, v4;
	v10 =	vshrl.u32 v4, $0x8  }
0x124: {  	v11 =	vshrl.u32 v4, $0x10;
	v9 =	vcvt.s32.f32 v9;
	v10 =	vand.u32 $0xFF, v10  }
0x125: {  	v11 =	vand.u32 $0xFF, v11;
	v7 =	vmul.f32 v7, v5;
	v10 =	vcvt.s32.f32 v10  }
0x126: {  	v4 =	vshrl.u32 v4, $0x18;
	v11 =	vcvt.s32.f32 v11;
	v9 =	vmul.f32 v9, v5  }
0x127: {  	v61 =	vor.u32 v2, v6;
	v4 =	vcvt.s32.f32 v4;
	v10 =	vmul.f32 v10, v5  }
0x128: {  	v6 =	vor.u32 v3, v6;
	v11 =	vmul.f32 v11, v5;
	v9 =	vsub.f32 v9, v7  }
0x129: {  	s21 =	simm.s32 $0xF;
	v4 =	vmul.f32 v4, v5;
	v10 =	vsub.f32 v10, v7  }
0x12a: {  	v5 =	vsub.f32 v11, v7;
	[tilespmem:v8+s31+$0x0] =	vst.idx.msk $0xffff, v9;
	v8 =	vmov s21  }
0x12b: {  	v4 =	vsub.f32 v4, v7;
	[tilespmem:v60+s31+$0x0] =	vst.idx.msk $0xffff, v10  }
0x12c: {  	[tilespmem:v61+s31+$0x0] =	vst.idx.msk $0xffff, v5  }
0x12d: {  	[tilespmem:v6+s31+$0x0] =	vst.idx.msk $0xffff, v4  }
0x12e: {  	v4 =	vld [tilespmem:s18+$0x70]  }
0x12f: {  	v5 =	vld.idx.msk [tilespmem:v8+s13+$0x0], $0xffff  }
0x130: {  	v7 =	vld.idx.msk [tilespmem:v8+s14+$0x0], $0xffff  }
0x131: {  	v6 =	vshll.u32 v8, $0x6  }
0x132: {  	v8 =	vor.u32 v0, v6  }
0x133: {  	v9 =	vand.u32 $0xFF, v4;
	v10 =	vshrl.u32 v4, $0x8;
	v11 =	vshrl.u32 v4, $0x10  }
0x134: {  	v4 =	vshrl.u32 v4, $0x18;
	v9 =	vcvt.s32.f32 v9;
	v10 =	vand.u32 $0xFF, v10  }
0x135: {  	v11 =	vand.u32 $0xFF, v11;
	v62 =	vmul.f32 v7, v5;
	v10 =	vcvt.s32.f32 v10  }
0x136: {  	v4 =	vcvt.s32.f32 v4;
	v7 =	vmul.f32 v9, v5;
	v9 =	vor.u32 v1, v6  }
0x137: {  	v11 =	vcvt.s32.f32 v11;
	v10 =	vmul.f32 v10, v5  }
0x138: {  	v14 =	vmul.f32 v4, v5;
	v63 =	vsub.f32 v7, v62;
	v7 =	vor.u32 v2, v6  }
0x139: {  	s22 =	simm.s32 $0x10;
	v11 =	vmul.f32 v11, v5;
	v6 =	vor.u32 v3, v6;
	v10 =	vsub.f32 v10, v62  }
0x13a: {  	v5 =	vmov s22;
	[tilespmem:v8+s31+$0x0] =	vst.idx.msk $0xffff, v63  }
0x13b: {  	s19 =	simm.s32 $0x1F;
	s20 =	simm.s32 $0x2F;
	v4 =	vshll.u32 v5, $0x6;
	v8 =	vsub.f32 v11, v62;
	[tilespmem:v9+s31+$0x0] =	vst.idx.msk $0xffff, v10;
	v9 =	vsub.f32 v14, v62  }
.LBB2_3:
0x13c: {  	p0 =	sne.s32 s20, $0x18F  }
0x13d: {  	[tilespmem:v7+s31+$0x0] =	vst.idx.msk $0xffff, v8;
	s18 =	sadd.s32 $0x100, s18;
	s21 =	smov.u32 s20;
	s20 =	sadd.s32 $0x10, s20  }
0x13e: {  	[tilespmem:v6+s31+$0x0] =	vst.idx.msk $0xffff, v9  }
0x13f: {  	v6 =	vld [tilespmem:s18+$0xFFFFFF80]  }
0x140: {  	v7 =	vld.idx.msk [tilespmem:v5+s13+$0x0], $0xffff  }
0x141: {  	v5 =	vld.idx.msk [tilespmem:v5+s14+$0x0], $0xffff;
	_ =	sdelay $0x1  }
0x142: {  	v8 =	vor.u32 v0, v4  }
0x143: {  	v9 =	vand.u32 $0xFF, v6;
	v10 =	vshrl.u32 v6, $0x8;
	v11 =	vshrl.u32 v6, $0x10  }
0x144: {  	v9 =	vcvt.s32.f32 v9;
	v10 =	vand.u32 $0xFF, v10;
	v11 =	vand.u32 $0xFF, v11  }
0x145: {  	v6 =	vshrl.u32 v6, $0x18;
	v10 =	vcvt.s32.f32 v10;
	v11 =	vcvt.s32.f32 v11  }
0x146: {  	v12 =	vor.u32 v1, v4;
	v5 =	vmul.f32 v5, v7;
	v9 =	vmul.f32 v9, v7  }
0x147: {  	v13 =	vor.u32 v2, v4;
	v6 =	vcvt.s32.f32 v6;
	v10 =	vmul.f32 v10, v7  }
0x148: {  	v4 =	vor.u32 v3, v4;
	v11 =	vmul.f32 v11, v7;
	v9 =	vsub.f32 v9, v5  }
0x149: {  	s22 =	sadd.s32 $0xFFFFFFF2, s19;
	v6 =	vmul.f32 v6, v7;
	v10 =	vsub.f32 v10, v5  }
0x14a: {  	v7 =	vsub.f32 v11, v5;
	[tilespmem:v8+s31+$0x0] =	vst.idx.msk $0xffff, v9;
	v8 =	vmov s22  }
0x14b: {  	v5 =	vsub.f32 v6, v5;
	[tilespmem:v12+s31+$0x0] =	vst.idx.msk $0xffff, v10;
	v6 =	vshll.u32 v8, $0x6  }
0x14c: {  	[tilespmem:v13+s31+$0x0] =	vst.idx.msk $0xffff, v7  }
0x14d: {  	[tilespmem:v4+s31+$0x0] =	vst.idx.msk $0xffff, v5  }
0x14e: {  	v4 =	vld [tilespmem:s18+$0xFFFFFF90]  }
0x14f: {  	v5 =	vld.idx.msk [tilespmem:v8+s14+$0x0], $0xffff  }
0x150: {  	v7 =	vld.idx.msk [tilespmem:v8+s13+$0x0], $0xffff;
	_ =	sdelay $0x1  }
0x151: {  	v8 =	vor.u32 v0, v6  }
0x152: {  	v9 =	vand.u32 $0xFF, v4;
	v10 =	vshrl.u32 v4, $0x8;
	v11 =	vshrl.u32 v4, $0x10  }
0x153: {  	v9 =	vcvt.s32.f32 v9;
	v10 =	vand.u32 $0xFF, v10;
	v11 =	vand.u32 $0xFF, v11  }
0x154: {  	v4 =	vshrl.u32 v4, $0x18;
	v10 =	vcvt.s32.f32 v10;
	v11 =	vcvt.s32.f32 v11  }
0x155: {  	v12 =	vor.u32 v1, v6;
	v5 =	vmul.f32 v5, v7;
	v9 =	vmul.f32 v9, v7  }
0x156: {  	v13 =	vor.u32 v2, v6;
	v4 =	vcvt.s32.f32 v4;
	v10 =	vmul.f32 v10, v7  }
0x157: {  	v6 =	vor.u32 v3, v6;
	v11 =	vmul.f32 v11, v7;
	v9 =	vsub.f32 v9, v5  }
0x158: {  	s22 =	sadd.s32 $0xFFFFFFF3, s19;
	v4 =	vmul.f32 v4, v7;
	v10 =	vsub.f32 v10, v5  }
0x159: {  	v7 =	vsub.f32 v11, v5;
	[tilespmem:v8+s31+$0x0] =	vst.idx.msk $0xffff, v9;
	v8 =	vmov s22  }
0x15a: {  	v4 =	vsub.f32 v4, v5;
	[tilespmem:v12+s31+$0x0] =	vst.idx.msk $0xffff, v10;
	v5 =	vshll.u32 v8, $0x6  }
0x15b: {  	[tilespmem:v13+s31+$0x0] =	vst.idx.msk $0xffff, v7  }
0x15c: {  	[tilespmem:v6+s31+$0x0] =	vst.idx.msk $0xffff, v4  }
0x15d: {  	v4 =	vld [tilespmem:s18+$0xFFFFFFA0]  }
0x15e: {  	v6 =	vld.idx.msk [tilespmem:v8+s14+$0x0], $0xffff  }
0x15f: {  	v7 =	vld.idx.msk [tilespmem:v8+s13+$0x0], $0xffff;
	_ =	sdelay $0x1  }
0x160: {  	v8 =	vor.u32 v0, v5  }
0x161: {  	v9 =	vand.u32 $0xFF, v4;
	v10 =	vshrl.u32 v4, $0x8;
	v11 =	vshrl.u32 v4, $0x10  }
0x162: {  	v9 =	vcvt.s32.f32 v9;
	v10 =	vand.u32 $0xFF, v10;
	v11 =	vand.u32 $0xFF, v11  }
0x163: {  	v4 =	vshrl.u32 v4, $0x18;
	v10 =	vcvt.s32.f32 v10;
	v11 =	vcvt.s32.f32 v11  }
0x164: {  	v12 =	vor.u32 v1, v5;
	v6 =	vmul.f32 v6, v7;
	v9 =	vmul.f32 v9, v7  }
0x165: {  	v13 =	vor.u32 v2, v5;
	v4 =	vcvt.s32.f32 v4;
	v10 =	vmul.f32 v10, v7  }
0x166: {  	v5 =	vor.u32 v3, v5;
	v11 =	vmul.f32 v11, v7;
	v9 =	vsub.f32 v9, v6  }
0x167: {  	s22 =	sadd.s32 $0xFFFFFFF4, s19;
	v4 =	vmul.f32 v4, v7;
	v10 =	vsub.f32 v10, v6  }
0x168: {  	v7 =	vsub.f32 v11, v6;
	[tilespmem:v8+s31+$0x0] =	vst.idx.msk $0xffff, v9;
	v8 =	vmov s22  }
0x169: {  	v4 =	vsub.f32 v4, v6;
	[tilespmem:v12+s31+$0x0] =	vst.idx.msk $0xffff, v10;
	v6 =	vshll.u32 v8, $0x6  }
0x16a: {  	[tilespmem:v13+s31+$0x0] =	vst.idx.msk $0xffff, v7  }
0x16b: {  	[tilespmem:v5+s31+$0x0] =	vst.idx.msk $0xffff, v4  }
0x16c: {  	v4 =	vld [tilespmem:s18+$0xFFFFFFB0]  }
0x16d: {  	v5 =	vld.idx.msk [tilespmem:v8+s14+$0x0], $0xffff  }
0x16e: {  	v7 =	vld.idx.msk [tilespmem:v8+s13+$0x0], $0xffff;
	_ =	sdelay $0x1  }
0x16f: {  	v8 =	vor.u32 v0, v6  }
0x170: {  	v9 =	vand.u32 $0xFF, v4;
	v10 =	vshrl.u32 v4, $0x8;
	v11 =	vshrl.u32 v4, $0x10  }
0x171: {  	v9 =	vcvt.s32.f32 v9;
	v10 =	vand.u32 $0xFF, v10;
	v11 =	vand.u32 $0xFF, v11  }
0x172: {  	v4 =	vshrl.u32 v4, $0x18;
	v10 =	vcvt.s32.f32 v10;
	v11 =	vcvt.s32.f32 v11  }
0x173: {  	v12 =	vor.u32 v1, v6;
	v5 =	vmul.f32 v5, v7;
	v9 =	vmul.f32 v9, v7  }
0x174: {  	v13 =	vor.u32 v2, v6;
	v4 =	vcvt.s32.f32 v4;
	v10 =	vmul.f32 v10, v7  }
0x175: {  	v6 =	vor.u32 v3, v6;
	v11 =	vmul.f32 v11, v7;
	v9 =	vsub.f32 v9, v5  }
0x176: {  	s22 =	sadd.s32 $0xFFFFFFF5, s19;
	v4 =	vmul.f32 v4, v7;
	v10 =	vsub.f32 v10, v5  }
0x177: {  	v7 =	vsub.f32 v11, v5;
	[tilespmem:v8+s31+$0x0] =	vst.idx.msk $0xffff, v9;
	v8 =	vmov s22  }
0x178: {  	v4 =	vsub.f32 v4, v5;
	[tilespmem:v12+s31+$0x0] =	vst.idx.msk $0xffff, v10;
	v5 =	vshll.u32 v8, $0x6  }
0x179: {  	[tilespmem:v13+s31+$0x0] =	vst.idx.msk $0xffff, v7  }
0x17a: {  	[tilespmem:v6+s31+$0x0] =	vst.idx.msk $0xffff, v4  }
0x17b: {  	v4 =	vld [tilespmem:s18+$0xFFFFFFC0]  }
0x17c: {  	v6 =	vld.idx.msk [tilespmem:v8+s14+$0x0], $0xffff  }
0x17d: {  	v7 =	vld.idx.msk [tilespmem:v8+s13+$0x0], $0xffff;
	_ =	sdelay $0x1  }
0x17e: {  	v8 =	vor.u32 v0, v5  }
0x17f: {  	v9 =	vand.u32 $0xFF, v4;
	v10 =	vshrl.u32 v4, $0x8;
	v11 =	vshrl.u32 v4, $0x10  }
0x180: {  	v9 =	vcvt.s32.f32 v9;
	v10 =	vand.u32 $0xFF, v10;
	v11 =	vand.u32 $0xFF, v11  }
0x181: {  	v4 =	vshrl.u32 v4, $0x18;
	v10 =	vcvt.s32.f32 v10;
	v11 =	vcvt.s32.f32 v11  }
0x182: {  	v12 =	vor.u32 v1, v5;
	v6 =	vmul.f32 v6, v7;
	v9 =	vmul.f32 v9, v7  }
0x183: {  	v13 =	vor.u32 v2, v5;
	v4 =	vcvt.s32.f32 v4;
	v10 =	vmul.f32 v10, v7  }
0x184: {  	v5 =	vor.u32 v3, v5;
	v11 =	vmul.f32 v11, v7;
	v9 =	vsub.f32 v9, v6  }
0x185: {  	s22 =	sadd.s32 $0xFFFFFFF6, s19;
	v4 =	vmul.f32 v4, v7;
	v10 =	vsub.f32 v10, v6  }
0x186: {  	v7 =	vsub.f32 v11, v6;
	[tilespmem:v8+s31+$0x0] =	vst.idx.msk $0xffff, v9;
	v8 =	vmov s22  }
0x187: {  	v4 =	vsub.f32 v4, v6;
	[tilespmem:v12+s31+$0x0] =	vst.idx.msk $0xffff, v10;
	v6 =	vshll.u32 v8, $0x6  }
0x188: {  	[tilespmem:v13+s31+$0x0] =	vst.idx.msk $0xffff, v7  }
0x189: {  	[tilespmem:v5+s31+$0x0] =	vst.idx.msk $0xffff, v4  }
0x18a: {  	v4 =	vld [tilespmem:s18+$0xFFFFFFD0]  }
0x18b: {  	v5 =	vld.idx.msk [tilespmem:v8+s14+$0x0], $0xffff  }
0x18c: {  	v7 =	vld.idx.msk [tilespmem:v8+s13+$0x0], $0xffff;
	_ =	sdelay $0x1  }
0x18d: {  	v8 =	vor.u32 v0, v6  }
0x18e: {  	v9 =	vand.u32 $0xFF, v4;
	v10 =	vshrl.u32 v4, $0x8;
	v11 =	vshrl.u32 v4, $0x10  }
0x18f: {  	v9 =	vcvt.s32.f32 v9;
	v10 =	vand.u32 $0xFF, v10;
	v11 =	vand.u32 $0xFF, v11  }
0x190: {  	v4 =	vshrl.u32 v4, $0x18;
	v10 =	vcvt.s32.f32 v10;
	v11 =	vcvt.s32.f32 v11  }
0x191: {  	v12 =	vor.u32 v1, v6;
	v5 =	vmul.f32 v5, v7;
	v9 =	vmul.f32 v9, v7  }
0x192: {  	v13 =	vor.u32 v2, v6;
	v4 =	vcvt.s32.f32 v4;
	v10 =	vmul.f32 v10, v7  }
0x193: {  	v6 =	vor.u32 v3, v6;
	v11 =	vmul.f32 v11, v7;
	v9 =	vsub.f32 v9, v5  }
0x194: {  	s22 =	sadd.s32 $0xFFFFFFF7, s19;
	v4 =	vmul.f32 v4, v7;
	v10 =	vsub.f32 v10, v5  }
0x195: {  	v7 =	vsub.f32 v11, v5;
	[tilespmem:v8+s31+$0x0] =	vst.idx.msk $0xffff, v9;
	v8 =	vmov s22  }
0x196: {  	v4 =	vsub.f32 v4, v5;
	[tilespmem:v12+s31+$0x0] =	vst.idx.msk $0xffff, v10;
	v5 =	vshll.u32 v8, $0x6  }
0x197: {  	[tilespmem:v13+s31+$0x0] =	vst.idx.msk $0xffff, v7  }
0x198: {  	[tilespmem:v6+s31+$0x0] =	vst.idx.msk $0xffff, v4  }
0x199: {  	v4 =	vld [tilespmem:s18+$0xFFFFFFE0]  }
0x19a: {  	v6 =	vld.idx.msk [tilespmem:v8+s14+$0x0], $0xffff  }
0x19b: {  	v7 =	vld.idx.msk [tilespmem:v8+s13+$0x0], $0xffff;
	_ =	sdelay $0x1  }
0x19c: {  	v8 =	vor.u32 v0, v5  }
0x19d: {  	v9 =	vand.u32 $0xFF, v4;
	v10 =	vshrl.u32 v4, $0x8;
	v11 =	vshrl.u32 v4, $0x10  }
0x19e: {  	v9 =	vcvt.s32.f32 v9;
	v10 =	vand.u32 $0xFF, v10;
	v11 =	vand.u32 $0xFF, v11  }
0x19f: {  	v4 =	vshrl.u32 v4, $0x18;
	v10 =	vcvt.s32.f32 v10;
	v11 =	vcvt.s32.f32 v11  }
0x1a0: {  	v12 =	vor.u32 v1, v5;
	v6 =	vmul.f32 v6, v7;
	v9 =	vmul.f32 v9, v7  }
0x1a1: {  	v13 =	vor.u32 v2, v5;
	v4 =	vcvt.s32.f32 v4;
	v10 =	vmul.f32 v10, v7  }
0x1a2: {  	v5 =	vor.u32 v3, v5;
	v11 =	vmul.f32 v11, v7;
	v9 =	vsub.f32 v9, v6  }
0x1a3: {  	s22 =	sadd.s32 $0xFFFFFFF8, s19;
	v4 =	vmul.f32 v4, v7;
	v10 =	vsub.f32 v10, v6  }
0x1a4: {  	v7 =	vsub.f32 v11, v6;
	[tilespmem:v8+s31+$0x0] =	vst.idx.msk $0xffff, v9;
	v8 =	vmov s22  }
0x1a5: {  	v4 =	vsub.f32 v4, v6;
	[tilespmem:v12+s31+$0x0] =	vst.idx.msk $0xffff, v10;
	v6 =	vshll.u32 v8, $0x6  }
0x1a6: {  	[tilespmem:v13+s31+$0x0] =	vst.idx.msk $0xffff, v7  }
0x1a7: {  	[tilespmem:v5+s31+$0x0] =	vst.idx.msk $0xffff, v4  }
0x1a8: {  	v4 =	vld [tilespmem:s18+$0xFFFFFFF0]  }
0x1a9: {  	v5 =	vld.idx.msk [tilespmem:v8+s14+$0x0], $0xffff  }
0x1aa: {  	v7 =	vld.idx.msk [tilespmem:v8+s13+$0x0], $0xffff;
	_ =	sdelay $0x1  }
0x1ab: {  	v8 =	vor.u32 v0, v6  }
0x1ac: {  	v9 =	vand.u32 $0xFF, v4;
	v10 =	vshrl.u32 v4, $0x8;
	v11 =	vshrl.u32 v4, $0x10  }
0x1ad: {  	v9 =	vcvt.s32.f32 v9;
	v10 =	vand.u32 $0xFF, v10;
	v11 =	vand.u32 $0xFF, v11  }
0x1ae: {  	v4 =	vshrl.u32 v4, $0x18;
	v10 =	vcvt.s32.f32 v10;
	v11 =	vcvt.s32.f32 v11  }
0x1af: {  	v12 =	vor.u32 v1, v6;
	v5 =	vmul.f32 v5, v7;
	v9 =	vmul.f32 v9, v7  }
0x1b0: {  	v13 =	vor.u32 v2, v6;
	v4 =	vcvt.s32.f32 v4;
	v10 =	vmul.f32 v10, v7  }
0x1b1: {  	v6 =	vor.u32 v3, v6;
	v11 =	vmul.f32 v11, v7;
	v9 =	vsub.f32 v9, v5  }
0x1b2: {  	s22 =	sadd.s32 $0xFFFFFFF9, s19;
	v4 =	vmul.f32 v4, v7;
	v10 =	vsub.f32 v10, v5  }
0x1b3: {  	v7 =	vsub.f32 v11, v5;
	[tilespmem:v8+s31+$0x0] =	vst.idx.msk $0xffff, v9;
	v8 =	vmov s22  }
0x1b4: {  	v4 =	vsub.f32 v4, v5;
	[tilespmem:v12+s31+$0x0] =	vst.idx.msk $0xffff, v10;
	v5 =	vshll.u32 v8, $0x6  }
0x1b5: {  	[tilespmem:v13+s31+$0x0] =	vst.idx.msk $0xffff, v7  }
0x1b6: {  	[tilespmem:v6+s31+$0x0] =	vst.idx.msk $0xffff, v4  }
0x1b7: {  	v4 =	vld [tilespmem:s18+$0x0]  }
0x1b8: {  	v6 =	vld.idx.msk [tilespmem:v8+s14+$0x0], $0xffff  }
0x1b9: {  	v7 =	vld.idx.msk [tilespmem:v8+s13+$0x0], $0xffff;
	_ =	sdelay $0x1  }
0x1ba: {  	v8 =	vor.u32 v0, v5  }
0x1bb: {  	v9 =	vand.u32 $0xFF, v4;
	v10 =	vshrl.u32 v4, $0x8;
	v11 =	vshrl.u32 v4, $0x10  }
0x1bc: {  	v9 =	vcvt.s32.f32 v9;
	v10 =	vand.u32 $0xFF, v10;
	v11 =	vand.u32 $0xFF, v11  }
0x1bd: {  	v4 =	vshrl.u32 v4, $0x18;
	v10 =	vcvt.s32.f32 v10;
	v11 =	vcvt.s32.f32 v11  }
0x1be: {  	v12 =	vor.u32 v1, v5;
	v6 =	vmul.f32 v6, v7;
	v9 =	vmul.f32 v9, v7  }
0x1bf: {  	v13 =	vor.u32 v2, v5;
	v4 =	vcvt.s32.f32 v4;
	v10 =	vmul.f32 v10, v7  }
0x1c0: {  	v5 =	vor.u32 v3, v5;
	v11 =	vmul.f32 v11, v7;
	v9 =	vsub.f32 v9, v6  }
0x1c1: {  	s22 =	sadd.s32 $0xFFFFFFFA, s19;
	v4 =	vmul.f32 v4, v7;
	v10 =	vsub.f32 v10, v6  }
0x1c2: {  	v7 =	vsub.f32 v11, v6;
	[tilespmem:v8+s31+$0x0] =	vst.idx.msk $0xffff, v9;
	v8 =	vmov s22  }
0x1c3: {  	v4 =	vsub.f32 v4, v6;
	[tilespmem:v12+s31+$0x0] =	vst.idx.msk $0xffff, v10;
	v6 =	vshll.u32 v8, $0x6  }
0x1c4: {  	[tilespmem:v13+s31+$0x0] =	vst.idx.msk $0xffff, v7  }
0x1c5: {  	[tilespmem:v5+s31+$0x0] =	vst.idx.msk $0xffff, v4  }
0x1c6: {  	v4 =	vld [tilespmem:s18+$0x10]  }
0x1c7: {  	v5 =	vld.idx.msk [tilespmem:v8+s13+$0x0], $0xffff  }
0x1c8: {  	v7 =	vld.idx.msk [tilespmem:v8+s14+$0x0], $0xffff;
	_ =	sdelay $0x1  }
0x1c9: {  	v8 =	vor.u32 v0, v6  }
0x1ca: {  	v9 =	vand.u32 $0xFF, v4;
	v10 =	vshrl.u32 v4, $0x8;
	v11 =	vshrl.u32 v4, $0x10  }
0x1cb: {  	v9 =	vcvt.s32.f32 v9;
	v10 =	vand.u32 $0xFF, v10;
	v11 =	vand.u32 $0xFF, v11  }
0x1cc: {  	v4 =	vshrl.u32 v4, $0x18;
	v10 =	vcvt.s32.f32 v10;
	v11 =	vcvt.s32.f32 v11  }
0x1cd: {  	v12 =	vor.u32 v1, v6;
	v7 =	vmul.f32 v7, v5;
	v9 =	vmul.f32 v9, v5  }
0x1ce: {  	v13 =	vor.u32 v2, v6;
	v4 =	vcvt.s32.f32 v4;
	v10 =	vmul.f32 v10, v5  }
0x1cf: {  	v6 =	vor.u32 v3, v6;
	v11 =	vmul.f32 v11, v5;
	v9 =	vsub.f32 v9, v7  }
0x1d0: {  	s22 =	sadd.s32 $0xFFFFFFFB, s19;
	v4 =	vmul.f32 v4, v5;
	v10 =	vsub.f32 v10, v7  }
0x1d1: {  	v5 =	vsub.f32 v11, v7;
	[tilespmem:v8+s31+$0x0] =	vst.idx.msk $0xffff, v9;
	v8 =	vmov s22  }
0x1d2: {  	v4 =	vsub.f32 v4, v7;
	[tilespmem:v12+s31+$0x0] =	vst.idx.msk $0xffff, v10;
	v7 =	vshll.u32 v8, $0x6  }
0x1d3: {  	[tilespmem:v13+s31+$0x0] =	vst.idx.msk $0xffff, v5  }
0x1d4: {  	[tilespmem:v6+s31+$0x0] =	vst.idx.msk $0xffff, v4  }
0x1d5: {  	v4 =	vld [tilespmem:s18+$0x20]  }
0x1d6: {  	v5 =	vld.idx.msk [tilespmem:v8+s13+$0x0], $0xffff  }
0x1d7: {  	v6 =	vld.idx.msk [tilespmem:v8+s14+$0x0], $0xffff;
	_ =	sdelay $0x1  }
0x1d8: {  	v8 =	vor.u32 v0, v7  }
0x1d9: {  	v9 =	vand.u32 $0xFF, v4;
	v10 =	vshrl.u32 v4, $0x8;
	v11 =	vshrl.u32 v4, $0x10  }
0x1da: {  	v9 =	vcvt.s32.f32 v9;
	v10 =	vand.u32 $0xFF, v10;
	v11 =	vand.u32 $0xFF, v11  }
0x1db: {  	v4 =	vshrl.u32 v4, $0x18;
	v10 =	vcvt.s32.f32 v10;
	v11 =	vcvt.s32.f32 v11  }
0x1dc: {  	v12 =	vor.u32 v1, v7;
	v6 =	vmul.f32 v6, v5;
	v9 =	vmul.f32 v9, v5  }
0x1dd: {  	v13 =	vor.u32 v2, v7;
	v4 =	vcvt.s32.f32 v4;
	v10 =	vmul.f32 v10, v5  }
0x1de: {  	v7 =	vor.u32 v3, v7;
	v11 =	vmul.f32 v11, v5;
	v9 =	vsub.f32 v9, v6  }
0x1df: {  	s22 =	sadd.s32 $0xFFFFFFFC, s19;
	v4 =	vmul.f32 v4, v5;
	v10 =	vsub.f32 v10, v6  }
0x1e0: {  	v5 =	vsub.f32 v11, v6;
	[tilespmem:v8+s31+$0x0] =	vst.idx.msk $0xffff, v9;
	v8 =	vmov s22  }
0x1e1: {  	v4 =	vsub.f32 v4, v6;
	[tilespmem:v12+s31+$0x0] =	vst.idx.msk $0xffff, v10;
	v6 =	vshll.u32 v8, $0x6  }
0x1e2: {  	[tilespmem:v13+s31+$0x0] =	vst.idx.msk $0xffff, v5  }
0x1e3: {  	[tilespmem:v7+s31+$0x0] =	vst.idx.msk $0xffff, v4  }
0x1e4: {  	v4 =	vld [tilespmem:s18+$0x30]  }
0x1e5: {  	v5 =	vld.idx.msk [tilespmem:v8+s13+$0x0], $0xffff  }
0x1e6: {  	v7 =	vld.idx.msk [tilespmem:v8+s14+$0x0], $0xffff;
	_ =	sdelay $0x1  }
0x1e7: {  	v8 =	vor.u32 v0, v6  }
0x1e8: {  	v9 =	vand.u32 $0xFF, v4;
	v10 =	vshrl.u32 v4, $0x8;
	v11 =	vshrl.u32 v4, $0x10  }
0x1e9: {  	v9 =	vcvt.s32.f32 v9;
	v10 =	vand.u32 $0xFF, v10;
	v11 =	vand.u32 $0xFF, v11  }
0x1ea: {  	v4 =	vshrl.u32 v4, $0x18;
	v10 =	vcvt.s32.f32 v10;
	v11 =	vcvt.s32.f32 v11  }
0x1eb: {  	v12 =	vor.u32 v1, v6;
	v7 =	vmul.f32 v7, v5;
	v9 =	vmul.f32 v9, v5  }
0x1ec: {  	v13 =	vor.u32 v2, v6;
	v4 =	vcvt.s32.f32 v4;
	v10 =	vmul.f32 v10, v5  }
0x1ed: {  	v6 =	vor.u32 v3, v6;
	v11 =	vmul.f32 v11, v5;
	v9 =	vsub.f32 v9, v7  }
0x1ee: {  	s22 =	sadd.s32 $0xFFFFFFFD, s19;
	v4 =	vmul.f32 v4, v5;
	v10 =	vsub.f32 v10, v7  }
0x1ef: {  	v5 =	vsub.f32 v11, v7;
	[tilespmem:v8+s31+$0x0] =	vst.idx.msk $0xffff, v9;
	v8 =	vmov s22  }
0x1f0: {  	v4 =	vsub.f32 v4, v7;
	[tilespmem:v12+s31+$0x0] =	vst.idx.msk $0xffff, v10;
	v7 =	vshll.u32 v8, $0x6  }
0x1f1: {  	[tilespmem:v13+s31+$0x0] =	vst.idx.msk $0xffff, v5  }
0x1f2: {  	[tilespmem:v6+s31+$0x0] =	vst.idx.msk $0xffff, v4  }
0x1f3: {  	v4 =	vld [tilespmem:s18+$0x40]  }
0x1f4: {  	v5 =	vld.idx.msk [tilespmem:v8+s13+$0x0], $0xffff  }
0x1f5: {  	v6 =	vld.idx.msk [tilespmem:v8+s14+$0x0], $0xffff;
	_ =	sdelay $0x1  }
0x1f6: {  	v8 =	vor.u32 v0, v7  }
0x1f7: {  	v9 =	vand.u32 $0xFF, v4;
	v10 =	vshrl.u32 v4, $0x8;
	v11 =	vshrl.u32 v4, $0x10  }
0x1f8: {  	v9 =	vcvt.s32.f32 v9;
	v10 =	vand.u32 $0xFF, v10;
	v11 =	vand.u32 $0xFF, v11  }
0x1f9: {  	v4 =	vshrl.u32 v4, $0x18;
	v10 =	vcvt.s32.f32 v10;
	v11 =	vcvt.s32.f32 v11  }
0x1fa: {  	v12 =	vor.u32 v1, v7;
	v6 =	vmul.f32 v6, v5;
	v9 =	vmul.f32 v9, v5  }
0x1fb: {  	v13 =	vor.u32 v2, v7;
	v4 =	vcvt.s32.f32 v4;
	v10 =	vmul.f32 v10, v5  }
0x1fc: {  	v7 =	vor.u32 v3, v7;
	v11 =	vmul.f32 v11, v5;
	v9 =	vsub.f32 v9, v6  }
0x1fd: {  	s22 =	sadd.s32 $0xFFFFFFFE, s19;
	v4 =	vmul.f32 v4, v5;
	v10 =	vsub.f32 v10, v6  }
0x1fe: {  	v5 =	vsub.f32 v11, v6;
	[tilespmem:v8+s31+$0x0] =	vst.idx.msk $0xffff, v9;
	v8 =	vmov s22  }
0x1ff: {  	v4 =	vsub.f32 v4, v6;
	[tilespmem:v12+s31+$0x0] =	vst.idx.msk $0xffff, v10;
	v6 =	vshll.u32 v8, $0x6  }
0x200: {  	[tilespmem:v13+s31+$0x0] =	vst.idx.msk $0xffff, v5  }
0x201: {  	[tilespmem:v7+s31+$0x0] =	vst.idx.msk $0xffff, v4  }
0x202: {  	v4 =	vld [tilespmem:s18+$0x50]  }
0x203: {  	v5 =	vld.idx.msk [tilespmem:v8+s13+$0x0], $0xffff  }
0x204: {  	v7 =	vld.idx.msk [tilespmem:v8+s14+$0x0], $0xffff;
	_ =	sdelay $0x1  }
0x205: {  	v8 =	vor.u32 v0, v6  }
0x206: {  	v9 =	vand.u32 $0xFF, v4;
	v10 =	vshrl.u32 v4, $0x8;
	v11 =	vshrl.u32 v4, $0x10  }
0x207: {  	v9 =	vcvt.s32.f32 v9;
	v10 =	vand.u32 $0xFF, v10;
	v11 =	vand.u32 $0xFF, v11  }
0x208: {  	v4 =	vshrl.u32 v4, $0x18;
	v10 =	vcvt.s32.f32 v10;
	v11 =	vcvt.s32.f32 v11  }
0x209: {  	v12 =	vor.u32 v1, v6;
	v7 =	vmul.f32 v7, v5;
	v9 =	vmul.f32 v9, v5  }
0x20a: {  	v13 =	vor.u32 v2, v6;
	v4 =	vcvt.s32.f32 v4;
	v10 =	vmul.f32 v10, v5  }
0x20b: {  	v6 =	vor.u32 v3, v6;
	v11 =	vmul.f32 v11, v5;
	v9 =	vsub.f32 v9, v7  }
0x20c: {  	s22 =	sadd.s32 $0xFFFFFFFF, s19;
	v4 =	vmul.f32 v4, v5;
	v10 =	vsub.f32 v10, v7  }
0x20d: {  	v5 =	vsub.f32 v11, v7;
	[tilespmem:v8+s31+$0x0] =	vst.idx.msk $0xffff, v9;
	v8 =	vmov s22  }
0x20e: {  	v4 =	vsub.f32 v4, v7;
	[tilespmem:v12+s31+$0x0] =	vst.idx.msk $0xffff, v10;
	v7 =	vshll.u32 v8, $0x6  }
0x20f: {  	[tilespmem:v13+s31+$0x0] =	vst.idx.msk $0xffff, v5  }
0x210: {  	[tilespmem:v6+s31+$0x0] =	vst.idx.msk $0xffff, v4  }
0x211: {  	v4 =	vld [tilespmem:s18+$0x60]  }
0x212: {  	v5 =	vld.idx.msk [tilespmem:v8+s13+$0x0], $0xffff  }
0x213: {  	v6 =	vld.idx.msk [tilespmem:v8+s14+$0x0], $0xffff;
	_ =	sdelay $0x1  }
0x214: {  	v8 =	vor.u32 v0, v7  }
0x215: {  	v9 =	vand.u32 $0xFF, v4;
	v10 =	vshrl.u32 v4, $0x8;
	v11 =	vshrl.u32 v4, $0x10  }
0x216: {  	v9 =	vcvt.s32.f32 v9;
	v10 =	vand.u32 $0xFF, v10;
	v11 =	vand.u32 $0xFF, v11  }
0x217: {  	v4 =	vshrl.u32 v4, $0x18;
	v10 =	vcvt.s32.f32 v10;
	v11 =	vcvt.s32.f32 v11  }
0x218: {  	v12 =	vor.u32 v1, v7;
	v6 =	vmul.f32 v6, v5;
	v9 =	vmul.f32 v9, v5  }
0x219: {  	v13 =	vor.u32 v2, v7;
	v4 =	vcvt.s32.f32 v4;
	v10 =	vmul.f32 v10, v5  }
0x21a: {  	v7 =	vor.u32 v3, v7;
	v11 =	vmul.f32 v11, v5;
	v9 =	vsub.f32 v9, v6  }
0x21b: {  	v4 =	vmul.f32 v4, v5;
	v10 =	vsub.f32 v10, v6  }
0x21c: {  	v5 =	vsub.f32 v11, v6;
	[tilespmem:v8+s31+$0x0] =	vst.idx.msk $0xffff, v9;
	v8 =	vmov s19;
	s19 =	smov.u32 s21  }
0x21d: {  	v4 =	vsub.f32 v4, v6;
	[tilespmem:v12+s31+$0x0] =	vst.idx.msk $0xffff, v10;
	v6 =	vshll.u32 v8, $0x6  }
0x21e: {  	[tilespmem:v13+s31+$0x0] =	vst.idx.msk $0xffff, v5  }
0x21f: {  	[tilespmem:v7+s31+$0x0] =	vst.idx.msk $0xffff, v4  }
0x220: {  	v4 =	vld [tilespmem:s18+$0x70]  }
0x221: {  	v5 =	vld.idx.msk [tilespmem:v8+s13+$0x0], $0xffff  }
0x222: {  	v7 =	vld.idx.msk [tilespmem:v8+s14+$0x0], $0xffff;
	_ =	sdelay $0x1  }
0x223: {  	v8 =	vor.u32 v0, v6  }
0x224: {  	v9 =	vand.u32 $0xFF, v4;
	v10 =	vshrl.u32 v4, $0x8;
	v11 =	vshrl.u32 v4, $0x10  }
0x225: {  	v9 =	vcvt.s32.f32 v9;
	v10 =	vand.u32 $0xFF, v10;
	v11 =	vand.u32 $0xFF, v11  }
0x226: {  	v4 =	vshrl.u32 v4, $0x18;
	v10 =	vcvt.s32.f32 v10;
	v11 =	vcvt.s32.f32 v11  }
0x227: {  	v13 =	vor.u32 v1, v6;
	v12 =	vmul.f32 v7, v5;
	v9 =	vmul.f32 v9, v5  }
.Ltmp0:
0x228: {  	v4 =	vcvt.s32.f32 v4;
	v7 =	vor.u32 v2, v6;
	v10 =	vmul.f32 v10, v5;
	(pc) =	sbr.rel @p0 .LBB2_3-.Ltmp0, $4  }
0x229: {  	v6 =	vor.u32 v3, v6;
	v11 =	vmul.f32 v11, v5;
	v9 =	vsub.f32 v9, v12  }
0x22a: {  	s21 =	sadd.s32 $0xFFFFFFF1, s19;
	v14 =	vmul.f32 v4, v5;
	v10 =	vsub.f32 v10, v12  }
0x22b: {  	v5 =	vmov s21;
	[tilespmem:v8+s31+$0x0] =	vst.idx.msk $0xffff, v9;
	v8 =	vsub.f32 v11, v12  }
0x22c: {  	v4 =	vshll.u32 v5, $0x6;
	v9 =	vsub.f32 v14, v12;
	[tilespmem:v13+s31+$0x0] =	vst.idx.msk $0xffff, v10  }
0x22d: {  	_ =	sdelay $0x3  }
0x22e: {  	[tilespmem:v7+s31+$0x0] =	vst.idx.msk $0xffff, v8  }
0x22f: {  	s18 =	sadd.s32 $0x100, s18;
	[tilespmem:v6+s31+$0x0] =	vst.idx.msk $0xffff, v9  }
0x230: {  	v6 =	vld [tilespmem:s18+$0xFFFFFF80]  }
0x231: {  	v7 =	vld.idx.msk [tilespmem:v5+s13+$0x0], $0xffff  }
0x232: {  	v5 =	vld.idx.msk [tilespmem:v5+s14+$0x0], $0xffff;
	_ =	sdelay $0x1  }
0x233: {  	v26 =	vor.u32 v0, v4  }
0x234: {  	v12 =	vor.u32 v1, v4;
	v27 =	vand.u32 $0xFF, v6;
	v10 =	vshrl.u32 v6, $0x8  }
0x235: {  	v11 =	vshrl.u32 v6, $0x10;
	v9 =	vcvt.s32.f32 v27;
	v10 =	vand.u32 $0xFF, v10  }
0x236: {  	v5 =	vmul.f32 v5, v7;
	v11 =	vand.u32 $0xFF, v11;
	v10 =	vcvt.s32.f32 v10  }
0x237: {  	v6 =	vshrl.u32 v6, $0x18;
	v11 =	vcvt.s32.f32 v11;
	v9 =	vmul.f32 v9, v7  }
0x238: {  	v13 =	vor.u32 v2, v4;
	v6 =	vcvt.s32.f32 v6;
	v10 =	vmul.f32 v10, v7  }
0x239: {  	v4 =	vor.u32 v3, v4;
	v11 =	vmul.f32 v11, v7;
	v9 =	vsub.f32 v9, v5  }
0x23a: {  	s20 =	sadd.s32 $0xFFFFFFF2, s19;
	v6 =	vmul.f32 v6, v7;
	v10 =	vsub.f32 v10, v5  }
0x23b: {  	v29 =	vmov s20;
	v28 =	vsub.f32 v11, v5;
	[tilespmem:v26+s31+$0x0] =	vst.idx.msk $0xffff, v9  }
0x23c: {  	v5 =	vsub.f32 v6, v5;
	[tilespmem:v12+s31+$0x0] =	vst.idx.msk $0xffff, v10  }
0x23d: {  	[tilespmem:v13+s31+$0x0] =	vst.idx.msk $0xffff, v28  }
0x23e: {  	[tilespmem:v4+s31+$0x0] =	vst.idx.msk $0xffff, v5  }
0x23f: {  	v4 =	vld [tilespmem:s18+$0xFFFFFF90]  }
0x240: {  	v5 =	vld.idx.msk [tilespmem:v29+s14+$0x0], $0xffff  }
0x241: {  	v7 =	vld.idx.msk [tilespmem:v29+s13+$0x0], $0xffff  }
0x242: {  	v30 =	vshll.u32 v29, $0x6  }
0x243: {  	v31 =	vor.u32 v0, v30  }
0x244: {  	v35 =	vor.u32 v1, v30;
	v32 =	vand.u32 $0xFF, v4;
	v33 =	vshrl.u32 v4, $0x8  }
0x245: {  	v34 =	vshrl.u32 v4, $0x10;
	v9 =	vcvt.s32.f32 v32;
	v10 =	vand.u32 $0xFF, v33  }
0x246: {  	v5 =	vmul.f32 v5, v7;
	v11 =	vand.u32 $0xFF, v34;
	v10 =	vcvt.s32.f32 v10  }
0x247: {  	v4 =	vshrl.u32 v4, $0x18;
	v11 =	vcvt.s32.f32 v11;
	v9 =	vmul.f32 v9, v7  }
0x248: {  	v36 =	vor.u32 v2, v30;
	v4 =	vcvt.s32.f32 v4;
	v10 =	vmul.f32 v10, v7  }
0x249: {  	v6 =	vor.u32 v3, v30;
	v11 =	vmul.f32 v11, v7;
	v9 =	vsub.f32 v9, v5  }
0x24a: {  	s22 =	sadd.s32 $0xFFFFFFF3, s19;
	v4 =	vmul.f32 v4, v7;
	v10 =	vsub.f32 v10, v5  }
0x24b: {  	v38 =	vmov s22;
	v37 =	vsub.f32 v11, v5;
	[tilespmem:v31+s31+$0x0] =	vst.idx.msk $0xffff, v9  }
0x24c: {  	v4 =	vsub.f32 v4, v5;
	[tilespmem:v35+s31+$0x0] =	vst.idx.msk $0xffff, v10  }
0x24d: {  	[tilespmem:v36+s31+$0x0] =	vst.idx.msk $0xffff, v37  }
0x24e: {  	[tilespmem:v6+s31+$0x0] =	vst.idx.msk $0xffff, v4  }
0x24f: {  	v4 =	vld [tilespmem:s18+$0xFFFFFFA0]  }
0x250: {  	v5 =	vld.idx.msk [tilespmem:v38+s14+$0x0], $0xffff  }
0x251: {  	v7 =	vld.idx.msk [tilespmem:v38+s13+$0x0], $0xffff  }
0x252: {  	v39 =	vshll.u32 v38, $0x6  }
0x253: {  	v40 =	vor.u32 v0, v39  }
0x254: {  	v44 =	vor.u32 v1, v39;
	v41 =	vand.u32 $0xFF, v4;
	v42 =	vshrl.u32 v4, $0x8  }
0x255: {  	v43 =	vshrl.u32 v4, $0x10;
	v9 =	vcvt.s32.f32 v41;
	v10 =	vand.u32 $0xFF, v42  }
0x256: {  	v5 =	vmul.f32 v5, v7;
	v11 =	vand.u32 $0xFF, v43;
	v10 =	vcvt.s32.f32 v10  }
0x257: {  	v4 =	vshrl.u32 v4, $0x18;
	v11 =	vcvt.s32.f32 v11;
	v9 =	vmul.f32 v9, v7  }
0x258: {  	v45 =	vor.u32 v2, v39;
	v4 =	vcvt.s32.f32 v4;
	v10 =	vmul.f32 v10, v7  }
0x259: {  	v6 =	vor.u32 v3, v39;
	v11 =	vmul.f32 v11, v7;
	v9 =	vsub.f32 v9, v5  }
0x25a: {  	s21 =	sadd.s32 $0xFFFFFFF4, s19;
	v4 =	vmul.f32 v4, v7;
	v10 =	vsub.f32 v10, v5  }
0x25b: {  	v47 =	vmov s21;
	v46 =	vsub.f32 v11, v5;
	[tilespmem:v40+s31+$0x0] =	vst.idx.msk $0xffff, v9  }
0x25c: {  	v4 =	vsub.f32 v4, v5;
	[tilespmem:v44+s31+$0x0] =	vst.idx.msk $0xffff, v10  }
0x25d: {  	[tilespmem:v45+s31+$0x0] =	vst.idx.msk $0xffff, v46  }
0x25e: {  	[tilespmem:v6+s31+$0x0] =	vst.idx.msk $0xffff, v4  }
0x25f: {  	v4 =	vld [tilespmem:s18+$0xFFFFFFB0]  }
0x260: {  	v5 =	vld.idx.msk [tilespmem:v47+s14+$0x0], $0xffff  }
0x261: {  	v7 =	vld.idx.msk [tilespmem:v47+s13+$0x0], $0xffff  }
0x262: {  	v48 =	vshll.u32 v47, $0x6  }
0x263: {  	v49 =	vor.u32 v0, v48  }
0x264: {  	v53 =	vor.u32 v1, v48;
	v50 =	vand.u32 $0xFF, v4;
	v51 =	vshrl.u32 v4, $0x8  }
0x265: {  	v52 =	vshrl.u32 v4, $0x10;
	v9 =	vcvt.s32.f32 v50;
	v10 =	vand.u32 $0xFF, v51  }
0x266: {  	v5 =	vmul.f32 v5, v7;
	v11 =	vand.u32 $0xFF, v52;
	v10 =	vcvt.s32.f32 v10  }
0x267: {  	v4 =	vshrl.u32 v4, $0x18;
	v11 =	vcvt.s32.f32 v11;
	v9 =	vmul.f32 v9, v7  }
0x268: {  	v54 =	vor.u32 v2, v48;
	v4 =	vcvt.s32.f32 v4;
	v10 =	vmul.f32 v10, v7  }
0x269: {  	v6 =	vor.u32 v3, v48;
	v11 =	vmul.f32 v11, v7;
	v9 =	vsub.f32 v9, v5  }
0x26a: {  	s22 =	sadd.s32 $0xFFFFFFF5, s19;
	v4 =	vmul.f32 v4, v7;
	v10 =	vsub.f32 v10, v5  }
0x26b: {  	v56 =	vmov s22;
	v55 =	vsub.f32 v11, v5;
	[tilespmem:v49+s31+$0x0] =	vst.idx.msk $0xffff, v9  }
0x26c: {  	v4 =	vsub.f32 v4, v5;
	[tilespmem:v53+s31+$0x0] =	vst.idx.msk $0xffff, v10  }
0x26d: {  	[tilespmem:v54+s31+$0x0] =	vst.idx.msk $0xffff, v55  }
0x26e: {  	[tilespmem:v6+s31+$0x0] =	vst.idx.msk $0xffff, v4  }
0x26f: {  	v4 =	vld [tilespmem:s18+$0xFFFFFFC0]  }
0x270: {  	v5 =	vld.idx.msk [tilespmem:v56+s14+$0x0], $0xffff  }
0x271: {  	v7 =	vld.idx.msk [tilespmem:v56+s13+$0x0], $0xffff  }
0x272: {  	v57 =	vshll.u32 v56, $0x6  }
0x273: {  	v58 =	vor.u32 v0, v57  }
0x274: {  	v62 =	vor.u32 v1, v57;
	v59 =	vand.u32 $0xFF, v4;
	v60 =	vshrl.u32 v4, $0x8  }
0x275: {  	v61 =	vshrl.u32 v4, $0x10;
	v9 =	vcvt.s32.f32 v59;
	v10 =	vand.u32 $0xFF, v60  }
0x276: {  	v5 =	vmul.f32 v5, v7;
	v11 =	vand.u32 $0xFF, v61;
	v10 =	vcvt.s32.f32 v10  }
0x277: {  	v4 =	vshrl.u32 v4, $0x18;
	v11 =	vcvt.s32.f32 v11;
	v9 =	vmul.f32 v9, v7  }
0x278: {  	v63 =	vor.u32 v2, v57;
	v4 =	vcvt.s32.f32 v4;
	v10 =	vmul.f32 v10, v7  }
0x279: {  	v6 =	vor.u32 v3, v57;
	v11 =	vmul.f32 v11, v7;
	v9 =	vsub.f32 v9, v5  }
0x27a: {  	s21 =	sadd.s32 $0xFFFFFFF6, s19;
	v4 =	vmul.f32 v4, v7;
	v10 =	vsub.f32 v10, v5  }
0x27b: {  	v16 =	vmov s21;
	v15 =	vsub.f32 v11, v5;
	[tilespmem:v58+s31+$0x0] =	vst.idx.msk $0xffff, v9  }
0x27c: {  	v4 =	vsub.f32 v4, v5;
	[tilespmem:v62+s31+$0x0] =	vst.idx.msk $0xffff, v10  }
0x27d: {  	[tilespmem:v63+s31+$0x0] =	vst.idx.msk $0xffff, v15  }
0x27e: {  	[tilespmem:v6+s31+$0x0] =	vst.idx.msk $0xffff, v4  }
0x27f: {  	v4 =	vld [tilespmem:s18+$0xFFFFFFD0]  }
0x280: {  	v5 =	vld.idx.msk [tilespmem:v16+s14+$0x0], $0xffff  }
0x281: {  	v7 =	vld.idx.msk [tilespmem:v16+s13+$0x0], $0xffff  }
0x282: {  	v17 =	vshll.u32 v16, $0x6  }
0x283: {  	v18 =	vor.u32 v0, v17  }
0x284: {  	v22 =	vor.u32 v1, v17;
	v19 =	vand.u32 $0xFF, v4;
	v20 =	vshrl.u32 v4, $0x8  }
0x285: {  	v21 =	vshrl.u32 v4, $0x10;
	v9 =	vcvt.s32.f32 v19;
	v10 =	vand.u32 $0xFF, v20  }
0x286: {  	v5 =	vmul.f32 v5, v7;
	v11 =	vand.u32 $0xFF, v21;
	v10 =	vcvt.s32.f32 v10  }
0x287: {  	v4 =	vshrl.u32 v4, $0x18;
	v11 =	vcvt.s32.f32 v11;
	v9 =	vmul.f32 v9, v7  }
0x288: {  	v23 =	vor.u32 v2, v17;
	v4 =	vcvt.s32.f32 v4;
	v10 =	vmul.f32 v10, v7  }
0x289: {  	v6 =	vor.u32 v3, v17;
	v11 =	vmul.f32 v11, v7;
	v9 =	vsub.f32 v9, v5  }
0x28a: {  	s22 =	sadd.s32 $0xFFFFFFF7, s19;
	v4 =	vmul.f32 v4, v7;
	v10 =	vsub.f32 v10, v5  }
0x28b: {  	v25 =	vmov s22;
	v24 =	vsub.f32 v11, v5;
	[tilespmem:v18+s31+$0x0] =	vst.idx.msk $0xffff, v9  }
0x28c: {  	v4 =	vsub.f32 v4, v5;
	[tilespmem:v22+s31+$0x0] =	vst.idx.msk $0xffff, v10  }
0x28d: {  	[tilespmem:v23+s31+$0x0] =	vst.idx.msk $0xffff, v24  }
0x28e: {  	[tilespmem:v6+s31+$0x0] =	vst.idx.msk $0xffff, v4  }
0x28f: {  	v4 =	vld [tilespmem:s18+$0xFFFFFFE0]  }
0x290: {  	v5 =	vld.idx.msk [tilespmem:v25+s14+$0x0], $0xffff  }
0x291: {  	v7 =	vld.idx.msk [tilespmem:v25+s13+$0x0], $0xffff  }
0x292: {  	v26 =	vshll.u32 v25, $0x6  }
0x293: {  	v27 =	vor.u32 v0, v26  }
0x294: {  	v31 =	vor.u32 v1, v26;
	v28 =	vand.u32 $0xFF, v4;
	v29 =	vshrl.u32 v4, $0x8  }
0x295: {  	v30 =	vshrl.u32 v4, $0x10;
	v9 =	vcvt.s32.f32 v28;
	v10 =	vand.u32 $0xFF, v29  }
0x296: {  	v5 =	vmul.f32 v5, v7;
	v11 =	vand.u32 $0xFF, v30;
	v10 =	vcvt.s32.f32 v10  }
0x297: {  	v4 =	vshrl.u32 v4, $0x18;
	v11 =	vcvt.s32.f32 v11;
	v9 =	vmul.f32 v9, v7  }
0x298: {  	v32 =	vor.u32 v2, v26;
	v4 =	vcvt.s32.f32 v4;
	v10 =	vmul.f32 v10, v7  }
0x299: {  	v6 =	vor.u32 v3, v26;
	v11 =	vmul.f32 v11, v7;
	v9 =	vsub.f32 v9, v5  }
0x29a: {  	s21 =	sadd.s32 $0xFFFFFFF8, s19;
	v4 =	vmul.f32 v4, v7;
	v10 =	vsub.f32 v10, v5  }
0x29b: {  	v34 =	vmov s21;
	v33 =	vsub.f32 v11, v5;
	[tilespmem:v27+s31+$0x0] =	vst.idx.msk $0xffff, v9  }
0x29c: {  	v4 =	vsub.f32 v4, v5;
	[tilespmem:v31+s31+$0x0] =	vst.idx.msk $0xffff, v10  }
0x29d: {  	[tilespmem:v32+s31+$0x0] =	vst.idx.msk $0xffff, v33  }
0x29e: {  	[tilespmem:v6+s31+$0x0] =	vst.idx.msk $0xffff, v4  }
0x29f: {  	v4 =	vld [tilespmem:s18+$0xFFFFFFF0]  }
0x2a0: {  	v5 =	vld.idx.msk [tilespmem:v34+s14+$0x0], $0xffff  }
0x2a1: {  	v7 =	vld.idx.msk [tilespmem:v34+s13+$0x0], $0xffff  }
0x2a2: {  	v35 =	vshll.u32 v34, $0x6  }
0x2a3: {  	v36 =	vor.u32 v0, v35  }
0x2a4: {  	v40 =	vor.u32 v1, v35;
	v37 =	vand.u32 $0xFF, v4;
	v38 =	vshrl.u32 v4, $0x8  }
0x2a5: {  	v39 =	vshrl.u32 v4, $0x10;
	v9 =	vcvt.s32.f32 v37;
	v10 =	vand.u32 $0xFF, v38  }
0x2a6: {  	v5 =	vmul.f32 v5, v7;
	v11 =	vand.u32 $0xFF, v39;
	v10 =	vcvt.s32.f32 v10  }
0x2a7: {  	v4 =	vshrl.u32 v4, $0x18;
	v11 =	vcvt.s32.f32 v11;
	v9 =	vmul.f32 v9, v7  }
0x2a8: {  	v41 =	vor.u32 v2, v35;
	v4 =	vcvt.s32.f32 v4;
	v10 =	vmul.f32 v10, v7  }
0x2a9: {  	v6 =	vor.u32 v3, v35;
	v11 =	vmul.f32 v11, v7;
	v9 =	vsub.f32 v9, v5  }
0x2aa: {  	s22 =	sadd.s32 $0xFFFFFFF9, s19;
	v4 =	vmul.f32 v4, v7;
	v10 =	vsub.f32 v10, v5  }
0x2ab: {  	v43 =	vmov s22;
	v42 =	vsub.f32 v11, v5;
	[tilespmem:v36+s31+$0x0] =	vst.idx.msk $0xffff, v9  }
0x2ac: {  	v4 =	vsub.f32 v4, v5;
	[tilespmem:v40+s31+$0x0] =	vst.idx.msk $0xffff, v10  }
0x2ad: {  	[tilespmem:v41+s31+$0x0] =	vst.idx.msk $0xffff, v42  }
0x2ae: {  	[tilespmem:v6+s31+$0x0] =	vst.idx.msk $0xffff, v4  }
0x2af: {  	v4 =	vld [tilespmem:s18+$0x0]  }
0x2b0: {  	v5 =	vld.idx.msk [tilespmem:v43+s14+$0x0], $0xffff  }
0x2b1: {  	v7 =	vld.idx.msk [tilespmem:v43+s13+$0x0], $0xffff  }
0x2b2: {  	v44 =	vshll.u32 v43, $0x6  }
0x2b3: {  	v45 =	vor.u32 v0, v44  }
0x2b4: {  	v49 =	vor.u32 v1, v44;
	v46 =	vand.u32 $0xFF, v4;
	v47 =	vshrl.u32 v4, $0x8  }
0x2b5: {  	v48 =	vshrl.u32 v4, $0x10;
	v9 =	vcvt.s32.f32 v46;
	v10 =	vand.u32 $0xFF, v47  }
0x2b6: {  	v5 =	vmul.f32 v5, v7;
	v11 =	vand.u32 $0xFF, v48;
	v10 =	vcvt.s32.f32 v10  }
0x2b7: {  	v4 =	vshrl.u32 v4, $0x18;
	v11 =	vcvt.s32.f32 v11;
	v9 =	vmul.f32 v9, v7  }
0x2b8: {  	v50 =	vor.u32 v2, v44;
	v4 =	vcvt.s32.f32 v4;
	v10 =	vmul.f32 v10, v7  }
0x2b9: {  	v6 =	vor.u32 v3, v44;
	v11 =	vmul.f32 v11, v7;
	v9 =	vsub.f32 v9, v5  }
0x2ba: {  	s21 =	sadd.s32 $0xFFFFFFFA, s19;
	v4 =	vmul.f32 v4, v7;
	v10 =	vsub.f32 v10, v5  }
0x2bb: {  	v52 =	vmov s21;
	v51 =	vsub.f32 v11, v5;
	[tilespmem:v45+s31+$0x0] =	vst.idx.msk $0xffff, v9  }
0x2bc: {  	v4 =	vsub.f32 v4, v5;
	[tilespmem:v49+s31+$0x0] =	vst.idx.msk $0xffff, v10  }
0x2bd: {  	[tilespmem:v50+s31+$0x0] =	vst.idx.msk $0xffff, v51  }
0x2be: {  	[tilespmem:v6+s31+$0x0] =	vst.idx.msk $0xffff, v4  }
0x2bf: {  	v4 =	vld [tilespmem:s18+$0x10]  }
0x2c0: {  	v5 =	vld.idx.msk [tilespmem:v52+s13+$0x0], $0xffff  }
0x2c1: {  	v7 =	vld.idx.msk [tilespmem:v52+s14+$0x0], $0xffff  }
0x2c2: {  	v53 =	vshll.u32 v52, $0x6  }
0x2c3: {  	v54 =	vor.u32 v0, v53  }
0x2c4: {  	v58 =	vor.u32 v1, v53;
	v55 =	vand.u32 $0xFF, v4;
	v56 =	vshrl.u32 v4, $0x8  }
0x2c5: {  	v57 =	vshrl.u32 v4, $0x10;
	v9 =	vcvt.s32.f32 v55;
	v10 =	vand.u32 $0xFF, v56  }
0x2c6: {  	v7 =	vmul.f32 v7, v5;
	v11 =	vand.u32 $0xFF, v57;
	v10 =	vcvt.s32.f32 v10  }
0x2c7: {  	v4 =	vshrl.u32 v4, $0x18;
	v11 =	vcvt.s32.f32 v11;
	v9 =	vmul.f32 v9, v5  }
0x2c8: {  	v59 =	vor.u32 v2, v53;
	v4 =	vcvt.s32.f32 v4;
	v10 =	vmul.f32 v10, v5  }
0x2c9: {  	v6 =	vor.u32 v3, v53;
	v11 =	vmul.f32 v11, v5;
	v9 =	vsub.f32 v9, v7  }
0x2ca: {  	s22 =	sadd.s32 $0xFFFFFFFB, s19;
	v4 =	vmul.f32 v4, v5;
	v10 =	vsub.f32 v10, v7  }
0x2cb: {  	v60 =	vmov s22;
	v5 =	vsub.f32 v11, v7;
	[tilespmem:v54+s31+$0x0] =	vst.idx.msk $0xffff, v9  }
0x2cc: {  	v4 =	vsub.f32 v4, v7;
	[tilespmem:v58+s31+$0x0] =	vst.idx.msk $0xffff, v10  }
0x2cd: {  	[tilespmem:v59+s31+$0x0] =	vst.idx.msk $0xffff, v5  }
0x2ce: {  	[tilespmem:v6+s31+$0x0] =	vst.idx.msk $0xffff, v4  }
0x2cf: {  	v4 =	vld [tilespmem:s18+$0x20]  }
0x2d0: {  	v5 =	vld.idx.msk [tilespmem:v60+s13+$0x0], $0xffff  }
0x2d1: {  	v62 =	vld.idx.msk [tilespmem:v60+s14+$0x0], $0xffff  }
0x2d2: {  	v61 =	vshll.u32 v60, $0x6  }
0x2d3: {  	v63 =	vor.u32 v0, v61  }
0x2d4: {  	v17 =	vor.u32 v1, v61;
	v14 =	vand.u32 $0xFF, v4;
	v15 =	vshrl.u32 v4, $0x8  }
0x2d5: {  	v16 =	vshrl.u32 v4, $0x10;
	v9 =	vcvt.s32.f32 v14;
	v10 =	vand.u32 $0xFF, v15  }
0x2d6: {  	v7 =	vmul.f32 v62, v5;
	v11 =	vand.u32 $0xFF, v16;
	v10 =	vcvt.s32.f32 v10  }
0x2d7: {  	v4 =	vshrl.u32 v4, $0x18;
	v11 =	vcvt.s32.f32 v11;
	v9 =	vmul.f32 v9, v5  }
0x2d8: {  	v18 =	vor.u32 v2, v61;
	v4 =	vcvt.s32.f32 v4;
	v10 =	vmul.f32 v10, v5  }
0x2d9: {  	v6 =	vor.u32 v3, v61;
	v11 =	vmul.f32 v11, v5;
	v9 =	vsub.f32 v9, v7  }
0x2da: {  	s21 =	sadd.s32 $0xFFFFFFFC, s19;
	v4 =	vmul.f32 v4, v5;
	v10 =	vsub.f32 v10, v7  }
0x2db: {  	v19 =	vmov s21;
	v5 =	vsub.f32 v11, v7;
	[tilespmem:v63+s31+$0x0] =	vst.idx.msk $0xffff, v9  }
0x2dc: {  	v4 =	vsub.f32 v4, v7;
	[tilespmem:v17+s31+$0x0] =	vst.idx.msk $0xffff, v10  }
0x2dd: {  	[tilespmem:v18+s31+$0x0] =	vst.idx.msk $0xffff, v5  }
0x2de: {  	[tilespmem:v6+s31+$0x0] =	vst.idx.msk $0xffff, v4  }
0x2df: {  	v4 =	vld [tilespmem:s18+$0x30]  }
0x2e0: {  	v5 =	vld.idx.msk [tilespmem:v19+s13+$0x0], $0xffff  }
0x2e1: {  	v21 =	vld.idx.msk [tilespmem:v19+s14+$0x0], $0xffff  }
0x2e2: {  	v20 =	vshll.u32 v19, $0x6  }
0x2e3: {  	v22 =	vor.u32 v0, v20  }
0x2e4: {  	v26 =	vor.u32 v1, v20;
	v23 =	vand.u32 $0xFF, v4;
	v24 =	vshrl.u32 v4, $0x8  }
0x2e5: {  	v25 =	vshrl.u32 v4, $0x10;
	v9 =	vcvt.s32.f32 v23;
	v10 =	vand.u32 $0xFF, v24  }
0x2e6: {  	v7 =	vmul.f32 v21, v5;
	v11 =	vand.u32 $0xFF, v25;
	v10 =	vcvt.s32.f32 v10  }
0x2e7: {  	v4 =	vshrl.u32 v4, $0x18;
	v11 =	vcvt.s32.f32 v11;
	v9 =	vmul.f32 v9, v5  }
0x2e8: {  	v27 =	vor.u32 v2, v20;
	v4 =	vcvt.s32.f32 v4;
	v10 =	vmul.f32 v10, v5  }
0x2e9: {  	v6 =	vor.u32 v3, v20;
	v11 =	vmul.f32 v11, v5;
	v9 =	vsub.f32 v9, v7  }
0x2ea: {  	s22 =	sadd.s32 $0xFFFFFFFD, s19;
	v4 =	vmul.f32 v4, v5;
	v10 =	vsub.f32 v10, v7  }
0x2eb: {  	v28 =	vmov s22;
	v5 =	vsub.f32 v11, v7;
	[tilespmem:v22+s31+$0x0] =	vst.idx.msk $0xffff, v9  }
0x2ec: {  	v4 =	vsub.f32 v4, v7;
	[tilespmem:v26+s31+$0x0] =	vst.idx.msk $0xffff, v10  }
0x2ed: {  	[tilespmem:v27+s31+$0x0] =	vst.idx.msk $0xffff, v5  }
0x2ee: {  	[tilespmem:v6+s31+$0x0] =	vst.idx.msk $0xffff, v4  }
0x2ef: {  	v4 =	vld [tilespmem:s18+$0x40]  }
0x2f0: {  	v5 =	vld.idx.msk [tilespmem:v28+s13+$0x0], $0xffff  }
0x2f1: {  	v30 =	vld.idx.msk [tilespmem:v28+s14+$0x0], $0xffff  }
0x2f2: {  	v29 =	vshll.u32 v28, $0x6  }
0x2f3: {  	v31 =	vor.u32 v0, v29  }
0x2f4: {  	v35 =	vor.u32 v1, v29;
	v32 =	vand.u32 $0xFF, v4;
	v33 =	vshrl.u32 v4, $0x8  }
0x2f5: {  	v34 =	vshrl.u32 v4, $0x10;
	v9 =	vcvt.s32.f32 v32;
	v10 =	vand.u32 $0xFF, v33  }
0x2f6: {  	v7 =	vmul.f32 v30, v5;
	v11 =	vand.u32 $0xFF, v34;
	v10 =	vcvt.s32.f32 v10  }
0x2f7: {  	v4 =	vshrl.u32 v4, $0x18;
	v11 =	vcvt.s32.f32 v11;
	v9 =	vmul.f32 v9, v5  }
0x2f8: {  	v36 =	vor.u32 v2, v29;
	v4 =	vcvt.s32.f32 v4;
	v10 =	vmul.f32 v10, v5  }
0x2f9: {  	v6 =	vor.u32 v3, v29;
	v11 =	vmul.f32 v11, v5;
	v9 =	vsub.f32 v9, v7  }
0x2fa: {  	s21 =	sadd.s32 $0xFFFFFFFE, s19;
	v4 =	vmul.f32 v4, v5;
	v10 =	vsub.f32 v10, v7  }
0x2fb: {  	v37 =	vmov s21;
	v5 =	vsub.f32 v11, v7;
	[tilespmem:v31+s31+$0x0] =	vst.idx.msk $0xffff, v9  }
0x2fc: {  	v4 =	vsub.f32 v4, v7;
	[tilespmem:v35+s31+$0x0] =	vst.idx.msk $0xffff, v10  }
0x2fd: {  	[tilespmem:v36+s31+$0x0] =	vst.idx.msk $0xffff, v5  }
0x2fe: {  	[tilespmem:v6+s31+$0x0] =	vst.idx.msk $0xffff, v4  }
0x2ff: {  	v4 =	vld [tilespmem:s18+$0x50]  }
0x300: {  	v5 =	vld.idx.msk [tilespmem:v37+s13+$0x0], $0xffff  }
0x301: {  	v39 =	vld.idx.msk [tilespmem:v37+s14+$0x0], $0xffff  }
0x302: {  	v38 =	vshll.u32 v37, $0x6  }
0x303: {  	v40 =	vor.u32 v0, v38  }
0x304: {  	v44 =	vor.u32 v1, v38;
	v41 =	vand.u32 $0xFF, v4;
	v42 =	vshrl.u32 v4, $0x8  }
0x305: {  	v43 =	vshrl.u32 v4, $0x10;
	v9 =	vcvt.s32.f32 v41;
	v10 =	vand.u32 $0xFF, v42  }
0x306: {  	v7 =	vmul.f32 v39, v5;
	v11 =	vand.u32 $0xFF, v43;
	v10 =	vcvt.s32.f32 v10  }
0x307: {  	v4 =	vshrl.u32 v4, $0x18;
	v11 =	vcvt.s32.f32 v11;
	v9 =	vmul.f32 v9, v5  }
0x308: {  	v45 =	vor.u32 v2, v38;
	v4 =	vcvt.s32.f32 v4;
	v10 =	vmul.f32 v10, v5  }
0x309: {  	v6 =	vor.u32 v3, v38;
	v11 =	vmul.f32 v11, v5;
	v9 =	vsub.f32 v9, v7  }
0x30a: {  	s22 =	sadd.s32 $0xFFFFFFFF, s19;
	v4 =	vmul.f32 v4, v5;
	v10 =	vsub.f32 v10, v7  }
0x30b: {  	v46 =	vmov s22;
	v5 =	vsub.f32 v11, v7;
	[tilespmem:v40+s31+$0x0] =	vst.idx.msk $0xffff, v9  }
0x30c: {  	v4 =	vsub.f32 v4, v7;
	[tilespmem:v44+s31+$0x0] =	vst.idx.msk $0xffff, v10  }
0x30d: {  	[tilespmem:v45+s31+$0x0] =	vst.idx.msk $0xffff, v5  }
0x30e: {  	[tilespmem:v6+s31+$0x0] =	vst.idx.msk $0xffff, v4  }
0x30f: {  	v4 =	vld [tilespmem:s18+$0x60]  }
0x310: {  	v5 =	vld.idx.msk [tilespmem:v46+s13+$0x0], $0xffff  }
0x311: {  	v48 =	vld.idx.msk [tilespmem:v46+s14+$0x0], $0xffff  }
0x312: {  	v47 =	vshll.u32 v46, $0x6  }
0x313: {  	v49 =	vor.u32 v0, v47  }
0x314: {  	v53 =	vor.u32 v1, v47;
	v50 =	vand.u32 $0xFF, v4;
	v51 =	vshrl.u32 v4, $0x8  }
0x315: {  	v52 =	vshrl.u32 v4, $0x10;
	v9 =	vcvt.s32.f32 v50;
	v10 =	vand.u32 $0xFF, v51  }
0x316: {  	v7 =	vmul.f32 v48, v5;
	v11 =	vand.u32 $0xFF, v52;
	v10 =	vcvt.s32.f32 v10  }
0x317: {  	v4 =	vshrl.u32 v4, $0x18;
	v11 =	vcvt.s32.f32 v11;
	v9 =	vmul.f32 v9, v5  }
0x318: {  	v54 =	vor.u32 v2, v47;
	v4 =	vcvt.s32.f32 v4;
	v10 =	vmul.f32 v10, v5  }
0x319: {  	v6 =	vor.u32 v3, v47;
	v11 =	vmul.f32 v11, v5;
	v9 =	vsub.f32 v9, v7  }
0x31a: {  	v4 =	vmul.f32 v4, v5;
	v10 =	vsub.f32 v10, v7  }
0x31b: {  	v55 =	vmov s19;
	v5 =	vsub.f32 v11, v7;
	[tilespmem:v49+s31+$0x0] =	vst.idx.msk $0xffff, v9  }
0x31c: {  	v4 =	vsub.f32 v4, v7;
	[tilespmem:v53+s31+$0x0] =	vst.idx.msk $0xffff, v10  }
0x31d: {  	[tilespmem:v54+s31+$0x0] =	vst.idx.msk $0xffff, v5  }
0x31e: {  	[tilespmem:v6+s31+$0x0] =	vst.idx.msk $0xffff, v4  }
0x31f: {  	v4 =	vld [tilespmem:s18+$0x70]  }
0x320: {  	v5 =	vld.idx.msk [tilespmem:v55+s13+$0x0], $0xffff  }
0x321: {  	v57 =	vld.idx.msk [tilespmem:v55+s14+$0x0], $0xffff  }
0x322: {  	v56 =	vshll.u32 v55, $0x6  }
0x323: {  	v58 =	vor.u32 v0, v56  }
0x324: {  	v62 =	vor.u32 v1, v56;
	v59 =	vand.u32 $0xFF, v4;
	v60 =	vshrl.u32 v4, $0x8  }
0x325: {  	v61 =	vshrl.u32 v4, $0x10;
	v9 =	vcvt.s32.f32 v59;
	v10 =	vand.u32 $0xFF, v60  }
0x326: {  	v7 =	vmul.f32 v57, v5;
	v11 =	vand.u32 $0xFF, v61;
	v10 =	vcvt.s32.f32 v10  }
0x327: {  	v4 =	vshrl.u32 v4, $0x18;
	v11 =	vcvt.s32.f32 v11;
	v9 =	vmul.f32 v9, v5  }
0x328: {  	s21 =	sshll.u32 s17, $0x3;
	v63 =	vor.u32 v2, v56;
	v4 =	vcvt.s32.f32 v4;
	v10 =	vmul.f32 v10, v5  }
0x329: {  	v6 =	vor.u32 v3, v56;
	s18 =	sadd.s32 s8, s21;
	v11 =	vmul.f32 v11, v5;
	v9 =	vsub.f32 v9, v7  }
0x32a: {  	s22 =	smul.u32 $0x190, s18;
	v4 =	vmul.f32 v4, v5;
	v10 =	vsub.f32 v10, v7  }
0x32b: {  	s18 =	smul.u32 $0xC80, s18;
	v5 =	vsub.f32 v11, v7;
	[tilespmem:v58+s31+$0x0] =	vst.idx.msk $0xffff, v9  }
0x32c: {  	v4 =	vsub.f32 v4, v7;
	[tilespmem:v62+s31+$0x0] =	vst.idx.msk $0xffff, v10  }
0x32d: {  	s18 =	sshrl.u32 s18, $0x3;
	[tilespmem:v63+s31+$0x0] =	vst.idx.msk $0xffff, v5  }
0x32e: {  	s19 =	sadd.s32 s4, s22;
	s18 =	sadd.s32 s4, s18;
	[tilespmem:v6+s31+$0x0] =	vst.idx.msk $0xffff, v4  }
0x32f: {  	[hbm4b:s19+s5] =	stream.linear.scatter [tilespmem:s31], [sflag:$0x4], $0xC80, $0x38;
	[tilespmem:$0x9920] =	vst v63  }
0x330: {  	s20 =	sadd.s32 $0x190, s18  }
0x331: {  	[hbm4b:s20+s5] =	stream.linear.scatter [tilespmem:s2], [sflag:$0x4], $0xC80, $0x38;
	[tilespmem:$0x9920] =	vst v63  }
0x332: {  	s21 =	sadd.s32 $0x320, s18  }
0x333: {  	[hbm4b:s21+s5] =	stream.linear.scatter [tilespmem:s0], [sflag:$0x4], $0xC80, $0x38;
	[tilespmem:$0x9920] =	vst v63  }
0x334: {  	s22 =	sadd.s32 $0x4B0, s18  }
0x335: {  	[hbm4b:s22+s5] =	stream.linear.scatter [tilespmem:s7], [sflag:$0x4], $0xC80, $0x38;
	[tilespmem:$0x9920] =	vst v63  }
0x336: {  	s20 =	sadd.s32 $0x640, s18  }
0x337: {  	[hbm4b:s20+s5] =	stream.linear.scatter [tilespmem:s9], [sflag:$0x4], $0xC80, $0x38;
	[tilespmem:$0x9920] =	vst v63  }
0x338: {  	s21 =	sadd.s32 $0x7D0, s18  }
0x339: {  	[hbm4b:s21+s5] =	stream.linear.scatter [tilespmem:s10], [sflag:$0x4], $0xC80, $0x38;
	[tilespmem:$0x9920] =	vst v63  }
0x33a: {  	s22 =	sadd.s32 $0x960, s18  }
0x33b: {  	[hbm4b:s22+s5] =	stream.linear.scatter [tilespmem:s12], [sflag:$0x4], $0xC80, $0x38;
	[tilespmem:$0x9920] =	vst v63  }
0x33c: {  	s18 =	sadd.s32 $0xAF0, s18  }
0x33d: {  	[hbm4b:s18+s5] =	stream.linear.scatter [tilespmem:s15], [sflag:$0x4], $0xC80, $0x38;
	[tilespmem:$0x9920] =	vst v63  }
0x33e: {  	_ =	swait.ge [sflag:s16], $0xC80  }
0x33f: {  	[sflag:s16] =	ssyncset.done $0x0  }
0x340: {  	[sflag:s16] =	ssyncadd.s32 $0xFFFFF380  }
0x341: {  	_ =	swait.ge [sflag:s16], $0xC80  }
0x342: {  	[sflag:s16] =	ssyncset.done $0x0  }
0x343: {  	[sflag:s16] =	ssyncadd.s32 $0xFFFFF380  }
0x344: {  	_ =	swait.ge [sflag:s16], $0xC80  }
0x345: {  	[sflag:s16] =	ssyncset.done $0x0  }
0x346: {  	[sflag:s16] =	ssyncadd.s32 $0xFFFFF380  }
0x347: {  	_ =	swait.ge [sflag:s16], $0xC80  }
0x348: {  	[sflag:s16] =	ssyncset.done $0x0  }
0x349: {  	[sflag:s16] =	ssyncadd.s32 $0xFFFFF380  }
0x34a: {  	_ =	swait.ge [sflag:s16], $0xC80  }
0x34b: {  	[sflag:s16] =	ssyncset.done $0x0  }
0x34c: {  	[sflag:s16] =	ssyncadd.s32 $0xFFFFF380  }
0x34d: {  	_ =	swait.ge [sflag:s16], $0xC80  }
0x34e: {  	[sflag:s16] =	ssyncset.done $0x0  }
0x34f: {  	s17 =	sadd.s32 $0x1, s17;
	[sflag:s16] =	ssyncadd.s32 $0xFFFFF380  }
0x350: {  	p0 =	sne.s32 s17, $0x10;
	_ =	swait.ge [sflag:s16], $0xC80  }
.Ltmp1:
0x351: {  	[sflag:s16] =	ssyncset.done $0x0;
	(pc) =	sbr.rel @p0 .LBB2_2-.Ltmp1, $4  }
0x352: {  	[sflag:s16] =	ssyncadd.s32 $0xFFFFF380  }
0x353: {  	_ =	swait.ge [sflag:s16], $0xC80  }
0x354: {  	[sflag:s16] =	ssyncset.done $0x0  }
0x355: {  	[sflag:s16] =	ssyncadd.s32 $0xFFFFF380  }
0x356: {  	s18 =	rddreg [dreg:$0x7]  }
0x357: {  	s17 =	rddreg [dreg:$0x6];
	s18 =	sadd.s32 $0x1, s18  }
0x358: {  	p0 =	sne.s32 s18, s17  }
.Ltmp2:
0x359: {  	_ = 	snop;
	(pc) =	sbr.rel @p0 .LBB2_1-.Ltmp2, $1  }
0x35a: {  	_ =	sdelay $0x3  }
0x35b: {  	_ =	sfence.sel $0x180000  }
0x35c: {  	[bflag:$0x0] =	sbarrier.arrive $0xFFFF  }
0x35d: {  	_ =	strace $0x9000004A  }
0x35e: {  	s0 =	stileid.u32;
	[bflag:$0x2] =	sbarrier.arrive $0xFFFF  }
0x35f: {  	p0 =	sne.s32 s0, $0x0;
	s0 =	rddreg [dreg:$0x4]  }
0x360: {  	s0 =	sadd.s32 @!p0 $0x100000, s0  }
0x361: {  	[sflag:s0] =	ssyncadd.tile.s32 @!p0 $0x1;
	_ =	shalt  }
.Lfunc_end2:
_tile_overlayer_lowered:
.L_overlay_start_2:
0x362: {  	(tag) =	ssettag $0x2  }
0x363: {  	s0 =	rddreg [dreg:$0x0];
	s2 =	stileid.u32  }
0x364: {  	s1 =	rddreg [dreg:$0x1];
	p0 =	sne.s32 s2, $0x0  }
0x365: {  	s3 =	rddreg [dreg:$0x2];
	[bflag:$0x3] =	sbarrier.arrive $0xFFFF;
	s2 =	simm.s32 @!p0 $0x1C05  }
0x366: {  	[timem:s3], [sflag:s2] =	dma.local @!p0 [hbm:s0], s1  }
0x367: {  	s0 =	simm.s32 @!p0 $0x5  }
0x368: {  	_ =	swait.ge @!p0 [sflag:s0], s1  }
0x369: {  	s1 =	ssub.s32 @!p0 $0x0, s1;
	[sflag:s0] =	ssyncset.done @!p0 $0x0  }
0x36a: {  	[sflag:s0] =	ssyncadd.s32 @!p0 s1  }
0x36b: {  	[bflag:$0x3] =	sbarrier.arrive $0xFFFF  }
0x36c: {  	_ =	shalt  }

// kernel: sparse-core-data-format-call.1.cloned.1.call-start
scs
called_computation.1_lowered:
.L_overlay_start_0:
0x0: {  	s1 =	sld [smem:$0x3FD9]  }
0x1: {  	s2 =	sld [smem:$0x3FFE];
	_ =	sdelay $0x1  }
0x2: {  	s3 =	srdreg.scid  }
0x3: {  	s0 =	sand.u32 $0x1, s3  }
0x4: {  	s17 =	sshll.u32 s0, $0xA;
	s1 =	sadd.s32 s2, s1  }
0x5: {  	s1 =	sadd.s32 s1, s17  }
0x6: {  	[smem:$0x3FC4] =	sst s1  }
0x7: {  	_ = 	snop  }
0x8: {  	(tm) =	ssettm $0x1  }
0x9: {  	s18 =	sld [smem:$0x3FFB];
	_ =	sdelay $0x3  }
0xa: {  	_ =	strace s18  }
0xb: {  	s1 =	sld [smem:$0x3FFC];
	_ =	sdelay $0x3  }
0xc: {  	_ =	strace s1  }
0xd: {  	s1 =	sld [smem:$0x3FFD];
	_ =	sdelay $0x3  }
0xe: {  	_ =	strace s1  }
0xf: {  	_ =	strace $0x8FFFFFFF  }
0x10: {  	s19 =	sld [smem:$0x3FDB];
	_ =	sdelay $0x1  }
0x11: {  	s20 =	simm.s32 $_scs_section_size  }
0x12: {  	s4 =	simm.s32 $_size__tile_overlayer_lowered;
	s5 =	simm.s32 $_tile_overlayer_lowered  }
0x13: {  	s23 =	simm.s32 $0x1BFF;
	s22 =	sshll.u32 s5, $0x1;
	s1 =	sadd.s32 s20, s19  }
0x14: {  	s6 =	simm.s32 $0x0;
	s21 =	sshll.u32 s4, $0x1;
	s4 =	sadd.s32 s22, s1  }
0x15: {  	[timem:s6], [sflag:s23] =	dma.local [hbm:s4], s21  }
0x16: {  	_ =	swait.ge [sflag:s23], s21  }
0x17: {  	s2 =	ssub.s32 $0x0, s21;
	[sflag:s23] =	ssyncset.done $0x0  }
0x18: {  	[sflag:s23] =	ssyncadd.s32 s2;
	_ =	sdelay $0x1  }
0x19: {  	s24 =	simm.s32 $0x1B8B  }
0x1a: {  	_ =	swait.ge [sflag:s24], $0x1  }
0x1b: {  	[sflag:s24] =	ssyncset.done $0x0  }
0x1c: {  	s26 =	simm.s32 $0x1B8E;
	s25 =	sld [smem:$0x3FFE];
	[sflag:s24] =	ssyncadd.s32 $0xFFFFFFFF  }
0x1d: {  	s27 =	simm.s32 $execute0_lowered;
	[smem:$0x3FD2] =	sst s26  }
0x1e: {  	s4 =	sshll.u32 s27, $0x1;
	_ =	strace $0x80000046;
	[dreg:$0x1] =	wrdreg $0xFFFFFFFF  }
0x1f: {  	s28 =	simm.s32 $_size_execute0_lowered;
	s1 =	sadd.s32 s1, s4;
	[dreg:$0x0] =	wrdreg $0x0  }
0x20: {  	s4 =	sshll.u32 s28, $0x1;
	[dreg:$0x2] =	wrdreg s1  }
0x21: {  	[dreg:$0x3] =	wrdreg s4  }
0x22: {  	[dreg:$0x4] =	wrdreg $0xC0  }
0x23: {  	_ =	task [dreg:s6], $0x5FFFF  }
0x24: {  	[dreg:$0x1] =	wrdreg $0xFFFFFFFF  }
0x25: {  	[dreg:$0x0] =	wrdreg $0x60  }
0x26: {  	[dreg:$0x2] =	wrdreg s25  }
0x27: {  	[dreg:$0x3] =	wrdreg $0x9  }
0x28: {  	_ =	task.clear_ibuf [dreg:s6], $0x4FFFF;
	_ =	strace $0x90000046  }
0x29: {  	s29 =	simm.s32 $0x9;
	_ =	strace $0x80000048  }
0x2a: {  	_ =	swait.ge [sflag:s29], $0x1  }
0x2b: {  	[sflag:s29] =	ssyncadd.s32 $0xFFFFFFFF  }
0x2c: {  	_ =	strace $0x90000048  }
0x2d: {  	_ =	sfence  }
0x2e: {  	s30 =	sld [smem:$0x0];
	_ =	sdelay $0x2  }
0x2f: {  	s31 =	sshll.u32 s3, $0xD;
	s3 =	sshrl.u32 s3, $0x2  }
0x30: {  	s2 =	sand.u32 $0x4000, s31;
	s1 =	sadd.s32 s3, s30  }
0x31: {  	s0 =	sor.u32 s2, s0;
	s1 =	sshll.u32 s1, $0x11  }
0x32: {  	s0 =	sor.u32 s1, s0  }
0x33: {  	s0 =	sadd.s32 $0x8F2B, s0  }
0x34: {  	[sflag:s0] =	ssyncadd.remote.s32 $0x1  }
0x35: {  	_ =	sfence.sel $0xFFFF  }
0x36: {  	[dreg:$0x0] =	wrdreg $0xFFFFFFFF;
	(pc) =	sbr.abs _section_cstart, $3  }
0x37: {  	[dreg:$0x1] =	wrdreg $0xFFFFFFFF  }
0x38: {  	_ =	task.clear_ibuf [dreg:s6], $0x2FFFF;
	_ =	strace $0x9FFFFFFF  }
0x39: {  	(tm) =	ssettm $0x7FFFFFFF  }
tec
execute0_lowered:
.L_overlay_start_1:
0x0: {  	(tag) =	ssettag $0x1  }
0x1: {  	s0 =	srdreg.scid  }
0x2: {  	s4 =	rddreg [dreg:$0x0];
	s1 =	stileid.u32  }
0x3: {  	s5 =	simm.s32 $0x1;
	s7 =	simm.s32 $0x2;
	s0 =	sshll.u32 s0, $0x4  }
0x4: {  	s8 =	simm.s32 $0x0;
	s12 =	simm.s32 $0x0;
	s2 =	sand.u32 $0x10, s0  }
.Ltmp0:
0x5: {  	s10 =	simm.s32 $0x0;
	s3 =	sor.u32 s1, s2;
	(pc) =	sbr.rel .LBB1_1-.Ltmp0, $4  }
0x6: {  	s11 =	simm.s32 $0x0;
	s0 =	rddreg [dreg:$0x1];
	s3 =	sshll.u32 s3, $0x3  }
0x7: {  	_ =	strace $0x80000047;
	s2 =	sadd.s32 $0xE00, s4;
	s6 =	ssub.s32 $0x3D08, s3  }
0x8: {  	s4 =	sadd.s32 $0x1E9400, s4;
	[sflag:s5] =	ssyncpa.u1 $0x0;
	s6 =	sshrl.u32 s6, $0x8  }
0x9: {  	[sflag:s7] =	ssyncpa.u1 $0x0;
	s9 =	smov.u32 s3;
	s7 =	sor.u32 $0x2, s6  }
.LBB1_9:
0xa: {  	s14 =	sshll.u32 s10, $0x7  }
0xb: {  	s14 =	sadd.s32 s4, s14  }
0xc: {  	[hbm4b:s14+s8] =	stream.linear.scatter [tilespmem:s15], [sflag:$0x2], s13, $0x38;
	[tilespmem:$0x8000] =	vst v63  }
.LBB1_10:
0xd: {  	p0 =	slt.u32 s11, $0x2  }
0xe: {  	p1 =	sgt.s32 @!p0 s12, $0x3D01  }
0xf: {  	s13 =	smov.u32 s12;
	s14 =	sshra.s32 @!p0 s12, $0x1F;
	p1 =	por !p1, p0  }
0x10: {  	s12 =	sand.u32 @!p0 s14, s12;
	s13 =	simm.s32 @p1 $0x3D01  }
0x11: {  	s12 =	ssub.s32 @!p0 s13, s12  }
0x12: {  	s12 =	sadd.s32 @!p0 $0xFFFFC2FF, s12  }
0x13: {  	s13 =	sshll.u32 @!p0 s12, $0xC  }
0x14: {  	p1 =	sgt.s32 @!p0 s12, $0x7;
	s12 =	ssub.s32 @!p0 $0x8000, s13  }
0x15: {  	s14 =	sadd.s32 $0x100, s9;
	p1 =	por !p1, p0;
	s12 =	sshrl.u32 @!p0 s12, $0x2  }
0x16: {  	s12 =	simm.s32 @!p1 $0x0;
	p1 =	sgt.s32 s14, $0x3D08  }
0x17: {  	s14 =	smov.u32 @p1 s3;
	p1 =	sne.s32 s11, s7  }
.Ltmp1:
0x18: {  	_ = 	snop;
	(pc) =	sbr.rel @!p1 .LBB1_11-.Ltmp1, $4  }
0x19: {  	s13 =	simm.s32 @!p0 $0x2  }
0x1a: {  	_ =	swait.ge @!p0 [sflag:s13], s12;
	s15 =	ssub.s32 @!p0 $0x0, s12  }
0x1b: {  	s12 =	smov.u32 s10;
	s11 =	sadd.s32 $0x1, s11;
	[sflag:s13] =	ssyncset.done @!p0 $0x0  }
0x1c: {  	s10 =	smov.u32 s9;
	s9 =	smov.u32 s14;
	[sflag:s13] =	ssyncadd.s32 @!p0 s15  }
.LBB1_1:
0x1d: {  	p0 =	sgt.u32 s11, s6  }
0x1e: {  	p1 =	sgt.s32 @!p0 s9, $0x3D01  }
0x1f: {  	s13 =	smov.u32 s9;
	s14 =	sshra.s32 @!p0 s9, $0x1F;
	p1 =	por !p1, p0  }
0x20: {  	s14 =	sand.u32 @!p0 s14, s9;
	s13 =	simm.s32 @p1 $0x3D01  }
0x21: {  	s13 =	ssub.s32 @!p0 s13, s14  }
0x22: {  	s13 =	sadd.s32 @!p0 $0xFFFFC2FF, s13  }
0x23: {  	s15 =	sshll.u32 @!p0 s9, $0x7;
	s16 =	simm.s32 @!p0 $0x0;
	s14 =	sshll.u32 @!p0 s13, $0xC  }
0x24: {  	p1 =	sgt.s32 @!p0 s13, $0x7;
	s13 =	ssub.s32 @!p0 $0x8000, s14;
	s14 =	sxor.u32 @!p0 $0xFFFFFFFF, s11  }
0x25: {  	p1 =	por !p1, p0;
	s13 =	sshrl.u32 @!p0 s13, $0x2;
	s14 =	sshll.u32 @!p0 s14, $0xD  }
0x26: {  	s15 =	sadd.s32 @!p0 s2, s15;
	s13 =	simm.s32 @!p1 $0x0;
	s14 =	sand.u32 @!p0 $0x2000, s14  }
0x27: {  	[tilespmem:s14], [sflag:$0x1] =	stream.linear.gather @!p0 [hbm4b:s15+s16], s13, $0x38;
	[tilespmem:$0x8000] =	vst v63  }
0x28: {  	p0 =	seq.s32 s11, $0x0  }
0x29: {  	p1 =	sge.u32 @!p0 s11, s7  }
0x2a: {  	p0 =	por p0, p1  }
.Ltmp2:
0x2b: {  	_ = 	snop;
	(pc) =	sbr.rel @p0 .LBB1_10-.Ltmp2, $1  }
0x2c: {  	_ =	sdelay $0x3  }
0x2d: {  	p0 =	sgt.s32 s10, $0x3D01;
	s13 =	smov.u32 s10;
	s14 =	sshra.s32 s10, $0x1F  }
0x2e: {  	s13 =	simm.s32 @!p0 $0x3D01;
	s14 =	sand.u32 s14, s10  }
0x2f: {  	s13 =	ssub.s32 s13, s14  }
0x30: {  	s13 =	sadd.s32 $0xFFFFC2FF, s13  }
0x31: {  	s31 =	sshll.u32 s13, $0xC  }
0x32: {  	s14 =	ssub.s32 $0x8000, s31  }
0x33: {  	p0 =	sgt.s32 s13, $0x7;
	s13 =	sshrl.u32 s14, $0x2;
	s14 =	sadd.s32 $0x8, s10  }
0x34: {  	s13 =	simm.s32 @p0 $0x0;
	p0 =	slt.s32 s14, $0x3D09  }
0x35: {  	s14 =	simm.s32 @!p0 $0x3D09  }
0x36: {  	s14 =	ssub.s32 s14, s10  }
0x37: {  	p0 =	slt.s32 s14, $0x1  }
.Ltmp3:
0x38: {  	_ = 	snop;
	(pc) =	sbr.rel @p0 .LBB1_9-.Ltmp3, $4  }
0x39: {  	s16 =	sshll.u32 s11, $0xF  }
0x3a: {  	s16 =	sand.u32 $0x8000, s16;
	_ =	swait.ge [sflag:s5], s13  }
0x3b: {  	s16 =	sshrl.u32 s16, $0x2;
	s15 =	ssub.s32 $0x0, s13;
	[sflag:s5] =	ssyncset.done $0x0  }
0x3c: {  	[sflag:s5] =	ssyncadd.s32 s15;
	s15 =	sor.u32 $0x4000, s16  }
0x3d: {  	s17 =	simm.s32 $0x0  }
.LBB1_4:
0x3e: {  	s18 =	sshll.u32 s17, $0xC  }
0x3f: {  	s18 =	sshra.s32 s18, $0x2  }
0x40: {  	s19 =	sadd.s32 s18, s16  }
0x41: {  	s20 =	sadd.s32 $0x100, s19;
	v0 =	vmov s19  }
0x42: {  	s21 =	sadd.s32 $0x200, s19;
	v1 =	vmov s20  }
0x43: {  	s22 =	sadd.s32 $0x300, s19;
	v2 =	vmov s21  }
0x44: {  	p1 =	por $0x1, $0x1;
	s18 =	sadd.s32 s18, s15;
	v3 =	vmov s22;
	s20 =	simm.s32 $0x0  }
.LBB1_5:
0x45: {  	s19 =	sshll.u32 s20, $0x7  }
0x46: {  	s21 =	sand.u32 $0x3FFFFF80, s19  }
0x47: {  	p0 =	por p1, p1;
	s21 =	sadd.s32 s21, s18  }
0x48: {  	s22 =	sadd.s32 $0x80, s21;
	s23 =	sadd.s32 $0x100, s21;
	s24 =	sadd.s32 $0x180, s21;
	v4 =	vmov s21  }
0x49: {  	s20 =	sshll.u32 s20, $0x5;
	p1 =	por $0x1, $0x1;
	s21 =	simm.s32 $0x0;
	v5 =	vmov s22;
	v6 =	vmov s23;
	v7 =	vmov s24  }
.LBB1_6:
0x4a: {  	s22 =	sor.u32 s20, s21  }
0x4b: {  	v8 =	vld.idx.msk [tilespmem:v0+s22+$0x0 ss:$0x1], $0xffff  }
0x4c: {  	v9 =	vld.idx.msk [tilespmem:v1+s22+$0x0 ss:$0x1], $0xffff  }
0x4d: {  	v10 =	vld.idx.msk [tilespmem:v2+s22+$0x0 ss:$0x1], $0xffff;
	_ =	sdelay $0x1  }
0x4e: {  	v13 =	vld.idx.msk [tilespmem:v3+s22+$0x0 ss:$0x1], $0xffff  }
0x4f: {  	v24 =	vld.idx.msk [tilespmem:v0+s22+$0x10 ss:$0x1], $0xffff;
	v11 =	vshrl.u32 v8, $0x10;
	v12 =	vshrl.u32 v8, $0x8;
	v14 =	vshrl.u32 v8, $0x18  }
0x50: {  	v38 =	vld.idx.msk [tilespmem:v1+s22+$0x10 ss:$0x1], $0xffff;
	v8 =	vand.u32 $0xFF, v8;
	v15 =	vshrl.u32 v9, $0x10;
	v16 =	vshrl.u32 v9, $0x8  }
0x51: {  	v43 =	vld.idx.msk [tilespmem:v2+s22+$0x10 ss:$0x1], $0xffff;
	v17 =	vshrl.u32 v9, $0x18;
	v9 =	vand.u32 $0xFF, v9;
	v18 =	vshrl.u32 v10, $0x10  }
0x52: {  	v46 =	vld.idx.msk [tilespmem:v3+s22+$0x10 ss:$0x1], $0xffff;
	v19 =	vshrl.u32 v10, $0x8;
	v20 =	vshrl.u32 v10, $0x18;
	v10 =	vand.u32 $0xFF, v10  }
0x53: {  	v21 =	vshrl.u32 v13, $0x18;
	v22 =	vshrl.u32 v13, $0x10;
	v23 =	vshrl.u32 v13, $0x8  }
0x54: {  	v13 =	vand.u32 $0xFF, v13;
	v44 =	vshrl.u32 v24, $0x10;
	v45 =	vshrl.u32 v24, $0x8  }
0x55: {  	v47 =	vshrl.u32 v24, $0x18;
	v48 =	vand.u32 $0xFF, v24;
	v49 =	vshrl.u32 v38, $0x10  }
0x56: {  	v50 =	vshrl.u32 v38, $0x8;
	v51 =	vshrl.u32 v38, $0x18;
	v52 =	vshrl.u32 v43, $0x10  }
0x57: {  	v53 =	vshrl.u32 v43, $0x8;
	v54 =	vshrl.u32 v43, $0x18;
	v25 =	vshrl.u32 v46, $0x10  }
0x58: {  	v26 =	vand.u32 $0xFF, v46;
	v55 =	vshrl.u32 v46, $0x8;
	v11 =	vand.u32 $0xFF, v11  }
0x59: {  	v12 =	vand.u32 $0xFF, v12;
	v15 =	vand.u32 $0xFF, v15;
	v16 =	vand.u32 $0xFF, v16  }
0x5a: {  	v18 =	vand.u32 $0xFF, v18;
	v19 =	vand.u32 $0xFF, v19;
	v22 =	vand.u32 $0xFF, v22  }
0x5b: {  	v23 =	vand.u32 $0xFF, v23;
	v8 =	vpack.i.b32.b16 v10, v8;
	v9 =	vpack.i.b32.b16 v13, v9  }
0x5c: {  	s23 =	sshll.u32 s21, $0x2;
	v41 =	vpack.i.b32.b16 v20, v14;
	v42 =	vpack.i.b32.b16 v21, v17;
	v13 =	vand.u32 $0xFF, v44  }
0x5d: {  	s21 =	sor.u32 $0x80, s23;
	v20 =	vand.u32 $0xFF, v50;
	v14 =	vand.u32 $0xFF, v43;
	v25 =	vand.u32 $0xFF, v25  }
0x5e: {  	s31 =	sor.u32 s19, s21;
	v62 =	vpack.i.b32.b16 v54, v47;
	v8 =	vpack.i.b16.b8 v9, v8;
	v36 =	vpack.i.b32.b16 v19, v12  }
0x5f: {  	s22 =	sshra.s32 s31, $0x2;
	v37 =	vpack.i.b32.b16 v23, v16;
	v39 =	vpack.i.b32.b16 v18, v11;
	v40 =	vpack.i.b32.b16 v22, v15  }
0x60: {  	v56 =	vld.idx.msk [tilespmem:v0+s22+$0x0 ss:$0x1], $0xffff;
	v11 =	vpack.i.b16.b8 v42, v41;
	v15 =	vand.u32 $0xFF, v45;
	v19 =	vand.u32 $0xFF, v49  }
0x61: {  	v59 =	vld.idx.msk [tilespmem:v1+s22+$0x0 ss:$0x1], $0xffff;
	v12 =	vand.u32 $0xFF, v38;
	v22 =	vand.u32 $0xFF, v52;
	v23 =	vand.u32 $0xFF, v53  }
0x62: {  	v61 =	vld.idx.msk [tilespmem:v2+s22+$0x0 ss:$0x1], $0xffff;
	v14 =	vpack.i.b32.b16 v14, v48;
	v16 =	vshrl.u32 v46, $0x18;
	v18 =	vand.u32 $0xFF, v55  }
0x63: {  	v63 =	vld.idx.msk [tilespmem:v3+s22+$0x0 ss:$0x1], $0xffff;
	v9 =	vpack.i.b16.b8 v37, v36;
	v10 =	vpack.i.b16.b8 v40, v39;
	v12 =	vpack.i.b32.b16 v26, v12  }
0x64: {  	v57 =	vpack.i.b32.b16 v23, v15;
	v58 =	vpack.i.b32.b16 v18, v20;
	v13 =	vpack.i.b32.b16 v22, v13  }
0x65: {  	v60 =	vpack.i.b32.b16 v25, v19;
	v16 =	vpack.i.b32.b16 v16, v51;
	v25 =	vshrl.u32 v56, $0x10  }
0x66: {  	v27 =	vshrl.u32 v56, $0x8;
	v28 =	vshrl.u32 v56, $0x18;
	v29 =	vand.u32 $0xFF, v56  }
0x67: {  	v30 =	vshrl.u32 v59, $0x18;
	v31 =	vshrl.u32 v59, $0x10;
	v32 =	vshrl.u32 v59, $0x8  }
0x68: {  	s23 =	sshra.s32 s23, $0x2;
	v33 =	vand.u32 $0xFF, v61;
	v18 =	vand.u32 $0xFF, v59;
	v34 =	vand.u32 $0xFF, v63  }
0x69: {  	v35 =	vshrl.u32 v61, $0x10;
	[tilespmem:v4+s23+$0x0 ss:$0x1] =	vst.idx.msk $0xffff, v8;
	v8 =	vshrl.u32 v61, $0x18;
	v19 =	vshrl.u32 v61, $0x8  }
0x6a: {  	v37 =	vshrl.u32 v63, $0x8;
	v39 =	vshrl.u32 v63, $0x10;
	v40 =	vshrl.u32 v63, $0x18  }
0x6b: {  	v12 =	vpack.i.b16.b8 v12, v14;
	v14 =	vpack.i.b16.b8 v58, v57;
	v13 =	vpack.i.b16.b8 v60, v13  }
0x6c: {  	v15 =	vpack.i.b16.b8 v16, v62;
	v16 =	vand.u32 $0xFF, v25;
	v20 =	vand.u32 $0xFF, v27  }
0x6d: {  	[tilespmem:v7+s23+$0x0 ss:$0x1] =	vst.idx.msk $0xffff, v11;
	v24 =	vand.u32 $0xFF, v31;
	v22 =	vpack.i.b32.b16 v33, v29;
	v25 =	vand.u32 $0xFF, v32  }
0x6e: {  	v43 =	vld.idx.msk [tilespmem:v2+s22+$0x10 ss:$0x1], $0xffff;
	v18 =	vpack.i.b32.b16 v34, v18;
	v26 =	vand.u32 $0xFF, v35;
	[tilespmem:v5+s23+$0x0 ss:$0x1] =	vst.idx.msk $0xffff, v9;
	v36 =	vand.u32 $0xFF, v19  }
0x6f: {  	v38 =	vld.idx.msk [tilespmem:v0+s22+$0x10 ss:$0x1], $0xffff;
	[tilespmem:v6+s23+$0x0 ss:$0x1] =	vst.idx.msk $0xffff, v10;
	v19 =	vand.u32 $0xFF, v37;
	v10 =	vand.u32 $0xFF, v39;
	v8 =	vpack.i.b32.b16 v8, v28  }
0x70: {  	v42 =	vld.idx.msk [tilespmem:v1+s22+$0x10 ss:$0x1], $0xffff;
	v11 =	vpack.i.b32.b16 v40, v30;
	v18 =	vpack.i.b16.b8 v18, v22;
	v9 =	vpack.i.b32.b16 v36, v20  }
0x71: {  	v41 =	vpack.i.b32.b16 v19, v25;
	v16 =	vpack.i.b32.b16 v26, v16;
	v10 =	vpack.i.b32.b16 v10, v24  }
0x72: {  	v46 =	vld.idx.msk [tilespmem:v3+s22+$0x10 ss:$0x1], $0xffff;
	v8 =	vpack.i.b16.b8 v11, v8;
	v9 =	vpack.i.b16.b8 v41, v9;
	v10 =	vpack.i.b16.b8 v10, v16  }
0x73: {  	v53 =	vshrl.u32 v43, $0x18;
	v54 =	vshrl.u32 v43, $0x8;
	v55 =	vshrl.u32 v43, $0x10  }
0x74: {  	[tilespmem:v4+s23+$0x10 ss:$0x1] =	vst.idx.msk $0xffff, v12;
	v16 =	vand.u32 $0xFF, v43;
	v44 =	vshrl.u32 v38, $0x10;
	v45 =	vshrl.u32 v38, $0x8  }
0x75: {  	[tilespmem:v5+s23+$0x10 ss:$0x1] =	vst.idx.msk $0xffff, v14;
	v47 =	vshrl.u32 v38, $0x18;
	v48 =	vand.u32 $0xFF, v38;
	v49 =	vshrl.u32 v42, $0x10  }
0x76: {  	[tilespmem:v6+s23+$0x10 ss:$0x1] =	vst.idx.msk $0xffff, v13;
	v50 =	vshrl.u32 v42, $0x8;
	v51 =	vshrl.u32 v42, $0x18;
	v52 =	vand.u32 $0xFF, v42  }
0x77: {  	s21 =	sshrl.u32 s21, $0x2;
	[tilespmem:v7+s23+$0x10 ss:$0x1] =	vst.idx.msk $0xffff, v15;
	v22 =	vand.u32 $0xFF, v54;
	v56 =	vshrl.u32 v46, $0x10;
	v57 =	vshrl.u32 v46, $0x8  }
0x78: {  	[tilespmem:v5+s21+$0x0 ss:$0x1] =	vst.idx.msk $0xffff, v9;
	v58 =	vand.u32 $0xFF, v46;
	v9 =	vand.u32 $0xFF, v55;
	v11 =	vand.u32 $0xFF, v44  }
0x79: {  	[tilespmem:v4+s21+$0x0 ss:$0x1] =	vst.idx.msk $0xffff, v18;
	v12 =	vand.u32 $0xFF, v45;
	v20 =	vand.u32 $0xFF, v49;
	v21 =	vand.u32 $0xFF, v50  }
0x7a: {  	[tilespmem:v7+s21+$0x0 ss:$0x1] =	vst.idx.msk $0xffff, v8;
	v8 =	vand.u32 $0xFF, v57;
	v13 =	vpack.i.b32.b16 v16, v48;
	v59 =	vpack.i.b32.b16 v58, v52  }
0x7b: {  	p2 =	por p1, p1;
	[tilespmem:v6+s21+$0x0 ss:$0x1] =	vst.idx.msk $0xffff, v10;
	v10 =	vand.u32 $0xFF, v56;
	v12 =	vpack.i.b32.b16 v22, v12;
	v8 =	vpack.i.b32.b16 v8, v21  }
.Ltmp4:
0x7c: {  	v62 =	vpack.i.b32.b16 v53, v47;
	v13 =	vpack.i.b16.b8 v59, v13;
	v8 =	vpack.i.b16.b8 v8, v12;
	(pc) =	sbr.rel @p2 .LBB1_6-.Ltmp4, $4  }
0x7d: {  	v60 =	vshrl.u32 v46, $0x18;
	v61 =	vpack.i.b32.b16 v10, v20;
	[tilespmem:v5+s21+$0x10 ss:$0x1] =	vst.idx.msk $0xffff, v8;
	v8 =	vpack.i.b32.b16 v9, v11  }
0x7e: {  	v63 =	vpack.i.b32.b16 v60, v51;
	[tilespmem:v4+s21+$0x10 ss:$0x1] =	vst.idx.msk $0xffff, v13;
	v8 =	vpack.i.b16.b8 v61, v8  }
0x7f: {  	[tilespmem:v6+s21+$0x10 ss:$0x1] =	vst.idx.msk $0xffff, v8;
	v8 =	vpack.i.b16.b8 v63, v62  }
0x80: {  	p1 =	por $0x0, $0x0;
	[tilespmem:v7+s21+$0x10 ss:$0x1] =	vst.idx.msk $0xffff, v8;
	s21 =	simm.s32 $0x40  }
.Ltmp5:
0x81: {  	(pc) =	sbr.rel @p0 .LBB1_5-.Ltmp5, $2  }
0x82: {  	_ =	sdelay $0x2  }
0x83: {  	s20 =	simm.s32 $0x4;
	p1 =	por $0x0, $0x0  }
0x84: {  	s17 =	sadd.s32 $0x1, s17  }
0x85: {  	p0 =	sne.s32 s17, s14  }
.Ltmp6:
0x86: {  	_ = 	snop;
	(pc) =	sbr.rel @p0 .LBB1_4-.Ltmp6, $4  }
.Ltmp7:
0x87: {  	_ = 	snop;
	(pc) =	sbr.rel @!p0 .LBB1_9-.Ltmp7, $4  }
0x88: {  	_ = 	snop  }
0x89: {  	_ = 	snop  }
0x8a: {  	_ = 	snop  }
0x8b: {  	_ = 	snop  }
.LBB1_11:
0x8c: {  	_ =	sfence.sel $0x180000  }
0x8d: {  	s2 =	simm.s32 $0x1;
	[bflag:$0x0] =	sbarrier.arrive $0xFFFF  }
0x8e: {  	s31 =	simm.s32 $0x2;
	[sflag:s2] =	ssyncpa.u1 $0x1  }
0x8f: {  	[sflag:s31] =	ssyncpa.u1 $0x1  }
0x90: {  	p0 =	sne.s32 s1, $0x0;
	_ =	strace $0x90000047  }
0x91: {  	s0 =	sadd.s32 @!p0 $0x100000, s0;
	[bflag:$0x2] =	sbarrier.arrive $0xFFFF  }
0x92: {  	[sflag:s0] =	ssyncadd.tile.s32 @!p0 $0x1;
	_ =	shalt  }
.Lfunc_end1:
_tile_overlayer_lowered:
.L_overlay_start_2:
0x93: {  	(tag) =	ssettag $0x2  }
0x94: {  	s0 =	rddreg [dreg:$0x0];
	s2 =	stileid.u32  }
0x95: {  	s1 =	rddreg [dreg:$0x1];
	p0 =	sne.s32 s2, $0x0  }
0x96: {  	s3 =	rddreg [dreg:$0x2];
	[bflag:$0x3] =	sbarrier.arrive $0xFFFF;
	s2 =	simm.s32 @!p0 $0x1C01  }
0x97: {  	[timem:s3], [sflag:s2] =	dma.local @!p0 [hbm:s0], s1  }
0x98: {  	s0 =	simm.s32 @!p0 $0x1  }
0x99: {  	_ =	swait.ge @!p0 [sflag:s0], s1  }
0x9a: {  	s1 =	ssub.s32 @!p0 $0x0, s1;
	[sflag:s0] =	ssyncset.done @!p0 $0x0  }
0x9b: {  	[sflag:s0] =	ssyncadd.s32 @!p0 s1  }
0x9c: {  	[bflag:$0x3] =	sbarrier.arrive $0xFFFF  }
0x9d: {  	_ =	shalt  }

// kernel: sparse-core-data-format-call.cloned.1.call-start
scs
called_computation_lowered:
.L_overlay_start_0:
0x0: {  	s2 =	sld [smem:$0x3FD9]  }
0x1: {  	s3 =	sld [smem:$0x3FFE];
	_ =	sdelay $0x1  }
0x2: {  	s1 =	srdreg.scid  }
0x3: {  	s0 =	sand.u32 $0x1, s1  }
0x4: {  	s18 =	sshll.u32 s0, $0xA;
	s2 =	sadd.s32 s3, s2  }
0x5: {  	s2 =	sadd.s32 s2, s18  }
0x6: {  	[smem:$0x3FC4] =	sst s2  }
0x7: {  	_ = 	snop  }
0x8: {  	s2 =	sld [smem:$0x3FD0];
	(tm) =	ssettm $0x1  }
0x9: {  	s19 =	sld [smem:$0x3FFB];
	_ =	sdelay $0x3  }
0xa: {  	_ =	strace s19  }
0xb: {  	s3 =	sld [smem:$0x3FFC];
	_ =	sdelay $0x3  }
0xc: {  	_ =	strace s3  }
0xd: {  	s3 =	sld [smem:$0x3FFD];
	_ =	sdelay $0x3  }
0xe: {  	_ =	strace s3  }
0xf: {  	_ =	strace $0x8FFFFFFF  }
0x10: {  	s20 =	sld [smem:$0x3FDB];
	_ =	sdelay $0x1  }
0x11: {  	s4 =	simm.s32 $_scs_section_size  }
0x12: {  	s5 =	simm.s32 $_size__tile_overlayer_lowered;
	s6 =	simm.s32 $_tile_overlayer_lowered  }
0x13: {  	s23 =	simm.s32 $0x1BFF;
	s22 =	sshll.u32 s6, $0x1;
	s3 =	sadd.s32 s4, s20  }
0x14: {  	s7 =	simm.s32 $0x0;
	s21 =	sshll.u32 s5, $0x1;
	s5 =	sadd.s32 s22, s3  }
0x15: {  	[timem:s7], [sflag:s23] =	dma.local [hbm:s5], s21  }
0x16: {  	_ =	swait.ge [sflag:s23], s21  }
0x17: {  	s4 =	ssub.s32 $0x0, s21;
	[sflag:s23] =	ssyncset.done $0x0  }
0x18: {  	[sflag:s23] =	ssyncadd.s32 s4;
	_ =	sdelay $0x1  }
0x19: {  	s24 =	simm.s32 $0x1B8B  }
0x1a: {  	_ =	swait.ge [sflag:s24], $0x1  }
0x1b: {  	[sflag:s24] =	ssyncset.done $0x0  }
0x1c: {  	s26 =	simm.s32 $0x1B8E;
	s25 =	sld [smem:$0x3FFE];
	[sflag:s24] =	ssyncadd.s32 $0xFFFFFFFF  }
0x1d: {  	s27 =	simm.s32 $execute0_lowered;
	[smem:$0x3FD2] =	sst s26  }
0x1e: {  	s5 =	sshll.u32 s27, $0x1;
	_ =	strace $0x8000004C;
	[dreg:$0x1] =	wrdreg $0xFFFFFFFF  }
0x1f: {  	s28 =	simm.s32 $_size_execute0_lowered;
	s3 =	sadd.s32 s3, s5;
	[dreg:$0x0] =	wrdreg $0x0  }
0x20: {  	s5 =	sshll.u32 s28, $0x1;
	[dreg:$0x2] =	wrdreg s3  }
0x21: {  	[dreg:$0x3] =	wrdreg s5  }
0x22: {  	[dreg:$0x4] =	wrdreg $0xC0  }
0x23: {  	_ =	task [dreg:s7], $0x5FFFF  }
0x24: {  	[dreg:$0x1] =	wrdreg $0xFFFFFFFF  }
0x25: {  	[dreg:$0x0] =	wrdreg $0x60  }
0x26: {  	[dreg:$0x2] =	wrdreg s25  }
0x27: {  	[dreg:$0x3] =	wrdreg s2  }
0x28: {  	[dreg:$0x4] =	wrdreg $0x9  }
0x29: {  	_ =	task.clear_ibuf [dreg:s7], $0x5FFFF;
	_ =	strace $0x9000004C  }
0x2a: {  	s29 =	simm.s32 $0x9;
	_ =	strace $0x8000004E  }
0x2b: {  	_ =	swait.ge [sflag:s29], $0x1  }
0x2c: {  	[sflag:s29] =	ssyncadd.s32 $0xFFFFFFFF  }
0x2d: {  	_ =	strace $0x9000004E  }
0x2e: {  	_ =	sfence  }
0x2f: {  	s30 =	sld [smem:$0x0];
	_ =	sdelay $0x2  }
0x30: {  	s31 =	sshll.u32 s1, $0xD;
	s1 =	sshrl.u32 s1, $0x2  }
0x31: {  	s3 =	sand.u32 $0x4000, s31;
	s1 =	sadd.s32 s1, s30  }
0x32: {  	s0 =	sor.u32 s3, s0;
	s1 =	sshll.u32 s1, $0x11  }
0x33: {  	s0 =	sor.u32 s1, s0  }
0x34: {  	s0 =	sadd.s32 $0x8F2B, s0  }
0x35: {  	[sflag:s0] =	ssyncadd.remote.s32 $0x1  }
0x36: {  	_ =	sfence.sel $0xFFFF  }
0x37: {  	[dreg:$0x0] =	wrdreg $0xFFFFFFFF;
	(pc) =	sbr.abs _section_cstart, $3  }
0x38: {  	[dreg:$0x1] =	wrdreg $0xFFFFFFFF  }
0x39: {  	_ =	task.clear_ibuf [dreg:s7], $0x2FFFF;
	_ =	strace $0x9FFFFFFF  }
0x3a: {  	(tm) =	ssettm $0x7FFFFFFF  }
0x3b: {  	_ =	shalt  }
tec
execute0_lowered:
.L_overlay_start_1:
0x0: {  	(tag) =	ssettag $0x1  }
0x1: {  	s0 =	srdreg.scid  }
0x2: {  	s1 =	sshll.u32 s0, $0x4  }
0x3: {  	s0 =	stileid.u32;
	s1 =	sand.u32 $0x10, s1  }
0x4: {  	s1 =	sor.u32 s0, s1  }
0x5: {  	s6 =	rddreg [dreg:$0x0];
	s4 =	simm.s32 $0x1;
	s2 =	sshll.u32 s1, $0x7  }
0x6: {  	s7 =	simm.s32 $0x2;
	s12 =	simm.s32 $0x0;
	s1 =	ssub.s32 $0x1000, s2  }
0x7: {  	s8 =	simm.s32 $0x8000;
	s13 =	simm.s32 $0x0;
	s3 =	sand.u32 $0xF80, s1  }
0x8: {  	s9 =	simm.s32 $0x0;
	s5 =	sshrl.u32 s1, $0xC;
	p0 =	sne.s32 s3, $0x0  }
.Ltmp0:
0x9: {  	s1 =	rddreg [dreg:$0x2];
	s4 =	simm.s32 @!p0 $0x0;
	(pc) =	sbr.rel .LBB1_1-.Ltmp0, $4  }
0xa: {  	s11 =	simm.s32 $0x0;
	s3 =	rddreg [dreg:$0x1];
	s5 =	sadd.s32 s4, s5  }
0xb: {  	_ =	strace $0x8000004D;
	s4 =	simm.s32 $0x1;
	s5 =	smul.u32 $0x32, s5  }
0xc: {  	s6 =	sadd.s32 $0xE00, s6;
	s10 =	smov.u32 s2;
	[sflag:s4] =	ssyncpa.u1 $0x0  }
0xd: {  	p0 =	por $0x0, $0x0;
	[sflag:s7] =	ssyncpa.u1 $0x0;
	s7 =	sor.u32 $0x1, s5  }
.LBB1_4:
0xe: {  	s16 =	sshll.u32 s13, $0x3;
	s17 =	sand.u32 $0x78, s13  }
0xf: {  	s30 =	sand.u32 $0x7E00, s13;
	s12 =	sshll.u32 s12, $0xF;
	s16 =	sand.u32 $0xC00, s16  }
0x10: {  	[tilespmem:s15+$0x810 ss:$0x81] =	vst.msk $0xffff, v2;
	s31 =	sand.u32 $0x7, s13;
	s16 =	sor.u32 s17, s16;
	s17 =	sadd.s32 s3, s30  }
0x11: {  	[tilespmem:s15+$0x1020 ss:$0x81] =	vst.msk $0xffff, v0;
	s13 =	sshll.u32 s31, $0x12;
	s12 =	sadd.s32 s12, s17;
	s16 =	sshrl.u32 s16, $0x3  }
0x12: {  	[tilespmem:s15+$0x0 ss:$0x81] =	vst.msk $0xffff, v1;
	s13 =	sor.u32 $0x400, s13;
	s12 =	sadd.s32 s16, s12  }
0x13: {  	[hbm4b:s12+s13] =	stream.strided.scatter [tilespmem:s14], [sflag:$0x2], $0x2000, s8, s13, $0x20;
	[tilespmem:$0x8080] =	vst v63  }
.LBB1_5:
0x14: {  	s14 =	sadd.s32 $0x1, s9  }
0x15: {  	s12 =	sadd.s32 $0x1000, s10;
	s16 =	smov.u32 s10;
	p2 =	sgt.s32 s14, $0x31  }
0x16: {  	s16 =	smov.u32 @p2 s12  }
0x17: {  	s14 =	simm.s32 @p2 $0x0;
	p2 =	sgt.s32 s16, $0xFFF  }
0x18: {  	s16 =	smov.u32 @p2 s2;
	p2 =	sne.s32 s11, s7  }
.Ltmp1:
0x19: {  	p1 =	slt.u32 s11, $0x2;
	(pc) =	sbr.rel @!p2 .LBB1_6-.Ltmp1, $4  }
0x1a: {  	s15 =	simm.s32 @!p1 $0x2  }
0x1b: {  	s13 =	smov.u32 s10;
	p0 =	por !p0, !p0;
	_ =	swait.ge @!p1 [sflag:s15], $0x2000  }
0x1c: {  	s12 =	smov.u32 s9;
	[sflag:s15] =	ssyncset.done @!p1 $0x0;
	s9 =	smov.u32 s14  }
0x1d: {  	s11 =	sadd.s32 $0x1, s11;
	[sflag:s15] =	ssyncadd.s32 @!p1 $0xFFFFE000;
	s10 =	smov.u32 s16  }
.LBB1_1:
0x1e: {  	p1 =	sge.u32 s11, s5  }
0x1f: {  	s14 =	sand.u32 @!p1 $0x1FFFFFF, s9  }
0x20: {  	s15 =	smulhi.u32 @!p1 $0x4924925, s14;
	_ =	sdelay $0x1  }
0x21: {  	s15 =	smul.u32 @!p1 $0x38, s15  }
0x22: {  	s16 =	sxor.u32 @!p1 $0xFFFFFFFF, s11;
	s17 =	smul.u32 @!p1 $0x380, s10  }
0x23: {  	s31 =	sadd.s32 $0xFFFFFFFF, s11;
	s16 =	sshll.u32 @!p1 s16, $0xD;
	s14 =	ssub.s32 @!p1 s14, s15  }
0x24: {  	s15 =	sand.u32 @!p1 $0x2000, s16;
	s16 =	sadd.s32 @!p1 s6, s17;
	s14 =	sshll.u32 @!p1 s14, $0x4  }
0x25: {  	s17 =	simm.s32 @!p1 $0x1C00;
	s14 =	sadd.s32 @!p1 s14, s16;
	s16 =	simm.s32 @!p1 $0x40  }
0x26: {  	[tilespmem:s15], [sflag:$0x1] =	stream.strided.gather @!p1 [hbm4b:s14+s16], $0x2000, s17, s16, $0x38;
	[tilespmem:$0x8080] =	vst v63  }
0x27: {  	p1 =	sge.u32 s31, s5  }
.Ltmp2:
0x28: {  	_ = 	snop;
	(pc) =	sbr.rel @p1 .LBB1_5-.Ltmp2, $1  }
0x29: {  	_ =	sdelay $0x3  }
0x2a: {  	s14 =	simm.s32 $0x1  }
0x2b: {  	_ =	swait.ge [sflag:s4], $0x2000;
	s14 =	simm.s32 @!p0 $0x0  }
0x2c: {  	[sflag:s4] =	ssyncset.done $0x0;
	s15 =	sshll.u32 s14, $0xD  }
0x2d: {  	[sflag:s4] =	ssyncadd.s32 $0xFFFFE000;
	s18 =	sor.u32 $0x20, s15  }
0x2e: {  	s14 =	smul.u32 $0x8100, s14;
	v3 =	vld [tilespmem:s18+$0x10]  }
0x2f: {  	s30 =	sand.u32 $0x1, s11;
	v2 =	vld [tilespmem:s18+$0xFFFFFFF0]  }
0x30: {  	s15 =	smul.u32 $0x8100, s30;
	s14 =	sshrl.u32 s14, $0x2;
	v0 =	vld [tilespmem:s18+$0x0]  }
0x31: {  	v1 =	vld [tilespmem:s18+$0xFFFFFFE0];
	s16 =	sor.u32 $0x4000, s14  }
0x32: {  	s31 =	sshrl.u32 s15, $0x2;
	s15 =	sadd.s32 $0x0, s16  }
0x33: {  	s17 =	simm.s32 $0x4;
	s18 =	sadd.s32 $0x40, s18;
	s14 =	sor.u32 $0x4000, s31;
	[tilespmem:s15+$0x1830 ss:$0x81] =	vst.msk $0xffff, v3  }
.LBB1_3:
0x34: {  	v3 =	vld [tilespmem:s18+$0x10];
	p1 =	sne.s32 s17, $0x1FC;
	[tilespmem:s15+$0x810 ss:$0x81] =	vst.msk $0xffff, v2;
	s19 =	smov.u32 s17;
	s17 =	sadd.s32 $0x4, s17  }
.Ltmp3:
0x35: {  	v2 =	vld [tilespmem:s18+$0xFFFFFFF0];
	[tilespmem:s15+$0x1020 ss:$0x81] =	vst.msk $0xffff, v0;
	(pc) =	sbr.rel @p1 .LBB1_3-.Ltmp3, $4  }
0x36: {  	v0 =	vld [tilespmem:s18+$0x0];
	[tilespmem:s15+$0x0 ss:$0x81] =	vst.msk $0xffff, v1  }
0x37: {  	s15 =	sshra.s32 s19, $0x2;
	v1 =	vld [tilespmem:s18+$0xFFFFFFE0]  }
0x38: {  	s15 =	sadd.s32 s15, s16  }
0x39: {  	s18 =	sadd.s32 $0x40, s18;
	[tilespmem:s15+$0x1830 ss:$0x81] =	vst.msk $0xffff, v3  }
.Ltmp4:
0x3a: {  	_ = 	snop;
	(pc) =	sbr.rel .LBB1_4-.Ltmp4, $1  }
0x3b: {  	_ =	sdelay $0x3  }
.LBB1_6:
0x3c: {  	_ =	sfence.sel $0x180000  }
0x3d: {  	s2 =	simm.s32 $0x1;
	[bflag:$0x0] =	sbarrier.arrive $0xFFFF  }
0x3e: {  	s31 =	simm.s32 $0x2;
	[sflag:s2] =	ssyncpa.u1 $0x1  }
0x3f: {  	[sflag:s31] =	ssyncpa.u1 $0x1  }
0x40: {  	p0 =	sne.s32 s0, $0x0;
	_ =	strace $0x9000004D  }
0x41: {  	s0 =	sadd.s32 @!p0 $0x100000, s1;
	[bflag:$0x2] =	sbarrier.arrive $0xFFFF  }
0x42: {  	[sflag:s0] =	ssyncadd.tile.s32 @!p0 $0x1;
	_ =	shalt  }
.Lfunc_end1:
_tile_overlayer_lowered:
.L_overlay_start_2:
0x43: {  	(tag) =	ssettag $0x2  }
0x44: {  	s0 =	rddreg [dreg:$0x0];
	s2 =	stileid.u32  }
0x45: {  	s1 =	rddreg [dreg:$0x1];
	p0 =	sne.s32 s2, $0x0  }
0x46: {  	s3 =	rddreg [dreg:$0x2];
	[bflag:$0x3] =	sbarrier.arrive $0xFFFF;
	s2 =	simm.s32 @!p0 $0x1C01  }
0x47: {  	[timem:s3], [sflag:s2] =	dma.local @!p0 [hbm:s0], s1  }
0x48: {  	s0 =	simm.s32 @!p0 $0x1  }
0x49: {  	_ =	swait.ge @!p0 [sflag:s0], s1  }
0x4a: {  	s1 =	ssub.s32 @!p0 $0x0, s1;
	[sflag:s0] =	ssyncset.done @!p0 $0x0  }
0x4b: {  	[sflag:s0] =	ssyncadd.s32 @!p0 s1  }
0x4c: {  	[bflag:$0x3] =	sbarrier.arrive $0xFFFF  }
0x4d: {  	_ =	shalt  }

</sc_bundles>
